<compile_context>
chip_gen: v7x
topology: tpu7x:2x2x1
jax: 0.10.2.dev20260603
libtpu: 0.0.44.dev20260713+nightly
codegen_flags: <defaults>
</compile_context>

<pallas_src>
import functools

import jax
import jax.numpy as jnp
from jax import lax
from jax.experimental import pallas as pl
from jax.experimental.pallas import tpu as pltpu
from jax.experimental.pallas import tpu_sc as plsc

N_POINTS = 1048576
N_FACES = 1538

NUM_CORES = 2
NUM_SUBCORES = 16
NW = NUM_CORES * NUM_SUBCORES
PTS_PER_W = N_POINTS // NW
CHUNK = 4096
NBUF = 2
N_CHUNKS = PTS_PER_W // CHUNK
GROUPS = CHUNK // 16
FPAD = 1544

_mesh = plsc.VectorSubcoreMesh(
    core_axis_name="c", subcore_axis_name="s", num_cores=NUM_CORES
)


@functools.partial(
    pl.kernel,
    out_type=jax.ShapeDtypeStruct((2 * N_POINTS,), jnp.float32),
    mesh=_mesh,
    compiler_params=pltpu.CompilerParams(needs_layout_passes=False),
    scratch_types=[
        [pltpu.VMEM((FPAD,), jnp.float32) for _ in range(6)],
        [pltpu.VMEM((CHUNK,), jnp.int32) for _ in range(NBUF)],
        [pltpu.VMEM((3 * CHUNK,), jnp.float32) for _ in range(NBUF)],
        [pltpu.VMEM((2 * CHUNK,), jnp.float32) for _ in range(NBUF)],
        [pltpu.SemaphoreType.DMA for _ in range(NBUF)],
        [pltpu.SemaphoreType.DMA for _ in range(NBUF)],
        pltpu.SemaphoreType.DMA,
    ],
)
def _uv_kernel(
    table_hbm, fid_hbm, bary_hbm, out_hbm, table_v, fid_v, bary_v, uv_v,
    sem_in, sem_out, sem_tab,
):
    wid = lax.axis_index("s") * NUM_CORES + lax.axis_index("c")
    base0 = wid * PTS_PER_W
    t0_v, t1_v, t2_v, t3_v, t4_v, t5_v = table_v

    def start_in(ci, bi):
        base = base0 + ci * CHUNK
        return [
            pltpu.async_copy(fid_hbm.at[pl.ds(base, CHUNK)], fid_v[bi], sem_in[bi]),
            pltpu.async_copy(
                bary_hbm.at[pl.ds(3 * base, 3 * CHUNK)], bary_v[bi], sem_in[bi]
            ),
        ]

    pending_tab = [
        pltpu.async_copy(table_hbm.at[pl.ds(p * FPAD, FPAD)], table_v[p], sem_tab)
        for p in range(6)
    ]
    pending_in = {
        ci: start_in(ci, ci % NBUF) for ci in range(min(NBUF - 1, N_CHUNKS))
    }
    pending_out = {}
    for ci in range(N_CHUNKS):
        bi = ci % NBUF
        if ci + NBUF - 1 < N_CHUNKS:
            pending_in[ci + NBUF - 1] = start_in(ci + NBUF - 1, (ci + NBUF - 1) % NBUF)
        for d in pending_tab:
            d.wait()
        pending_tab = []
        for d in pending_in.pop(ci):
            d.wait()
        if ci - NBUF in pending_out:
            pending_out.pop(ci - NBUF).wait()

        bary_b, fid_b, uv_b = bary_v[bi], fid_v[bi], uv_v[bi]

        @plsc.parallel_loop(0, GROUPS, unroll=8)
        def group_body(g):
            fid = fid_b[pl.ds(g * 16, 16)]
            t0 = plsc.load_gather(t0_v, [fid])
            t1 = plsc.load_gather(t1_v, [fid])
            t2 = plsc.load_gather(t2_v, [fid])
            t3 = plsc.load_gather(t3_v, [fid])
            t4 = plsc.load_gather(t4_v, [fid])
            t5 = plsc.load_gather(t5_v, [fid])
            blk, r = g // 8, (g % 8) * 16
            off_b = blk * 384 + r
            b0 = bary_b[pl.ds(off_b, 16)]
            b1 = bary_b[pl.ds(off_b + 128, 16)]
            b2 = bary_b[pl.ds(off_b + 256, 16)]
            off_u = blk * 256 + r
            uv_b[pl.ds(off_u, 16)] = t0 * b0 + t2 * b1 + t4 * b2
            uv_b[pl.ds(off_u + 128, 16)] = t1 * b0 + t3 * b1 + t5 * b2

        base = base0 + ci * CHUNK
        pending_out[ci] = pltpu.async_copy(
            uv_v[bi], out_hbm.at[pl.ds(2 * base, 2 * CHUNK)], sem_out[bi]
        )
    for d in pending_out.values():
        d.wait()


def kernel(points_bary, face_ids, faces_uvs_index):
    table = jnp.pad(
        faces_uvs_index.transpose(1, 2, 0).reshape(6, N_FACES),
        ((0, 0), (0, FPAD - N_FACES)),
    ).reshape(-1)
    fid = face_ids.astype(jnp.int32)
    bary_blocks = (
        points_bary.T.reshape(3, N_POINTS // 128, 128)
        .transpose(1, 0, 2)
        .reshape(-1)
    )
    out = _uv_kernel(table, fid, bary_blocks)
    return out.reshape(N_POINTS // 128, 2, 128).transpose(0, 2, 1).reshape(N_POINTS, 2)

# --- scband reference (transcript-rebuilt; emitter-appended) ---
"""Pipeline reference for scband-vertex-uvfinder-11991548690890 (READ-ONLY COPY).

The authoritative reference and input builder live on the scoring server;
editing this copy changes nothing except your own understanding.
"""

import jax, jax.numpy as jnp
import numpy as np

N_POINTS = 1048576
N_FACES = 1538


def setup_inputs(seed: int = 0) -> dict:
    key = jax.random.key(seed)
    k1, k2, k3 = jax.random.split(key, 3)
    points_bary = jax.random.uniform(k1, (N_POINTS, 3), dtype=jnp.float32)
    face_ids = jax.random.randint(k2, (N_POINTS,), 0, N_FACES, dtype=jnp.int64 if jax.config.jax_enable_x64 else jnp.int32)
    # Stand-in for the buffer built from MANO_UV_left.obj: [n_faces, 3, 2] per-face vertex UV coords
    faces_uvs_index = jax.random.uniform(k3, (N_FACES, 3, 2), dtype=jnp.float32)
    return {"points_bary": points_bary, "face_ids": face_ids, "faces_uvs_index": faces_uvs_index}


def reference(points_bary, face_ids, faces_uvs_index):
    # closest_face_uvs = self.faces_uvs_index[face_ids]  -> gather [N, 3, 2]
    closest_face_uvs = jnp.take(faces_uvs_index, face_ids, axis=0)
    # points_uvs = torch.einsum('ijk,ij->ik', closest_face_uvs, points_bary)
    points_uvs = jnp.einsum('ijk,ij->ik', closest_face_uvs, points_bary)
    return points_uvs

if __name__ == "__main__":
    import jax
    _d = setup_inputs()
    print(jax.jit(kernel)(*tuple(_d.values())))

</pallas_src>

<mosaic_0001>
#map = affine_map<(d0, d1) -> (0)>
module attributes {stable_mosaic.version = 14 : i64} {
  func.func @_uv_kernel(%arg0: i32, %arg1: i32, %arg2: memref<9264xf32, #tpu.memory_space<hbm>>, %arg3: memref<1048576xi32, #tpu.memory_space<hbm>>, %arg4: memref<3145728xf32, #tpu.memory_space<hbm>>, %arg5: memref<2097152xf32, #tpu.memory_space<hbm>>, %arg6: memref<1544xf32, #tpu.memory_space<vmem>>, %arg7: memref<1544xf32, #tpu.memory_space<vmem>>, %arg8: memref<1544xf32, #tpu.memory_space<vmem>>, %arg9: memref<1544xf32, #tpu.memory_space<vmem>>, %arg10: memref<1544xf32, #tpu.memory_space<vmem>>, %arg11: memref<1544xf32, #tpu.memory_space<vmem>>, %arg12: memref<4096xi32, #tpu.memory_space<vmem>>, %arg13: memref<4096xi32, #tpu.memory_space<vmem>>, %arg14: memref<12288xf32, #tpu.memory_space<vmem>>, %arg15: memref<12288xf32, #tpu.memory_space<vmem>>, %arg16: memref<8192xf32, #tpu.memory_space<vmem>>, %arg17: memref<8192xf32, #tpu.memory_space<vmem>>, %arg18: memref<!tpu.dma_semaphore, #tpu.memory_space<semaphore_mem>>, %arg19: memref<!tpu.dma_semaphore, #tpu.memory_space<semaphore_mem>>, %arg20: memref<!tpu.dma_semaphore, #tpu.memory_space<semaphore_mem>>, %arg21: memref<!tpu.dma_semaphore, #tpu.memory_space<semaphore_mem>>, %arg22: memref<!tpu.dma_semaphore, #tpu.memory_space<semaphore_mem>>) attributes {dimension_semantics = [#tpu.dimension_semantics<core_parallel>, #tpu.dimension_semantics<subcore_parallel>], iteration_bounds = array<i64: 2, 16>, scalar_prefetch = 0 : i64, scratch_operands = 17 : i64, tpu.core_type = #tpu.core_type<sc_vector_subcore>, window_params = [{transform_indices = #map}, {transform_indices = #map}, {transform_indices = #map}, {transform_indices = #map}]} {
    %mul3A = arith.constant 2 : i32
    %mul3A_0 = arith.muli %arg1, %mul3A : i32
    %add3A = arith.addi %mul3A_0, %arg0 : i32
    %mul3A_1 = arith.constant 32768 : i32
    %mul3A_2 = arith.muli %add3A, %mul3A_1 : i32
    %dma_start3A = arith.constant 0 : i32
    %dma_start3A_3 = tpu.memref_slice %arg2[%dma_start3A] : memref<9264xf32, #tpu.memory_space<hbm>> -> memref<1544xf32, #tpu.memory_space<hbm>>
    %dma_start3A_4 = arith.constant 0 : i32
    %dma_start3A_5 = tpu.memref_slice %arg2[%dma_start3A_4] : memref<9264xf32, #tpu.memory_space<hbm>> -> memref<1544xf32, #tpu.memory_space<hbm>>
    tpu.enqueue_dma source(%dma_start3A_5 : memref<1544xf32, #tpu.memory_space<hbm>>) target(%arg6 : memref<1544xf32, #tpu.memory_space<vmem>>) target_semaphore(%arg22 : memref<!tpu.dma_semaphore, #tpu.memory_space<semaphore_mem>>)
    %dma_start3A_6 = arith.constant 1544 : i32
    %dma_start3A_7 = tpu.memref_slice %arg2[%dma_start3A_6] : memref<9264xf32, #tpu.memory_space<hbm>> -> memref<1544xf32, #tpu.memory_space<hbm>>
    %dma_start3A_8 = arith.constant 1544 : i32
    %dma_start3A_9 = tpu.memref_slice %arg2[%dma_start3A_8] : memref<9264xf32, #tpu.memory_space<hbm>> -> memref<1544xf32, #tpu.memory_space<hbm>>
    tpu.enqueue_dma source(%dma_start3A_9 : memref<1544xf32, #tpu.memory_space<hbm>>) target(%arg7 : memref<1544xf32, #tpu.memory_space<vmem>>) target_semaphore(%arg22 : memref<!tpu.dma_semaphore, #tpu.memory_space<semaphore_mem>>)
    %dma_start3A_10 = arith.constant 3088 : i32
    %dma_start3A_11 = tpu.memref_slice %arg2[%dma_start3A_10] : memref<9264xf32, #tpu.memory_space<hbm>> -> memref<1544xf32, #tpu.memory_space<hbm>>
    %dma_start3A_12 = arith.constant 3088 : i32
    %dma_start3A_13 = tpu.memref_slice %arg2[%dma_start3A_12] : memref<9264xf32, #tpu.memory_space<hbm>> -> memref<1544xf32, #tpu.memory_space<hbm>>
    tpu.enqueue_dma source(%dma_start3A_13 : memref<1544xf32, #tpu.memory_space<hbm>>) target(%arg8 : memref<1544xf32, #tpu.memory_space<vmem>>) target_semaphore(%arg22 : memref<!tpu.dma_semaphore, #tpu.memory_space<semaphore_mem>>)
    %dma_start3A_14 = arith.constant 4632 : i32
    %dma_start3A_15 = tpu.memref_slice %arg2[%dma_start3A_14] : memref<9264xf32, #tpu.memory_space<hbm>> -> memref<1544xf32, #tpu.memory_space<hbm>>
    %dma_start3A_16 = arith.constant 4632 : i32
    %dma_start3A_17 = tpu.memref_slice %arg2[%dma_start3A_16] : memref<9264xf32, #tpu.memory_space<hbm>> -> memref<1544xf32, #tpu.memory_space<hbm>>
    tpu.enqueue_dma source(%dma_start3A_17 : memref<1544xf32, #tpu.memory_space<hbm>>) target(%arg9 : memref<1544xf32, #tpu.memory_space<vmem>>) target_semaphore(%arg22 : memref<!tpu.dma_semaphore, #tpu.memory_space<semaphore_mem>>)
    %dma_start3A_18 = arith.constant 6176 : i32
    %dma_start3A_19 = tpu.memref_slice %arg2[%dma_start3A_18] : memref<9264xf32, #tpu.memory_space<hbm>> -> memref<1544xf32, #tpu.memory_space<hbm>>
    %dma_start3A_20 = arith.constant 6176 : i32
    %dma_start3A_21 = tpu.memref_slice %arg2[%dma_start3A_20] : memref<9264xf32, #tpu.memory_space<hbm>> -> memref<1544xf32, #tpu.memory_space<hbm>>
    tpu.enqueue_dma source(%dma_start3A_21 : memref<1544xf32, #tpu.memory_space<hbm>>) target(%arg10 : memref<1544xf32, #tpu.memory_space<vmem>>) target_semaphore(%arg22 : memref<!tpu.dma_semaphore, #tpu.memory_space<semaphore_mem>>)
    %dma_start3A_22 = arith.constant 7720 : i32
    %dma_start3A_23 = tpu.memref_slice %arg2[%dma_start3A_22] : memref<9264xf32, #tpu.memory_space<hbm>> -> memref<1544xf32, #tpu.memory_space<hbm>>
    %dma_start3A_24 = arith.constant 7720 : i32
    %dma_start3A_25 = tpu.memref_slice %arg2[%dma_start3A_24] : memref<9264xf32, #tpu.memory_space<hbm>> -> memref<1544xf32, #tpu.memory_space<hbm>>
    tpu.enqueue_dma source(%dma_start3A_25 : memref<1544xf32, #tpu.memory_space<hbm>>) target(%arg11 : memref<1544xf32, #tpu.memory_space<vmem>>) target_semaphore(%arg22 : memref<!tpu.dma_semaphore, #tpu.memory_space<semaphore_mem>>)
    %add3A_26 = arith.constant 0 : i32
    %add3A_27 = arith.addi %mul3A_2, %add3A_26 : i32
    %dma_start3A_28 = tpu.memref_slice %arg3[%add3A_27] : memref<1048576xi32, #tpu.memory_space<hbm>> -> memref<4096xi32, #tpu.memory_space<hbm>>
    %dma_start3A_29 = tpu.memref_slice %arg3[%add3A_27] : memref<1048576xi32, #tpu.memory_space<hbm>> -> memref<4096xi32, #tpu.memory_space<hbm>>
    tpu.enqueue_dma source(%dma_start3A_29 : memref<4096xi32, #tpu.memory_space<hbm>>) target(%arg12 : memref<4096xi32, #tpu.memory_space<vmem>>) target_semaphore(%arg18 : memref<!tpu.dma_semaphore, #tpu.memory_space<semaphore_mem>>)
    %mul3A_30 = arith.constant 3 : i32
    %mul3A_31 = arith.muli %mul3A_30, %add3A_27 : i32
    %dma_start3A_32 = tpu.memref_slice %arg4[%mul3A_31] : memref<3145728xf32, #tpu.memory_space<hbm>> -> memref<12288xf32, #tpu.memory_space<hbm>>
    %dma_start3A_33 = tpu.memref_slice %arg4[%mul3A_31] : memref<3145728xf32, #tpu.memory_space<hbm>> -> memref<12288xf32, #tpu.memory_space<hbm>>
    tpu.enqueue_dma source(%dma_start3A_33 : memref<12288xf32, #tpu.memory_space<hbm>>) target(%arg14 : memref<12288xf32, #tpu.memory_space<vmem>>) target_semaphore(%arg18 : memref<!tpu.dma_semaphore, #tpu.memory_space<semaphore_mem>>)
    %add3A_34 = arith.constant 4096 : i32
    %add3A_35 = arith.addi %mul3A_2, %add3A_34 : i32
    %dma_start3A_36 = tpu.memref_slice %arg3[%add3A_35] : memref<1048576xi32, #tpu.memory_space<hbm>> -> memref<4096xi32, #tpu.memory_space<hbm>>
    %dma_start3A_37 = tpu.memref_slice %arg3[%add3A_35] : memref<1048576xi32, #tpu.memory_space<hbm>> -> memref<4096xi32, #tpu.memory_space<hbm>>
    tpu.enqueue_dma source(%dma_start3A_37 : memref<4096xi32, #tpu.memory_space<hbm>>) target(%arg13 : memref<4096xi32, #tpu.memory_space<vmem>>) target_semaphore(%arg19 : memref<!tpu.dma_semaphore, #tpu.memory_space<semaphore_mem>>)
    %mul3A_38 = arith.constant 3 : i32
    %mul3A_39 = arith.muli %mul3A_38, %add3A_35 : i32
    %dma_start3A_40 = tpu.memref_slice %arg4[%mul3A_39] : memref<3145728xf32, #tpu.memory_space<hbm>> -> memref<12288xf32, #tpu.memory_space<hbm>>
    %dma_start3A_41 = tpu.memref_slice %arg4[%mul3A_39] : memref<3145728xf32, #tpu.memory_space<hbm>> -> memref<12288xf32, #tpu.memory_space<hbm>>
    tpu.enqueue_dma source(%dma_start3A_41 : memref<12288xf32, #tpu.memory_space<hbm>>) target(%arg15 : memref<12288xf32, #tpu.memory_space<vmem>>) target_semaphore(%arg19 : memref<!tpu.dma_semaphore, #tpu.memory_space<semaphore_mem>>)
    %dma_wait3A = arith.constant 0 : i32
    %dma_wait3A_42 = tpu.memref_slice %arg2[%dma_wait3A] : memref<9264xf32, #tpu.memory_space<hbm>> -> memref<1544xf32, #tpu.memory_space<hbm>>
    %dma_wait3A_43 = arith.constant 0 : i32
    %dma_wait3A_44 = tpu.memref_slice %arg2[%dma_wait3A_43] : memref<9264xf32, #tpu.memory_space<hbm>> -> memref<1544xf32, #tpu.memory_space<hbm>>
    tpu.wait_dma2 semaphore(%arg22 : memref<!tpu.dma_semaphore, #tpu.memory_space<semaphore_mem>>) src(%dma_wait3A_44 : memref<1544xf32, #tpu.memory_space<hbm>>) dst(%arg6 : memref<1544xf32, #tpu.memory_space<vmem>>)
    %dma_wait3A_45 = arith.constant 1544 : i32
    %dma_wait3A_46 = tpu.memref_slice %arg2[%dma_wait3A_45] : memref<9264xf32, #tpu.memory_space<hbm>> -> memref<1544xf32, #tpu.memory_space<hbm>>
    %dma_wait3A_47 = arith.constant 1544 : i32
    %dma_wait3A_48 = tpu.memref_slice %arg2[%dma_wait3A_47] : memref<9264xf32, #tpu.memory_space<hbm>> -> memref<1544xf32, #tpu.memory_space<hbm>>
    tpu.wait_dma2 semaphore(%arg22 : memref<!tpu.dma_semaphore, #tpu.memory_space<semaphore_mem>>) src(%dma_wait3A_48 : memref<1544xf32, #tpu.memory_space<hbm>>) dst(%arg7 : memref<1544xf32, #tpu.memory_space<vmem>>)
    %dma_wait3A_49 = arith.constant 3088 : i32
    %dma_wait3A_50 = tpu.memref_slice %arg2[%dma_wait3A_49] : memref<9264xf32, #tpu.memory_space<hbm>> -> memref<1544xf32, #tpu.memory_space<hbm>>
    %dma_wait3A_51 = arith.constant 3088 : i32
    %dma_wait3A_52 = tpu.memref_slice %arg2[%dma_wait3A_51] : memref<9264xf32, #tpu.memory_space<hbm>> -> memref<1544xf32, #tpu.memory_space<hbm>>
    tpu.wait_dma2 semaphore(%arg22 : memref<!tpu.dma_semaphore, #tpu.memory_space<semaphore_mem>>) src(%dma_wait3A_52 : memref<1544xf32, #tpu.memory_space<hbm>>) dst(%arg8 : memref<1544xf32, #tpu.memory_space<vmem>>)
    %dma_wait3A_53 = arith.constant 4632 : i32
    %dma_wait3A_54 = tpu.memref_slice %arg2[%dma_wait3A_53] : memref<9264xf32, #tpu.memory_space<hbm>> -> memref<1544xf32, #tpu.memory_space<hbm>>
    %dma_wait3A_55 = arith.constant 4632 : i32
    %dma_wait3A_56 = tpu.memref_slice %arg2[%dma_wait3A_55] : memref<9264xf32, #tpu.memory_space<hbm>> -> memref<1544xf32, #tpu.memory_space<hbm>>
    tpu.wait_dma2 semaphore(%arg22 : memref<!tpu.dma_semaphore, #tpu.memory_space<semaphore_mem>>) src(%dma_wait3A_56 : memref<1544xf32, #tpu.memory_space<hbm>>) dst(%arg9 : memref<1544xf32, #tpu.memory_space<vmem>>)
    %dma_wait3A_57 = arith.constant 6176 : i32
    %dma_wait3A_58 = tpu.memref_slice %arg2[%dma_wait3A_57] : memref<9264xf32, #tpu.memory_space<hbm>> -> memref<1544xf32, #tpu.memory_space<hbm>>
    %dma_wait3A_59 = arith.constant 6176 : i32
    %dma_wait3A_60 = tpu.memref_slice %arg2[%dma_wait3A_59] : memref<9264xf32, #tpu.memory_space<hbm>> -> memref<1544xf32, #tpu.memory_space<hbm>>
    tpu.wait_dma2 semaphore(%arg22 : memref<!tpu.dma_semaphore, #tpu.memory_space<semaphore_mem>>) src(%dma_wait3A_60 : memref<1544xf32, #tpu.memory_space<hbm>>) dst(%arg10 : memref<1544xf32, #tpu.memory_space<vmem>>)
    %dma_wait3A_61 = arith.constant 7720 : i32
    %dma_wait3A_62 = tpu.memref_slice %arg2[%dma_wait3A_61] : memref<9264xf32, #tpu.memory_space<hbm>> -> memref<1544xf32, #tpu.memory_space<hbm>>
    %dma_wait3A_63 = arith.constant 7720 : i32
    %dma_wait3A_64 = tpu.memref_slice %arg2[%dma_wait3A_63] : memref<9264xf32, #tpu.memory_space<hbm>> -> memref<1544xf32, #tpu.memory_space<hbm>>
    tpu.wait_dma2 semaphore(%arg22 : memref<!tpu.dma_semaphore, #tpu.memory_space<semaphore_mem>>) src(%dma_wait3A_64 : memref<1544xf32, #tpu.memory_space<hbm>>) dst(%arg11 : memref<1544xf32, #tpu.memory_space<vmem>>)
    %dma_wait3A_65 = tpu.memref_slice %arg3[%add3A_27] : memref<1048576xi32, #tpu.memory_space<hbm>> -> memref<4096xi32, #tpu.memory_space<hbm>>
    %dma_wait3A_66 = tpu.memref_slice %arg3[%add3A_27] : memref<1048576xi32, #tpu.memory_space<hbm>> -> memref<4096xi32, #tpu.memory_space<hbm>>
    tpu.wait_dma2 semaphore(%arg18 : memref<!tpu.dma_semaphore, #tpu.memory_space<semaphore_mem>>) src(%dma_wait3A_66 : memref<4096xi32, #tpu.memory_space<hbm>>) dst(%arg12 : memref<4096xi32, #tpu.memory_space<vmem>>)
    %dma_wait3A_67 = tpu.memref_slice %arg4[%mul3A_31] : memref<3145728xf32, #tpu.memory_space<hbm>> -> memref<12288xf32, #tpu.memory_space<hbm>>
    %dma_wait3A_68 = tpu.memref_slice %arg4[%mul3A_31] : memref<3145728xf32, #tpu.memory_space<hbm>> -> memref<12288xf32, #tpu.memory_space<hbm>>
    tpu.wait_dma2 semaphore(%arg18 : memref<!tpu.dma_semaphore, #tpu.memory_space<semaphore_mem>>) src(%dma_wait3A_68 : memref<12288xf32, #tpu.memory_space<hbm>>) dst(%arg14 : memref<12288xf32, #tpu.memory_space<vmem>>)
    %parallel_loop3A = arith.constant 0 : i32
    %parallel_loop3A_69 = arith.constant 256 : i32
    %parallel_loop3A_70 = arith.constant 1 : i32
    scf.for %parallel_loop3A_232 = %parallel_loop3A to %parallel_loop3A_69 step %parallel_loop3A_70  : i32 {
      %parallel_loop3A_233 = arith.constant 16 : i32
      %parallel_loop3A_234 = arith.muli %parallel_loop3A_232, %parallel_loop3A_233 : i32
      %parallel_loop3A_235 = arith.index_cast %parallel_loop3A_234 : i32 to index
      %parallel_loop3A_236 = tpu.vector_load %arg12[%parallel_loop3A_235] {strides = array<i32>} : memref<4096xi32, #tpu.memory_space<vmem>>, vector<16xi32>,
      %parallel_loop3A_237 = tpu.vector_load_idx %arg6[%parallel_loop3A_236] : memref<1544xf32, #tpu.memory_space<vmem>>[vector<16xi32>], vector<16xf32>,
      %parallel_loop3A_238 = tpu.vector_load_idx %arg7[%parallel_loop3A_236] : memref<1544xf32, #tpu.memory_space<vmem>>[vector<16xi32>], vector<16xf32>,
      %parallel_loop3A_239 = tpu.vector_load_idx %arg8[%parallel_loop3A_236] : memref<1544xf32, #tpu.memory_space<vmem>>[vector<16xi32>], vector<16xf32>,
      %parallel_loop3A_240 = tpu.vector_load_idx %arg9[%parallel_loop3A_236] : memref<1544xf32, #tpu.memory_space<vmem>>[vector<16xi32>], vector<16xf32>,
      %parallel_loop3A_241 = tpu.vector_load_idx %arg10[%parallel_loop3A_236] : memref<1544xf32, #tpu.memory_space<vmem>>[vector<16xi32>], vector<16xf32>,
      %parallel_loop3A_242 = tpu.vector_load_idx %arg11[%parallel_loop3A_236] : memref<1544xf32, #tpu.memory_space<vmem>>[vector<16xi32>], vector<16xf32>,
      %parallel_loop3A_243 = arith.constant 8 : i32
      %parallel_loop3A_244 = arith.divsi %parallel_loop3A_232, %parallel_loop3A_243 : i32
      %parallel_loop3A_245 = arith.constant 0 : i32
      %parallel_loop3A_246 = arith.cmpi sgt, %parallel_loop3A_232, %parallel_loop3A_245 : i32
      %parallel_loop3A_247 = arith.extui %parallel_loop3A_246 : i1 to i32
      %parallel_loop3A_248 = arith.constant 0 : i32
      %parallel_loop3A_249 = arith.cmpi slt, %parallel_loop3A_232, %parallel_loop3A_248 : i32
      %parallel_loop3A_250 = arith.extui %parallel_loop3A_249 : i1 to i32
      %parallel_loop3A_251 = arith.subi %parallel_loop3A_247, %parallel_loop3A_250 : i32
      %parallel_loop3A_252 = arith.constant 0 : i32
      %parallel_loop3A_253 = arith.cmpi sgt, %parallel_loop3A_243, %parallel_loop3A_252 : i32
      %parallel_loop3A_254 = arith.extui %parallel_loop3A_253 : i1 to i32
      %parallel_loop3A_255 = arith.constant 0 : i32
      %parallel_loop3A_256 = arith.cmpi slt, %parallel_loop3A_243, %parallel_loop3A_255 : i32
      %parallel_loop3A_257 = arith.extui %parallel_loop3A_256 : i1 to i32
      %parallel_loop3A_258 = arith.subi %parallel_loop3A_254, %parallel_loop3A_257 : i32
      %parallel_loop3A_259 = arith.cmpi ne, %parallel_loop3A_251, %parallel_loop3A_258 : i32
      %parallel_loop3A_260 = arith.remsi %parallel_loop3A_232, %parallel_loop3A_243 : i32
      %parallel_loop3A_261 = arith.constant 0 : i32
      %parallel_loop3A_262 = arith.cmpi ne, %parallel_loop3A_260, %parallel_loop3A_261 : i32
      %parallel_loop3A_263 = arith.andi %parallel_loop3A_259, %parallel_loop3A_262 : i1
      %parallel_loop3A_264 = arith.constant 1 : i32
      %parallel_loop3A_265 = arith.subi %parallel_loop3A_244, %parallel_loop3A_264 : i32
      %parallel_loop3A_266 = arith.select %parallel_loop3A_263, %parallel_loop3A_265, %parallel_loop3A_244 : i32
      %parallel_loop3A_267 = arith.constant 8 : i32
      %parallel_loop3A_268 = arith.constant 0 : i32
      %parallel_loop3A_269 = arith.cmpi eq, %parallel_loop3A_267, %parallel_loop3A_268 : i32
      %parallel_loop3A_270 = arith.constant 1 : i32
      %parallel_loop3A_271 = arith.select %parallel_loop3A_269, %parallel_loop3A_270, %parallel_loop3A_267 : i32
      %parallel_loop3A_272 = arith.remsi %parallel_loop3A_232, %parallel_loop3A_271 : i32
      %parallel_loop3A_273 = arith.constant 0 : i32
      %parallel_loop3A_274 = arith.cmpi ne, %parallel_loop3A_272, %parallel_loop3A_273 : i32
      %parallel_loop3A_275 = arith.constant 0 : i32
      %parallel_loop3A_276 = arith.cmpi slt, %parallel_loop3A_272, %parallel_loop3A_275 : i32
      %parallel_loop3A_277 = arith.constant 0 : i32
      %parallel_loop3A_278 = arith.cmpi slt, %parallel_loop3A_271, %parallel_loop3A_277 : i32
      %parallel_loop3A_279 = arith.xori %parallel_loop3A_276, %parallel_loop3A_278 : i1
      %parallel_loop3A_280 = arith.andi %parallel_loop3A_279, %parallel_loop3A_274 : i1
      %parallel_loop3A_281 = arith.addi %parallel_loop3A_272, %parallel_loop3A_271 : i32
      %parallel_loop3A_282 = arith.select %parallel_loop3A_280, %parallel_loop3A_281, %parallel_loop3A_272 : i32
      %parallel_loop3A_283 = arith.constant 16 : i32
      %parallel_loop3A_284 = arith.muli %parallel_loop3A_282, %parallel_loop3A_283 : i32
      %parallel_loop3A_285 = arith.constant 384 : i32
      %parallel_loop3A_286 = arith.muli %parallel_loop3A_266, %parallel_loop3A_285 : i32
      %parallel_loop3A_287 = arith.addi %parallel_loop3A_286, %parallel_loop3A_284 : i32
      %parallel_loop3A_288 = arith.index_cast %parallel_loop3A_287 : i32 to index
      %parallel_loop3A_289 = tpu.vector_load %arg14[%parallel_loop3A_288] {strides = array<i32>} : memref<12288xf32, #tpu.memory_space<vmem>>, vector<16xf32>,
      %parallel_loop3A_290 = arith.constant 128 : i32
      %parallel_loop3A_291 = arith.addi %parallel_loop3A_287, %parallel_loop3A_290 : i32
      %parallel_loop3A_292 = arith.index_cast %parallel_loop3A_291 : i32 to index
      %parallel_loop3A_293 = tpu.vector_load %arg14[%parallel_loop3A_292] {strides = array<i32>} : memref<12288xf32, #tpu.memory_space<vmem>>, vector<16xf32>,
      %parallel_loop3A_294 = arith.constant 256 : i32
      %parallel_loop3A_295 = arith.addi %parallel_loop3A_287, %parallel_loop3A_294 : i32
      %parallel_loop3A_296 = arith.index_cast %parallel_loop3A_295 : i32 to index
      %parallel_loop3A_297 = tpu.vector_load %arg14[%parallel_loop3A_296] {strides = array<i32>} : memref<12288xf32, #tpu.memory_space<vmem>>, vector<16xf32>,
      %parallel_loop3A_298 = arith.constant 256 : i32
      %parallel_loop3A_299 = arith.muli %parallel_loop3A_266, %parallel_loop3A_298 : i32
      %parallel_loop3A_300 = arith.addi %parallel_loop3A_299, %parallel_loop3A_284 : i32
      %parallel_loop3A_301 = arith.mulf %parallel_loop3A_237, %parallel_loop3A_289 : vector<16xf32>
      %parallel_loop3A_302 = arith.mulf %parallel_loop3A_239, %parallel_loop3A_293 : vector<16xf32>
      %parallel_loop3A_303 = arith.addf %parallel_loop3A_301, %parallel_loop3A_302 : vector<16xf32>
      %parallel_loop3A_304 = arith.mulf %parallel_loop3A_241, %parallel_loop3A_297 : vector<16xf32>
      %parallel_loop3A_305 = arith.addf %parallel_loop3A_303, %parallel_loop3A_304 : vector<16xf32>
      %parallel_loop3A_306 = arith.index_cast %parallel_loop3A_300 : i32 to index
      %parallel_loop3A_307 = tpu.vector_load %arg16[%parallel_loop3A_306] {strides = array<i32>} : memref<8192xf32, #tpu.memory_space<vmem>>, vector<16xf32>,
      tpu.vector_store %arg16[%parallel_loop3A_306], %parallel_loop3A_305 {strides = array<i32>} : memref<8192xf32, #tpu.memory_space<vmem>>, vector<16xf32>,
      %parallel_loop3A_308 = arith.mulf %parallel_loop3A_238, %parallel_loop3A_289 : vector<16xf32>
      %parallel_loop3A_309 = arith.mulf %parallel_loop3A_240, %parallel_loop3A_293 : vector<16xf32>
      %parallel_loop3A_310 = arith.addf %parallel_loop3A_308, %parallel_loop3A_309 : vector<16xf32>
      %parallel_loop3A_311 = arith.mulf %parallel_loop3A_242, %parallel_loop3A_297 : vector<16xf32>
      %parallel_loop3A_312 = arith.addf %parallel_loop3A_310, %parallel_loop3A_311 : vector<16xf32>
      %parallel_loop3A_313 = arith.constant 128 : i32
      %parallel_loop3A_314 = arith.addi %parallel_loop3A_300, %parallel_loop3A_313 : i32
      %parallel_loop3A_315 = arith.index_cast %parallel_loop3A_314 : i32 to index
      %parallel_loop3A_316 = tpu.vector_load %arg16[%parallel_loop3A_315] {strides = array<i32>} : memref<8192xf32, #tpu.memory_space<vmem>>, vector<16xf32>,
      tpu.vector_store %arg16[%parallel_loop3A_315], %parallel_loop3A_312 {strides = array<i32>} : memref<8192xf32, #tpu.memory_space<vmem>>, vector<16xf32>,
    } {sc.loop_unroll_factor = 8 : i64, sc.parallel_access}
    %add3A_71 = arith.constant 0 : i32
    %add3A_72 = arith.addi %mul3A_2, %add3A_71 : i32
    %mul3A_73 = arith.constant 2 : i32
    %mul3A_74 = arith.muli %mul3A_73, %add3A_72 : i32
    %dma_start3A_75 = tpu.memref_slice %arg5[%mul3A_74] : memref<2097152xf32, #tpu.memory_space<hbm>> -> memref<8192xf32, #tpu.memory_space<hbm>>
    %dma_start3A_76 = tpu.memref_slice %arg5[%mul3A_74] : memref<2097152xf32, #tpu.memory_space<hbm>> -> memref<8192xf32, #tpu.memory_space<hbm>>
    tpu.enqueue_dma source(%arg16 : memref<8192xf32, #tpu.memory_space<vmem>>) target(%dma_start3A_76 : memref<8192xf32, #tpu.memory_space<hbm>>) target_semaphore(%arg20 : memref<!tpu.dma_semaphore, #tpu.memory_space<semaphore_mem>>)
    %add3A_77 = arith.constant 8192 : i32
    %add3A_78 = arith.addi %mul3A_2, %add3A_77 : i32
    %dma_start3A_79 = tpu.memref_slice %arg3[%add3A_78] : memref<1048576xi32, #tpu.memory_space<hbm>> -> memref<4096xi32, #tpu.memory_space<hbm>>
    %dma_start3A_80 = tpu.memref_slice %arg3[%add3A_78] : memref<1048576xi32, #tpu.memory_space<hbm>> -> memref<4096xi32, #tpu.memory_space<hbm>>
    tpu.enqueue_dma source(%dma_start3A_80 : memref<4096xi32, #tpu.memory_space<hbm>>) target(%arg12 : memref<4096xi32, #tpu.memory_space<vmem>>) target_semaphore(%arg18 : memref<!tpu.dma_semaphore, #tpu.memory_space<semaphore_mem>>)
    %mul3A_81 = arith.constant 3 : i32
    %mul3A_82 = arith.muli %mul3A_81, %add3A_78 : i32
    %dma_start3A_83 = tpu.memref_slice %arg4[%mul3A_82] : memref<3145728xf32, #tpu.memory_space<hbm>> -> memref<12288xf32, #tpu.memory_space<hbm>>
    %dma_start3A_84 = tpu.memref_slice %arg4[%mul3A_82] : memref<3145728xf32, #tpu.memory_space<hbm>> -> memref<12288xf32, #tpu.memory_space<hbm>>
    tpu.enqueue_dma source(%dma_start3A_84 : memref<12288xf32, #tpu.memory_space<hbm>>) target(%arg14 : memref<12288xf32, #tpu.memory_space<vmem>>) target_semaphore(%arg18 : memref<!tpu.dma_semaphore, #tpu.memory_space<semaphore_mem>>)
    %dma_wait3A_85 = tpu.memref_slice %arg3[%add3A_35] : memref<1048576xi32, #tpu.memory_space<hbm>> -> memref<4096xi32, #tpu.memory_space<hbm>>
    %dma_wait3A_86 = tpu.memref_slice %arg3[%add3A_35] : memref<1048576xi32, #tpu.memory_space<hbm>> -> memref<4096xi32, #tpu.memory_space<hbm>>
    tpu.wait_dma2 semaphore(%arg19 : memref<!tpu.dma_semaphore, #tpu.memory_space<semaphore_mem>>) src(%dma_wait3A_86 : memref<4096xi32, #tpu.memory_space<hbm>>) dst(%arg13 : memref<4096xi32, #tpu.memory_space<vmem>>)
    %dma_wait3A_87 = tpu.memref_slice %arg4[%mul3A_39] : memref<3145728xf32, #tpu.memory_space<hbm>> -> memref<12288xf32, #tpu.memory_space<hbm>>
    %dma_wait3A_88 = tpu.memref_slice %arg4[%mul3A_39] : memref<3145728xf32, #tpu.memory_space<hbm>> -> memref<12288xf32, #tpu.memory_space<hbm>>
    tpu.wait_dma2 semaphore(%arg19 : memref<!tpu.dma_semaphore, #tpu.memory_space<semaphore_mem>>) src(%dma_wait3A_88 : memref<12288xf32, #tpu.memory_space<hbm>>) dst(%arg15 : memref<12288xf32, #tpu.memory_space<vmem>>)
    %parallel_loop3A_89 = arith.constant 0 : i32
    %parallel_loop3A_90 = arith.constant 256 : i32
    %parallel_loop3A_91 = arith.constant 1 : i32
    scf.for %parallel_loop3A_232 = %parallel_loop3A_89 to %parallel_loop3A_90 step %parallel_loop3A_91  : i32 {
      %parallel_loop3A_233 = arith.constant 16 : i32
      %parallel_loop3A_234 = arith.muli %parallel_loop3A_232, %parallel_loop3A_233 : i32
      %parallel_loop3A_235 = arith.index_cast %parallel_loop3A_234 : i32 to index
      %parallel_loop3A_236 = tpu.vector_load %arg13[%parallel_loop3A_235] {strides = array<i32>} : memref<4096xi32, #tpu.memory_space<vmem>>, vector<16xi32>,
      %parallel_loop3A_237 = tpu.vector_load_idx %arg6[%parallel_loop3A_236] : memref<1544xf32, #tpu.memory_space<vmem>>[vector<16xi32>], vector<16xf32>,
      %parallel_loop3A_238 = tpu.vector_load_idx %arg7[%parallel_loop3A_236] : memref<1544xf32, #tpu.memory_space<vmem>>[vector<16xi32>], vector<16xf32>,
      %parallel_loop3A_239 = tpu.vector_load_idx %arg8[%parallel_loop3A_236] : memref<1544xf32, #tpu.memory_space<vmem>>[vector<16xi32>], vector<16xf32>,
      %parallel_loop3A_240 = tpu.vector_load_idx %arg9[%parallel_loop3A_236] : memref<1544xf32, #tpu.memory_space<vmem>>[vector<16xi32>], vector<16xf32>,
      %parallel_loop3A_241 = tpu.vector_load_idx %arg10[%parallel_loop3A_236] : memref<1544xf32, #tpu.memory_space<vmem>>[vector<16xi32>], vector<16xf32>,
      %parallel_loop3A_242 = tpu.vector_load_idx %arg11[%parallel_loop3A_236] : memref<1544xf32, #tpu.memory_space<vmem>>[vector<16xi32>], vector<16xf32>,
      %parallel_loop3A_243 = arith.constant 8 : i32
      %parallel_loop3A_244 = arith.divsi %parallel_loop3A_232, %parallel_loop3A_243 : i32
      %parallel_loop3A_245 = arith.constant 0 : i32
      %parallel_loop3A_246 = arith.cmpi sgt, %parallel_loop3A_232, %parallel_loop3A_245 : i32
      %parallel_loop3A_247 = arith.extui %parallel_loop3A_246 : i1 to i32
      %parallel_loop3A_248 = arith.constant 0 : i32
      %parallel_loop3A_249 = arith.cmpi slt, %parallel_loop3A_232, %parallel_loop3A_248 : i32
      %parallel_loop3A_250 = arith.extui %parallel_loop3A_249 : i1 to i32
      %parallel_loop3A_251 = arith.subi %parallel_loop3A_247, %parallel_loop3A_250 : i32
      %parallel_loop3A_252 = arith.constant 0 : i32
      %parallel_loop3A_253 = arith.cmpi sgt, %parallel_loop3A_243, %parallel_loop3A_252 : i32
      %parallel_loop3A_254 = arith.extui %parallel_loop3A_253 : i1 to i32
      %parallel_loop3A_255 = arith.constant 0 : i32
      %parallel_loop3A_256 = arith.cmpi slt, %parallel_loop3A_243, %parallel_loop3A_255 : i32
      %parallel_loop3A_257 = arith.extui %parallel_loop3A_256 : i1 to i32
      %parallel_loop3A_258 = arith.subi %parallel_loop3A_254, %parallel_loop3A_257 : i32
      %parallel_loop3A_259 = arith.cmpi ne, %parallel_loop3A_251, %parallel_loop3A_258 : i32
      %parallel_loop3A_260 = arith.remsi %parallel_loop3A_232, %parallel_loop3A_243 : i32
      %parallel_loop3A_261 = arith.constant 0 : i32
      %parallel_loop3A_262 = arith.cmpi ne, %parallel_loop3A_260, %parallel_loop3A_261 : i32
      %parallel_loop3A_263 = arith.andi %parallel_loop3A_259, %parallel_loop3A_262 : i1
      %parallel_loop3A_264 = arith.constant 1 : i32
      %parallel_loop3A_265 = arith.subi %parallel_loop3A_244, %parallel_loop3A_264 : i32
      %parallel_loop3A_266 = arith.select %parallel_loop3A_263, %parallel_loop3A_265, %parallel_loop3A_244 : i32
      %parallel_loop3A_267 = arith.constant 8 : i32
      %parallel_loop3A_268 = arith.constant 0 : i32
      %parallel_loop3A_269 = arith.cmpi eq, %parallel_loop3A_267, %parallel_loop3A_268 : i32
      %parallel_loop3A_270 = arith.constant 1 : i32
      %parallel_loop3A_271 = arith.select %parallel_loop3A_269, %parallel_loop3A_270, %parallel_loop3A_267 : i32
      %parallel_loop3A_272 = arith.remsi %parallel_loop3A_232, %parallel_loop3A_271 : i32
      %parallel_loop3A_273 = arith.constant 0 : i32
      %parallel_loop3A_274 = arith.cmpi ne, %parallel_loop3A_272, %parallel_loop3A_273 : i32
      %parallel_loop3A_275 = arith.constant 0 : i32
      %parallel_loop3A_276 = arith.cmpi slt, %parallel_loop3A_272, %parallel_loop3A_275 : i32
      %parallel_loop3A_277 = arith.constant 0 : i32
      %parallel_loop3A_278 = arith.cmpi slt, %parallel_loop3A_271, %parallel_loop3A_277 : i32
      %parallel_loop3A_279 = arith.xori %parallel_loop3A_276, %parallel_loop3A_278 : i1
      %parallel_loop3A_280 = arith.andi %parallel_loop3A_279, %parallel_loop3A_274 : i1
      %parallel_loop3A_281 = arith.addi %parallel_loop3A_272, %parallel_loop3A_271 : i32
      %parallel_loop3A_282 = arith.select %parallel_loop3A_280, %parallel_loop3A_281, %parallel_loop3A_272 : i32
      %parallel_loop3A_283 = arith.constant 16 : i32
      %parallel_loop3A_284 = arith.muli %parallel_loop3A_282, %parallel_loop3A_283 : i32
      %parallel_loop3A_285 = arith.constant 384 : i32
      %parallel_loop3A_286 = arith.muli %parallel_loop3A_266, %parallel_loop3A_285 : i32
      %parallel_loop3A_287 = arith.addi %parallel_loop3A_286, %parallel_loop3A_284 : i32
      %parallel_loop3A_288 = arith.index_cast %parallel_loop3A_287 : i32 to index
      %parallel_loop3A_289 = tpu.vector_load %arg15[%parallel_loop3A_288] {strides = array<i32>} : memref<12288xf32, #tpu.memory_space<vmem>>, vector<16xf32>,
      %parallel_loop3A_290 = arith.constant 128 : i32
      %parallel_loop3A_291 = arith.addi %parallel_loop3A_287, %parallel_loop3A_290 : i32
      %parallel_loop3A_292 = arith.index_cast %parallel_loop3A_291 : i32 to index
      %parallel_loop3A_293 = tpu.vector_load %arg15[%parallel_loop3A_292] {strides = array<i32>} : memref<12288xf32, #tpu.memory_space<vmem>>, vector<16xf32>,
      %parallel_loop3A_294 = arith.constant 256 : i32
      %parallel_loop3A_295 = arith.addi %parallel_loop3A_287, %parallel_loop3A_294 : i32
      %parallel_loop3A_296 = arith.index_cast %parallel_loop3A_295 : i32 to index
      %parallel_loop3A_297 = tpu.vector_load %arg15[%parallel_loop3A_296] {strides = array<i32>} : memref<12288xf32, #tpu.memory_space<vmem>>, vector<16xf32>,
      %parallel_loop3A_298 = arith.constant 256 : i32
      %parallel_loop3A_299 = arith.muli %parallel_loop3A_266, %parallel_loop3A_298 : i32
      %parallel_loop3A_300 = arith.addi %parallel_loop3A_299, %parallel_loop3A_284 : i32
      %parallel_loop3A_301 = arith.mulf %parallel_loop3A_237, %parallel_loop3A_289 : vector<16xf32>
      %parallel_loop3A_302 = arith.mulf %parallel_loop3A_239, %parallel_loop3A_293 : vector<16xf32>
      %parallel_loop3A_303 = arith.addf %parallel_loop3A_301, %parallel_loop3A_302 : vector<16xf32>
      %parallel_loop3A_304 = arith.mulf %parallel_loop3A_241, %parallel_loop3A_297 : vector<16xf32>
      %parallel_loop3A_305 = arith.addf %parallel_loop3A_303, %parallel_loop3A_304 : vector<16xf32>
      %parallel_loop3A_306 = arith.index_cast %parallel_loop3A_300 : i32 to index
      %parallel_loop3A_307 = tpu.vector_load %arg17[%parallel_loop3A_306] {strides = array<i32>} : memref<8192xf32, #tpu.memory_space<vmem>>, vector<16xf32>,
      tpu.vector_store %arg17[%parallel_loop3A_306], %parallel_loop3A_305 {strides = array<i32>} : memref<8192xf32, #tpu.memory_space<vmem>>, vector<16xf32>,
      %parallel_loop3A_308 = arith.mulf %parallel_loop3A_238, %parallel_loop3A_289 : vector<16xf32>
      %parallel_loop3A_309 = arith.mulf %parallel_loop3A_240, %parallel_loop3A_293 : vector<16xf32>
      %parallel_loop3A_310 = arith.addf %parallel_loop3A_308, %parallel_loop3A_309 : vector<16xf32>
      %parallel_loop3A_311 = arith.mulf %parallel_loop3A_242, %parallel_loop3A_297 : vector<16xf32>
      %parallel_loop3A_312 = arith.addf %parallel_loop3A_310, %parallel_loop3A_311 : vector<16xf32>
      %parallel_loop3A_313 = arith.constant 128 : i32
      %parallel_loop3A_314 = arith.addi %parallel_loop3A_300, %parallel_loop3A_313 : i32
      %parallel_loop3A_315 = arith.index_cast %parallel_loop3A_314 : i32 to index
      %parallel_loop3A_316 = tpu.vector_load %arg17[%parallel_loop3A_315] {strides = array<i32>} : memref<8192xf32, #tpu.memory_space<vmem>>, vector<16xf32>,
      tpu.vector_store %arg17[%parallel_loop3A_315], %parallel_loop3A_312 {strides = array<i32>} : memref<8192xf32, #tpu.memory_space<vmem>>, vector<16xf32>,
    } {sc.loop_unroll_factor = 8 : i64, sc.parallel_access}
    %add3A_92 = arith.constant 4096 : i32
    %add3A_93 = arith.addi %mul3A_2, %add3A_92 : i32
    %mul3A_94 = arith.constant 2 : i32
    %mul3A_95 = arith.muli %mul3A_94, %add3A_93 : i32
    %dma_start3A_96 = tpu.memref_slice %arg5[%mul3A_95] : memref<2097152xf32, #tpu.memory_space<hbm>> -> memref<8192xf32, #tpu.memory_space<hbm>>
    %dma_start3A_97 = tpu.memref_slice %arg5[%mul3A_95] : memref<2097152xf32, #tpu.memory_space<hbm>> -> memref<8192xf32, #tpu.memory_space<hbm>>
    tpu.enqueue_dma source(%arg17 : memref<8192xf32, #tpu.memory_space<vmem>>) target(%dma_start3A_97 : memref<8192xf32, #tpu.memory_space<hbm>>) target_semaphore(%arg21 : memref<!tpu.dma_semaphore, #tpu.memory_space<semaphore_mem>>)
    %add3A_98 = arith.constant 12288 : i32
    %add3A_99 = arith.addi %mul3A_2, %add3A_98 : i32
    %dma_start3A_100 = tpu.memref_slice %arg3[%add3A_99] : memref<1048576xi32, #tpu.memory_space<hbm>> -> memref<4096xi32, #tpu.memory_space<hbm>>
    %dma_start3A_101 = tpu.memref_slice %arg3[%add3A_99] : memref<1048576xi32, #tpu.memory_space<hbm>> -> memref<4096xi32, #tpu.memory_space<hbm>>
    tpu.enqueue_dma source(%dma_start3A_101 : memref<4096xi32, #tpu.memory_space<hbm>>) target(%arg13 : memref<4096xi32, #tpu.memory_space<vmem>>) target_semaphore(%arg19 : memref<!tpu.dma_semaphore, #tpu.memory_space<semaphore_mem>>)
    %mul3A_102 = arith.constant 3 : i32
    %mul3A_103 = arith.muli %mul3A_102, %add3A_99 : i32
    %dma_start3A_104 = tpu.memref_slice %arg4[%mul3A_103] : memref<3145728xf32, #tpu.memory_space<hbm>> -> memref<12288xf32, #tpu.memory_space<hbm>>
    %dma_start3A_105 = tpu.memref_slice %arg4[%mul3A_103] : memref<3145728xf32, #tpu.memory_space<hbm>> -> memref<12288xf32, #tpu.memory_space<hbm>>
    tpu.enqueue_dma source(%dma_start3A_105 : memref<12288xf32, #tpu.memory_space<hbm>>) target(%arg15 : memref<12288xf32, #tpu.memory_space<vmem>>) target_semaphore(%arg19 : memref<!tpu.dma_semaphore, #tpu.memory_space<semaphore_mem>>)
    %dma_wait3A_106 = tpu.memref_slice %arg3[%add3A_78] : memref<1048576xi32, #tpu.memory_space<hbm>> -> memref<4096xi32, #tpu.memory_space<hbm>>
    %dma_wait3A_107 = tpu.memref_slice %arg3[%add3A_78] : memref<1048576xi32, #tpu.memory_space<hbm>> -> memref<4096xi32, #tpu.memory_space<hbm>>
    tpu.wait_dma2 semaphore(%arg18 : memref<!tpu.dma_semaphore, #tpu.memory_space<semaphore_mem>>) src(%dma_wait3A_107 : memref<4096xi32, #tpu.memory_space<hbm>>) dst(%arg12 : memref<4096xi32, #tpu.memory_space<vmem>>)
    %dma_wait3A_108 = tpu.memref_slice %arg4[%mul3A_82] : memref<3145728xf32, #tpu.memory_space<hbm>> -> memref<12288xf32, #tpu.memory_space<hbm>>
    %dma_wait3A_109 = tpu.memref_slice %arg4[%mul3A_82] : memref<3145728xf32, #tpu.memory_space<hbm>> -> memref<12288xf32, #tpu.memory_space<hbm>>
    tpu.wait_dma2 semaphore(%arg18 : memref<!tpu.dma_semaphore, #tpu.memory_space<semaphore_mem>>) src(%dma_wait3A_109 : memref<12288xf32, #tpu.memory_space<hbm>>) dst(%arg14 : memref<12288xf32, #tpu.memory_space<vmem>>)
    %dma_wait3A_110 = tpu.memref_slice %arg5[%mul3A_74] : memref<2097152xf32, #tpu.memory_space<hbm>> -> memref<8192xf32, #tpu.memory_space<hbm>>
    %dma_wait3A_111 = tpu.memref_slice %arg5[%mul3A_74] : memref<2097152xf32, #tpu.memory_space<hbm>> -> memref<8192xf32, #tpu.memory_space<hbm>>
    tpu.wait_dma2 semaphore(%arg20 : memref<!tpu.dma_semaphore, #tpu.memory_space<semaphore_mem>>) src(%arg16 : memref<8192xf32, #tpu.memory_space<vmem>>) dst(%dma_wait3A_111 : memref<8192xf32, #tpu.memory_space<hbm>>)
    %parallel_loop3A_112 = arith.constant 0 : i32
    %parallel_loop3A_113 = arith.constant 256 : i32
    %parallel_loop3A_114 = arith.constant 1 : i32
    scf.for %parallel_loop3A_232 = %parallel_loop3A_112 to %parallel_loop3A_113 step %parallel_loop3A_114  : i32 {
      %parallel_loop3A_233 = arith.constant 16 : i32
      %parallel_loop3A_234 = arith.muli %parallel_loop3A_232, %parallel_loop3A_233 : i32
      %parallel_loop3A_235 = arith.index_cast %parallel_loop3A_234 : i32 to index
      %parallel_loop3A_236 = tpu.vector_load %arg12[%parallel_loop3A_235] {strides = array<i32>} : memref<4096xi32, #tpu.memory_space<vmem>>, vector<16xi32>,
      %parallel_loop3A_237 = tpu.vector_load_idx %arg6[%parallel_loop3A_236] : memref<1544xf32, #tpu.memory_space<vmem>>[vector<16xi32>], vector<16xf32>,
      %parallel_loop3A_238 = tpu.vector_load_idx %arg7[%parallel_loop3A_236] : memref<1544xf32, #tpu.memory_space<vmem>>[vector<16xi32>], vector<16xf32>,
      %parallel_loop3A_239 = tpu.vector_load_idx %arg8[%parallel_loop3A_236] : memref<1544xf32, #tpu.memory_space<vmem>>[vector<16xi32>], vector<16xf32>,
      %parallel_loop3A_240 = tpu.vector_load_idx %arg9[%parallel_loop3A_236] : memref<1544xf32, #tpu.memory_space<vmem>>[vector<16xi32>], vector<16xf32>,
      %parallel_loop3A_241 = tpu.vector_load_idx %arg10[%parallel_loop3A_236] : memref<1544xf32, #tpu.memory_space<vmem>>[vector<16xi32>], vector<16xf32>,
      %parallel_loop3A_242 = tpu.vector_load_idx %arg11[%parallel_loop3A_236] : memref<1544xf32, #tpu.memory_space<vmem>>[vector<16xi32>], vector<16xf32>,
      %parallel_loop3A_243 = arith.constant 8 : i32
      %parallel_loop3A_244 = arith.divsi %parallel_loop3A_232, %parallel_loop3A_243 : i32
      %parallel_loop3A_245 = arith.constant 0 : i32
      %parallel_loop3A_246 = arith.cmpi sgt, %parallel_loop3A_232, %parallel_loop3A_245 : i32
      %parallel_loop3A_247 = arith.extui %parallel_loop3A_246 : i1 to i32
      %parallel_loop3A_248 = arith.constant 0 : i32
      %parallel_loop3A_249 = arith.cmpi slt, %parallel_loop3A_232, %parallel_loop3A_248 : i32
      %parallel_loop3A_250 = arith.extui %parallel_loop3A_249 : i1 to i32
      %parallel_loop3A_251 = arith.subi %parallel_loop3A_247, %parallel_loop3A_250 : i32
      %parallel_loop3A_252 = arith.constant 0 : i32
      %parallel_loop3A_253 = arith.cmpi sgt, %parallel_loop3A_243, %parallel_loop3A_252 : i32
      %parallel_loop3A_254 = arith.extui %parallel_loop3A_253 : i1 to i32
      %parallel_loop3A_255 = arith.constant 0 : i32
      %parallel_loop3A_256 = arith.cmpi slt, %parallel_loop3A_243, %parallel_loop3A_255 : i32
      %parallel_loop3A_257 = arith.extui %parallel_loop3A_256 : i1 to i32
      %parallel_loop3A_258 = arith.subi %parallel_loop3A_254, %parallel_loop3A_257 : i32
      %parallel_loop3A_259 = arith.cmpi ne, %parallel_loop3A_251, %parallel_loop3A_258 : i32
      %parallel_loop3A_260 = arith.remsi %parallel_loop3A_232, %parallel_loop3A_243 : i32
      %parallel_loop3A_261 = arith.constant 0 : i32
      %parallel_loop3A_262 = arith.cmpi ne, %parallel_loop3A_260, %parallel_loop3A_261 : i32
      %parallel_loop3A_263 = arith.andi %parallel_loop3A_259, %parallel_loop3A_262 : i1
      %parallel_loop3A_264 = arith.constant 1 : i32
      %parallel_loop3A_265 = arith.subi %parallel_loop3A_244, %parallel_loop3A_264 : i32
      %parallel_loop3A_266 = arith.select %parallel_loop3A_263, %parallel_loop3A_265, %parallel_loop3A_244 : i32
      %parallel_loop3A_267 = arith.constant 8 : i32
      %parallel_loop3A_268 = arith.constant 0 : i32
      %parallel_loop3A_269 = arith.cmpi eq, %parallel_loop3A_267, %parallel_loop3A_268 : i32
      %parallel_loop3A_270 = arith.constant 1 : i32
      %parallel_loop3A_271 = arith.select %parallel_loop3A_269, %parallel_loop3A_270, %parallel_loop3A_267 : i32
      %parallel_loop3A_272 = arith.remsi %parallel_loop3A_232, %parallel_loop3A_271 : i32
      %parallel_loop3A_273 = arith.constant 0 : i32
      %parallel_loop3A_274 = arith.cmpi ne, %parallel_loop3A_272, %parallel_loop3A_273 : i32
      %parallel_loop3A_275 = arith.constant 0 : i32
      %parallel_loop3A_276 = arith.cmpi slt, %parallel_loop3A_272, %parallel_loop3A_275 : i32
      %parallel_loop3A_277 = arith.constant 0 : i32
      %parallel_loop3A_278 = arith.cmpi slt, %parallel_loop3A_271, %parallel_loop3A_277 : i32
      %parallel_loop3A_279 = arith.xori %parallel_loop3A_276, %parallel_loop3A_278 : i1
      %parallel_loop3A_280 = arith.andi %parallel_loop3A_279, %parallel_loop3A_274 : i1
      %parallel_loop3A_281 = arith.addi %parallel_loop3A_272, %parallel_loop3A_271 : i32
      %parallel_loop3A_282 = arith.select %parallel_loop3A_280, %parallel_loop3A_281, %parallel_loop3A_272 : i32
      %parallel_loop3A_283 = arith.constant 16 : i32
      %parallel_loop3A_284 = arith.muli %parallel_loop3A_282, %parallel_loop3A_283 : i32
      %parallel_loop3A_285 = arith.constant 384 : i32
      %parallel_loop3A_286 = arith.muli %parallel_loop3A_266, %parallel_loop3A_285 : i32
      %parallel_loop3A_287 = arith.addi %parallel_loop3A_286, %parallel_loop3A_284 : i32
      %parallel_loop3A_288 = arith.index_cast %parallel_loop3A_287 : i32 to index
      %parallel_loop3A_289 = tpu.vector_load %arg14[%parallel_loop3A_288] {strides = array<i32>} : memref<12288xf32, #tpu.memory_space<vmem>>, vector<16xf32>,
      %parallel_loop3A_290 = arith.constant 128 : i32
      %parallel_loop3A_291 = arith.addi %parallel_loop3A_287, %parallel_loop3A_290 : i32
      %parallel_loop3A_292 = arith.index_cast %parallel_loop3A_291 : i32 to index
      %parallel_loop3A_293 = tpu.vector_load %arg14[%parallel_loop3A_292] {strides = array<i32>} : memref<12288xf32, #tpu.memory_space<vmem>>, vector<16xf32>,
      %parallel_loop3A_294 = arith.constant 256 : i32
      %parallel_loop3A_295 = arith.addi %parallel_loop3A_287, %parallel_loop3A_294 : i32
      %parallel_loop3A_296 = arith.index_cast %parallel_loop3A_295 : i32 to index
      %parallel_loop3A_297 = tpu.vector_load %arg14[%parallel_loop3A_296] {strides = array<i32>} : memref<12288xf32, #tpu.memory_space<vmem>>, vector<16xf32>,
      %parallel_loop3A_298 = arith.constant 256 : i32
      %parallel_loop3A_299 = arith.muli %parallel_loop3A_266, %parallel_loop3A_298 : i32
      %parallel_loop3A_300 = arith.addi %parallel_loop3A_299, %parallel_loop3A_284 : i32
      %parallel_loop3A_301 = arith.mulf %parallel_loop3A_237, %parallel_loop3A_289 : vector<16xf32>
      %parallel_loop3A_302 = arith.mulf %parallel_loop3A_239, %parallel_loop3A_293 : vector<16xf32>
      %parallel_loop3A_303 = arith.addf %parallel_loop3A_301, %parallel_loop3A_302 : vector<16xf32>
      %parallel_loop3A_304 = arith.mulf %parallel_loop3A_241, %parallel_loop3A_297 : vector<16xf32>
      %parallel_loop3A_305 = arith.addf %parallel_loop3A_303, %parallel_loop3A_304 : vector<16xf32>
      %parallel_loop3A_306 = arith.index_cast %parallel_loop3A_300 : i32 to index
      %parallel_loop3A_307 = tpu.vector_load %arg16[%parallel_loop3A_306] {strides = array<i32>} : memref<8192xf32, #tpu.memory_space<vmem>>, vector<16xf32>,
      tpu.vector_store %arg16[%parallel_loop3A_306], %parallel_loop3A_305 {strides = array<i32>} : memref<8192xf32, #tpu.memory_space<vmem>>, vector<16xf32>,
      %parallel_loop3A_308 = arith.mulf %parallel_loop3A_238, %parallel_loop3A_289 : vector<16xf32>
      %parallel_loop3A_309 = arith.mulf %parallel_loop3A_240, %parallel_loop3A_293 : vector<16xf32>
      %parallel_loop3A_310 = arith.addf %parallel_loop3A_308, %parallel_loop3A_309 : vector<16xf32>
      %parallel_loop3A_311 = arith.mulf %parallel_loop3A_242, %parallel_loop3A_297 : vector<16xf32>
      %parallel_loop3A_312 = arith.addf %parallel_loop3A_310, %parallel_loop3A_311 : vector<16xf32>
      %parallel_loop3A_313 = arith.constant 128 : i32
      %parallel_loop3A_314 = arith.addi %parallel_loop3A_300, %parallel_loop3A_313 : i32
      %parallel_loop3A_315 = arith.index_cast %parallel_loop3A_314 : i32 to index
      %parallel_loop3A_316 = tpu.vector_load %arg16[%parallel_loop3A_315] {strides = array<i32>} : memref<8192xf32, #tpu.memory_space<vmem>>, vector<16xf32>,
      tpu.vector_store %arg16[%parallel_loop3A_315], %parallel_loop3A_312 {strides = array<i32>} : memref<8192xf32, #tpu.memory_space<vmem>>, vector<16xf32>,
    } {sc.loop_unroll_factor = 8 : i64, sc.parallel_access}
    %add3A_115 = arith.constant 8192 : i32
    %add3A_116 = arith.addi %mul3A_2, %add3A_115 : i32
    %mul3A_117 = arith.constant 2 : i32
    %mul3A_118 = arith.muli %mul3A_117, %add3A_116 : i32
    %dma_start3A_119 = tpu.memref_slice %arg5[%mul3A_118] : memref<2097152xf32, #tpu.memory_space<hbm>> -> memref<8192xf32, #tpu.memory_space<hbm>>
    %dma_start3A_120 = tpu.memref_slice %arg5[%mul3A_118] : memref<2097152xf32, #tpu.memory_space<hbm>> -> memref<8192xf32, #tpu.memory_space<hbm>>
    tpu.enqueue_dma source(%arg16 : memref<8192xf32, #tpu.memory_space<vmem>>) target(%dma_start3A_120 : memref<8192xf32, #tpu.memory_space<hbm>>) target_semaphore(%arg20 : memref<!tpu.dma_semaphore, #tpu.memory_space<semaphore_mem>>)
    %add3A_121 = arith.constant 16384 : i32
    %add3A_122 = arith.addi %mul3A_2, %add3A_121 : i32
    %dma_start3A_123 = tpu.memref_slice %arg3[%add3A_122] : memref<1048576xi32, #tpu.memory_space<hbm>> -> memref<4096xi32, #tpu.memory_space<hbm>>
    %dma_start3A_124 = tpu.memref_slice %arg3[%add3A_122] : memref<1048576xi32, #tpu.memory_space<hbm>> -> memref<4096xi32, #tpu.memory_space<hbm>>
    tpu.enqueue_dma source(%dma_start3A_124 : memref<4096xi32, #tpu.memory_space<hbm>>) target(%arg12 : memref<4096xi32, #tpu.memory_space<vmem>>) target_semaphore(%arg18 : memref<!tpu.dma_semaphore, #tpu.memory_space<semaphore_mem>>)
    %mul3A_125 = arith.constant 3 : i32
    %mul3A_126 = arith.muli %mul3A_125, %add3A_122 : i32
    %dma_start3A_127 = tpu.memref_slice %arg4[%mul3A_126] : memref<3145728xf32, #tpu.memory_space<hbm>> -> memref<12288xf32, #tpu.memory_space<hbm>>
    %dma_start3A_128 = tpu.memref_slice %arg4[%mul3A_126] : memref<3145728xf32, #tpu.memory_space<hbm>> -> memref<12288xf32, #tpu.memory_space<hbm>>
    tpu.enqueue_dma source(%dma_start3A_128 : memref<12288xf32, #tpu.memory_space<hbm>>) target(%arg14 : memref<12288xf32, #tpu.memory_space<vmem>>) target_semaphore(%arg18 : memref<!tpu.dma_semaphore, #tpu.memory_space<semaphore_mem>>)
    %dma_wait3A_129 = tpu.memref_slice %arg3[%add3A_99] : memref<1048576xi32, #tpu.memory_space<hbm>> -> memref<4096xi32, #tpu.memory_space<hbm>>
    %dma_wait3A_130 = tpu.memref_slice %arg3[%add3A_99] : memref<1048576xi32, #tpu.memory_space<hbm>> -> memref<4096xi32, #tpu.memory_space<hbm>>
    tpu.wait_dma2 semaphore(%arg19 : memref<!tpu.dma_semaphore, #tpu.memory_space<semaphore_mem>>) src(%dma_wait3A_130 : memref<4096xi32, #tpu.memory_space<hbm>>) dst(%arg13 : memref<4096xi32, #tpu.memory_space<vmem>>)
    %dma_wait3A_131 = tpu.memref_slice %arg4[%mul3A_103] : memref<3145728xf32, #tpu.memory_space<hbm>> -> memref<12288xf32, #tpu.memory_space<hbm>>
    %dma_wait3A_132 = tpu.memref_slice %arg4[%mul3A_103] : memref<3145728xf32, #tpu.memory_space<hbm>> -> memref<12288xf32, #tpu.memory_space<hbm>>
    tpu.wait_dma2 semaphore(%arg19 : memref<!tpu.dma_semaphore, #tpu.memory_space<semaphore_mem>>) src(%dma_wait3A_132 : memref<12288xf32, #tpu.memory_space<hbm>>) dst(%arg15 : memref<12288xf32, #tpu.memory_space<vmem>>)
    %dma_wait3A_133 = tpu.memref_slice %arg5[%mul3A_95] : memref<2097152xf32, #tpu.memory_space<hbm>> -> memref<8192xf32, #tpu.memory_space<hbm>>
    %dma_wait3A_134 = tpu.memref_slice %arg5[%mul3A_95] : memref<2097152xf32, #tpu.memory_space<hbm>> -> memref<8192xf32, #tpu.memory_space<hbm>>
    tpu.wait_dma2 semaphore(%arg21 : memref<!tpu.dma_semaphore, #tpu.memory_space<semaphore_mem>>) src(%arg17 : memref<8192xf32, #tpu.memory_space<vmem>>) dst(%dma_wait3A_134 : memref<8192xf32, #tpu.memory_space<hbm>>)
    %parallel_loop3A_135 = arith.constant 0 : i32
    %parallel_loop3A_136 = arith.constant 256 : i32
    %parallel_loop3A_137 = arith.constant 1 : i32
    scf.for %parallel_loop3A_232 = %parallel_loop3A_135 to %parallel_loop3A_136 step %parallel_loop3A_137  : i32 {
      %parallel_loop3A_233 = arith.constant 16 : i32
      %parallel_loop3A_234 = arith.muli %parallel_loop3A_232, %parallel_loop3A_233 : i32
      %parallel_loop3A_235 = arith.index_cast %parallel_loop3A_234 : i32 to index
      %parallel_loop3A_236 = tpu.vector_load %arg13[%parallel_loop3A_235] {strides = array<i32>} : memref<4096xi32, #tpu.memory_space<vmem>>, vector<16xi32>,
      %parallel_loop3A_237 = tpu.vector_load_idx %arg6[%parallel_loop3A_236] : memref<1544xf32, #tpu.memory_space<vmem>>[vector<16xi32>], vector<16xf32>,
      %parallel_loop3A_238 = tpu.vector_load_idx %arg7[%parallel_loop3A_236] : memref<1544xf32, #tpu.memory_space<vmem>>[vector<16xi32>], vector<16xf32>,
      %parallel_loop3A_239 = tpu.vector_load_idx %arg8[%parallel_loop3A_236] : memref<1544xf32, #tpu.memory_space<vmem>>[vector<16xi32>], vector<16xf32>,
      %parallel_loop3A_240 = tpu.vector_load_idx %arg9[%parallel_loop3A_236] : memref<1544xf32, #tpu.memory_space<vmem>>[vector<16xi32>], vector<16xf32>,
      %parallel_loop3A_241 = tpu.vector_load_idx %arg10[%parallel_loop3A_236] : memref<1544xf32, #tpu.memory_space<vmem>>[vector<16xi32>], vector<16xf32>,
      %parallel_loop3A_242 = tpu.vector_load_idx %arg11[%parallel_loop3A_236] : memref<1544xf32, #tpu.memory_space<vmem>>[vector<16xi32>], vector<16xf32>,
      %parallel_loop3A_243 = arith.constant 8 : i32
      %parallel_loop3A_244 = arith.divsi %parallel_loop3A_232, %parallel_loop3A_243 : i32
      %parallel_loop3A_245 = arith.constant 0 : i32
      %parallel_loop3A_246 = arith.cmpi sgt, %parallel_loop3A_232, %parallel_loop3A_245 : i32
      %parallel_loop3A_247 = arith.extui %parallel_loop3A_246 : i1 to i32
      %parallel_loop3A_248 = arith.constant 0 : i32
      %parallel_loop3A_249 = arith.cmpi slt, %parallel_loop3A_232, %parallel_loop3A_248 : i32
      %parallel_loop3A_250 = arith.extui %parallel_loop3A_249 : i1 to i32
      %parallel_loop3A_251 = arith.subi %parallel_loop3A_247, %parallel_loop3A_250 : i32
      %parallel_loop3A_252 = arith.constant 0 : i32
      %parallel_loop3A_253 = arith.cmpi sgt, %parallel_loop3A_243, %parallel_loop3A_252 : i32
      %parallel_loop3A_254 = arith.extui %parallel_loop3A_253 : i1 to i32
      %parallel_loop3A_255 = arith.constant 0 : i32
      %parallel_loop3A_256 = arith.cmpi slt, %parallel_loop3A_243, %parallel_loop3A_255 : i32
      %parallel_loop3A_257 = arith.extui %parallel_loop3A_256 : i1 to i32
      %parallel_loop3A_258 = arith.subi %parallel_loop3A_254, %parallel_loop3A_257 : i32
      %parallel_loop3A_259 = arith.cmpi ne, %parallel_loop3A_251, %parallel_loop3A_258 : i32
      %parallel_loop3A_260 = arith.remsi %parallel_loop3A_232, %parallel_loop3A_243 : i32
      %parallel_loop3A_261 = arith.constant 0 : i32
      %parallel_loop3A_262 = arith.cmpi ne, %parallel_loop3A_260, %parallel_loop3A_261 : i32
      %parallel_loop3A_263 = arith.andi %parallel_loop3A_259, %parallel_loop3A_262 : i1
      %parallel_loop3A_264 = arith.constant 1 : i32
      %parallel_loop3A_265 = arith.subi %parallel_loop3A_244, %parallel_loop3A_264 : i32
      %parallel_loop3A_266 = arith.select %parallel_loop3A_263, %parallel_loop3A_265, %parallel_loop3A_244 : i32
      %parallel_loop3A_267 = arith.constant 8 : i32
      %parallel_loop3A_268 = arith.constant 0 : i32
      %parallel_loop3A_269 = arith.cmpi eq, %parallel_loop3A_267, %parallel_loop3A_268 : i32
      %parallel_loop3A_270 = arith.constant 1 : i32
      %parallel_loop3A_271 = arith.select %parallel_loop3A_269, %parallel_loop3A_270, %parallel_loop3A_267 : i32
      %parallel_loop3A_272 = arith.remsi %parallel_loop3A_232, %parallel_loop3A_271 : i32
      %parallel_loop3A_273 = arith.constant 0 : i32
      %parallel_loop3A_274 = arith.cmpi ne, %parallel_loop3A_272, %parallel_loop3A_273 : i32
      %parallel_loop3A_275 = arith.constant 0 : i32
      %parallel_loop3A_276 = arith.cmpi slt, %parallel_loop3A_272, %parallel_loop3A_275 : i32
      %parallel_loop3A_277 = arith.constant 0 : i32
      %parallel_loop3A_278 = arith.cmpi slt, %parallel_loop3A_271, %parallel_loop3A_277 : i32
      %parallel_loop3A_279 = arith.xori %parallel_loop3A_276, %parallel_loop3A_278 : i1
      %parallel_loop3A_280 = arith.andi %parallel_loop3A_279, %parallel_loop3A_274 : i1
      %parallel_loop3A_281 = arith.addi %parallel_loop3A_272, %parallel_loop3A_271 : i32
      %parallel_loop3A_282 = arith.select %parallel_loop3A_280, %parallel_loop3A_281, %parallel_loop3A_272 : i32
      %parallel_loop3A_283 = arith.constant 16 : i32
      %parallel_loop3A_284 = arith.muli %parallel_loop3A_282, %parallel_loop3A_283 : i32
      %parallel_loop3A_285 = arith.constant 384 : i32
      %parallel_loop3A_286 = arith.muli %parallel_loop3A_266, %parallel_loop3A_285 : i32
      %parallel_loop3A_287 = arith.addi %parallel_loop3A_286, %parallel_loop3A_284 : i32
      %parallel_loop3A_288 = arith.index_cast %parallel_loop3A_287 : i32 to index
      %parallel_loop3A_289 = tpu.vector_load %arg15[%parallel_loop3A_288] {strides = array<i32>} : memref<12288xf32, #tpu.memory_space<vmem>>, vector<16xf32>,
      %parallel_loop3A_290 = arith.constant 128 : i32
      %parallel_loop3A_291 = arith.addi %parallel_loop3A_287, %parallel_loop3A_290 : i32
      %parallel_loop3A_292 = arith.index_cast %parallel_loop3A_291 : i32 to index
      %parallel_loop3A_293 = tpu.vector_load %arg15[%parallel_loop3A_292] {strides = array<i32>} : memref<12288xf32, #tpu.memory_space<vmem>>, vector<16xf32>,
      %parallel_loop3A_294 = arith.constant 256 : i32
      %parallel_loop3A_295 = arith.addi %parallel_loop3A_287, %parallel_loop3A_294 : i32
      %parallel_loop3A_296 = arith.index_cast %parallel_loop3A_295 : i32 to index
      %parallel_loop3A_297 = tpu.vector_load %arg15[%parallel_loop3A_296] {strides = array<i32>} : memref<12288xf32, #tpu.memory_space<vmem>>, vector<16xf32>,
      %parallel_loop3A_298 = arith.constant 256 : i32
      %parallel_loop3A_299 = arith.muli %parallel_loop3A_266, %parallel_loop3A_298 : i32
      %parallel_loop3A_300 = arith.addi %parallel_loop3A_299, %parallel_loop3A_284 : i32
      %parallel_loop3A_301 = arith.mulf %parallel_loop3A_237, %parallel_loop3A_289 : vector<16xf32>
      %parallel_loop3A_302 = arith.mulf %parallel_loop3A_239, %parallel_loop3A_293 : vector<16xf32>
      %parallel_loop3A_303 = arith.addf %parallel_loop3A_301, %parallel_loop3A_302 : vector<16xf32>
      %parallel_loop3A_304 = arith.mulf %parallel_loop3A_241, %parallel_loop3A_297 : vector<16xf32>
      %parallel_loop3A_305 = arith.addf %parallel_loop3A_303, %parallel_loop3A_304 : vector<16xf32>
      %parallel_loop3A_306 = arith.index_cast %parallel_loop3A_300 : i32 to index
      %parallel_loop3A_307 = tpu.vector_load %arg17[%parallel_loop3A_306] {strides = array<i32>} : memref<8192xf32, #tpu.memory_space<vmem>>, vector<16xf32>,
      tpu.vector_store %arg17[%parallel_loop3A_306], %parallel_loop3A_305 {strides = array<i32>} : memref<8192xf32, #tpu.memory_space<vmem>>, vector<16xf32>,
      %parallel_loop3A_308 = arith.mulf %parallel_loop3A_238, %parallel_loop3A_289 : vector<16xf32>
      %parallel_loop3A_309 = arith.mulf %parallel_loop3A_240, %parallel_loop3A_293 : vector<16xf32>
      %parallel_loop3A_310 = arith.addf %parallel_loop3A_308, %parallel_loop3A_309 : vector<16xf32>
      %parallel_loop3A_311 = arith.mulf %parallel_loop3A_242, %parallel_loop3A_297 : vector<16xf32>
      %parallel_loop3A_312 = arith.addf %parallel_loop3A_310, %parallel_loop3A_311 : vector<16xf32>
      %parallel_loop3A_313 = arith.constant 128 : i32
      %parallel_loop3A_314 = arith.addi %parallel_loop3A_300, %parallel_loop3A_313 : i32
      %parallel_loop3A_315 = arith.index_cast %parallel_loop3A_314 : i32 to index
      %parallel_loop3A_316 = tpu.vector_load %arg17[%parallel_loop3A_315] {strides = array<i32>} : memref<8192xf32, #tpu.memory_space<vmem>>, vector<16xf32>,
      tpu.vector_store %arg17[%parallel_loop3A_315], %parallel_loop3A_312 {strides = array<i32>} : memref<8192xf32, #tpu.memory_space<vmem>>, vector<16xf32>,
    } {sc.loop_unroll_factor = 8 : i64, sc.parallel_access}
    %add3A_138 = arith.constant 12288 : i32
    %add3A_139 = arith.addi %mul3A_2, %add3A_138 : i32
    %mul3A_140 = arith.constant 2 : i32
    %mul3A_141 = arith.muli %mul3A_140, %add3A_139 : i32
    %dma_start3A_142 = tpu.memref_slice %arg5[%mul3A_141] : memref<2097152xf32, #tpu.memory_space<hbm>> -> memref<8192xf32, #tpu.memory_space<hbm>>
    %dma_start3A_143 = tpu.memref_slice %arg5[%mul3A_141] : memref<2097152xf32, #tpu.memory_space<hbm>> -> memref<8192xf32, #tpu.memory_space<hbm>>
    tpu.enqueue_dma source(%arg17 : memref<8192xf32, #tpu.memory_space<vmem>>) target(%dma_start3A_143 : memref<8192xf32, #tpu.memory_space<hbm>>) target_semaphore(%arg21 : memref<!tpu.dma_semaphore, #tpu.memory_space<semaphore_mem>>)
    %add3A_144 = arith.constant 20480 : i32
    %add3A_145 = arith.addi %mul3A_2, %add3A_144 : i32
    %dma_start3A_146 = tpu.memref_slice %arg3[%add3A_145] : memref<1048576xi32, #tpu.memory_space<hbm>> -> memref<4096xi32, #tpu.memory_space<hbm>>
    %dma_start3A_147 = tpu.memref_slice %arg3[%add3A_145] : memref<1048576xi32, #tpu.memory_space<hbm>> -> memref<4096xi32, #tpu.memory_space<hbm>>
    tpu.enqueue_dma source(%dma_start3A_147 : memref<4096xi32, #tpu.memory_space<hbm>>) target(%arg13 : memref<4096xi32, #tpu.memory_space<vmem>>) target_semaphore(%arg19 : memref<!tpu.dma_semaphore, #tpu.memory_space<semaphore_mem>>)
    %mul3A_148 = arith.constant 3 : i32
    %mul3A_149 = arith.muli %mul3A_148, %add3A_145 : i32
    %dma_start3A_150 = tpu.memref_slice %arg4[%mul3A_149] : memref<3145728xf32, #tpu.memory_space<hbm>> -> memref<12288xf32, #tpu.memory_space<hbm>>
    %dma_start3A_151 = tpu.memref_slice %arg4[%mul3A_149] : memref<3145728xf32, #tpu.memory_space<hbm>> -> memref<12288xf32, #tpu.memory_space<hbm>>
    tpu.enqueue_dma source(%dma_start3A_151 : memref<12288xf32, #tpu.memory_space<hbm>>) target(%arg15 : memref<12288xf32, #tpu.memory_space<vmem>>) target_semaphore(%arg19 : memref<!tpu.dma_semaphore, #tpu.memory_space<semaphore_mem>>)
    %dma_wait3A_152 = tpu.memref_slice %arg3[%add3A_122] : memref<1048576xi32, #tpu.memory_space<hbm>> -> memref<4096xi32, #tpu.memory_space<hbm>>
    %dma_wait3A_153 = tpu.memref_slice %arg3[%add3A_122] : memref<1048576xi32, #tpu.memory_space<hbm>> -> memref<4096xi32, #tpu.memory_space<hbm>>
    tpu.wait_dma2 semaphore(%arg18 : memref<!tpu.dma_semaphore, #tpu.memory_space<semaphore_mem>>) src(%dma_wait3A_153 : memref<4096xi32, #tpu.memory_space<hbm>>) dst(%arg12 : memref<4096xi32, #tpu.memory_space<vmem>>)
    %dma_wait3A_154 = tpu.memref_slice %arg4[%mul3A_126] : memref<3145728xf32, #tpu.memory_space<hbm>> -> memref<12288xf32, #tpu.memory_space<hbm>>
    %dma_wait3A_155 = tpu.memref_slice %arg4[%mul3A_126] : memref<3145728xf32, #tpu.memory_space<hbm>> -> memref<12288xf32, #tpu.memory_space<hbm>>
    tpu.wait_dma2 semaphore(%arg18 : memref<!tpu.dma_semaphore, #tpu.memory_space<semaphore_mem>>) src(%dma_wait3A_155 : memref<12288xf32, #tpu.memory_space<hbm>>) dst(%arg14 : memref<12288xf32, #tpu.memory_space<vmem>>)
    %dma_wait3A_156 = tpu.memref_slice %arg5[%mul3A_118] : memref<2097152xf32, #tpu.memory_space<hbm>> -> memref<8192xf32, #tpu.memory_space<hbm>>
    %dma_wait3A_157 = tpu.memref_slice %arg5[%mul3A_118] : memref<2097152xf32, #tpu.memory_space<hbm>> -> memref<8192xf32, #tpu.memory_space<hbm>>
    tpu.wait_dma2 semaphore(%arg20 : memref<!tpu.dma_semaphore, #tpu.memory_space<semaphore_mem>>) src(%arg16 : memref<8192xf32, #tpu.memory_space<vmem>>) dst(%dma_wait3A_157 : memref<8192xf32, #tpu.memory_space<hbm>>)
    %parallel_loop3A_158 = arith.constant 0 : i32
    %parallel_loop3A_159 = arith.constant 256 : i32
    %parallel_loop3A_160 = arith.constant 1 : i32
    scf.for %parallel_loop3A_232 = %parallel_loop3A_158 to %parallel_loop3A_159 step %parallel_loop3A_160  : i32 {
      %parallel_loop3A_233 = arith.constant 16 : i32
      %parallel_loop3A_234 = arith.muli %parallel_loop3A_232, %parallel_loop3A_233 : i32
      %parallel_loop3A_235 = arith.index_cast %parallel_loop3A_234 : i32 to index
      %parallel_loop3A_236 = tpu.vector_load %arg12[%parallel_loop3A_235] {strides = array<i32>} : memref<4096xi32, #tpu.memory_space<vmem>>, vector<16xi32>,
      %parallel_loop3A_237 = tpu.vector_load_idx %arg6[%parallel_loop3A_236] : memref<1544xf32, #tpu.memory_space<vmem>>[vector<16xi32>], vector<16xf32>,
      %parallel_loop3A_238 = tpu.vector_load_idx %arg7[%parallel_loop3A_236] : memref<1544xf32, #tpu.memory_space<vmem>>[vector<16xi32>], vector<16xf32>,
      %parallel_loop3A_239 = tpu.vector_load_idx %arg8[%parallel_loop3A_236] : memref<1544xf32, #tpu.memory_space<vmem>>[vector<16xi32>], vector<16xf32>,
      %parallel_loop3A_240 = tpu.vector_load_idx %arg9[%parallel_loop3A_236] : memref<1544xf32, #tpu.memory_space<vmem>>[vector<16xi32>], vector<16xf32>,
      %parallel_loop3A_241 = tpu.vector_load_idx %arg10[%parallel_loop3A_236] : memref<1544xf32, #tpu.memory_space<vmem>>[vector<16xi32>], vector<16xf32>,
      %parallel_loop3A_242 = tpu.vector_load_idx %arg11[%parallel_loop3A_236] : memref<1544xf32, #tpu.memory_space<vmem>>[vector<16xi32>], vector<16xf32>,
      %parallel_loop3A_243 = arith.constant 8 : i32
      %parallel_loop3A_244 = arith.divsi %parallel_loop3A_232, %parallel_loop3A_243 : i32
      %parallel_loop3A_245 = arith.constant 0 : i32
      %parallel_loop3A_246 = arith.cmpi sgt, %parallel_loop3A_232, %parallel_loop3A_245 : i32
      %parallel_loop3A_247 = arith.extui %parallel_loop3A_246 : i1 to i32
      %parallel_loop3A_248 = arith.constant 0 : i32
      %parallel_loop3A_249 = arith.cmpi slt, %parallel_loop3A_232, %parallel_loop3A_248 : i32
      %parallel_loop3A_250 = arith.extui %parallel_loop3A_249 : i1 to i32
      %parallel_loop3A_251 = arith.subi %parallel_loop3A_247, %parallel_loop3A_250 : i32
      %parallel_loop3A_252 = arith.constant 0 : i32
      %parallel_loop3A_253 = arith.cmpi sgt, %parallel_loop3A_243, %parallel_loop3A_252 : i32
      %parallel_loop3A_254 = arith.extui %parallel_loop3A_253 : i1 to i32
      %parallel_loop3A_255 = arith.constant 0 : i32
      %parallel_loop3A_256 = arith.cmpi slt, %parallel_loop3A_243, %parallel_loop3A_255 : i32
      %parallel_loop3A_257 = arith.extui %parallel_loop3A_256 : i1 to i32
      %parallel_loop3A_258 = arith.subi %parallel_loop3A_254, %parallel_loop3A_257 : i32
      %parallel_loop3A_259 = arith.cmpi ne, %parallel_loop3A_251, %parallel_loop3A_258 : i32
      %parallel_loop3A_260 = arith.remsi %parallel_loop3A_232, %parallel_loop3A_243 : i32
      %parallel_loop3A_261 = arith.constant 0 : i32
      %parallel_loop3A_262 = arith.cmpi ne, %parallel_loop3A_260, %parallel_loop3A_261 : i32
      %parallel_loop3A_263 = arith.andi %parallel_loop3A_259, %parallel_loop3A_262 : i1
      %parallel_loop3A_264 = arith.constant 1 : i32
      %parallel_loop3A_265 = arith.subi %parallel_loop3A_244, %parallel_loop3A_264 : i32
      %parallel_loop3A_266 = arith.select %parallel_loop3A_263, %parallel_loop3A_265, %parallel_loop3A_244 : i32
      %parallel_loop3A_267 = arith.constant 8 : i32
      %parallel_loop3A_268 = arith.constant 0 : i32
      %parallel_loop3A_269 = arith.cmpi eq, %parallel_loop3A_267, %parallel_loop3A_268 : i32
      %parallel_loop3A_270 = arith.constant 1 : i32
      %parallel_loop3A_271 = arith.select %parallel_loop3A_269, %parallel_loop3A_270, %parallel_loop3A_267 : i32
      %parallel_loop3A_272 = arith.remsi %parallel_loop3A_232, %parallel_loop3A_271 : i32
      %parallel_loop3A_273 = arith.constant 0 : i32
      %parallel_loop3A_274 = arith.cmpi ne, %parallel_loop3A_272, %parallel_loop3A_273 : i32
      %parallel_loop3A_275 = arith.constant 0 : i32
      %parallel_loop3A_276 = arith.cmpi slt, %parallel_loop3A_272, %parallel_loop3A_275 : i32
      %parallel_loop3A_277 = arith.constant 0 : i32
      %parallel_loop3A_278 = arith.cmpi slt, %parallel_loop3A_271, %parallel_loop3A_277 : i32
      %parallel_loop3A_279 = arith.xori %parallel_loop3A_276, %parallel_loop3A_278 : i1
      %parallel_loop3A_280 = arith.andi %parallel_loop3A_279, %parallel_loop3A_274 : i1
      %parallel_loop3A_281 = arith.addi %parallel_loop3A_272, %parallel_loop3A_271 : i32
      %parallel_loop3A_282 = arith.select %parallel_loop3A_280, %parallel_loop3A_281, %parallel_loop3A_272 : i32
      %parallel_loop3A_283 = arith.constant 16 : i32
      %parallel_loop3A_284 = arith.muli %parallel_loop3A_282, %parallel_loop3A_283 : i32
      %parallel_loop3A_285 = arith.constant 384 : i32
      %parallel_loop3A_286 = arith.muli %parallel_loop3A_266, %parallel_loop3A_285 : i32
      %parallel_loop3A_287 = arith.addi %parallel_loop3A_286, %parallel_loop3A_284 : i32
      %parallel_loop3A_288 = arith.index_cast %parallel_loop3A_287 : i32 to index
      %parallel_loop3A_289 = tpu.vector_load %arg14[%parallel_loop3A_288] {strides = array<i32>} : memref<12288xf32, #tpu.memory_space<vmem>>, vector<16xf32>,
      %parallel_loop3A_290 = arith.constant 128 : i32
      %parallel_loop3A_291 = arith.addi %parallel_loop3A_287, %parallel_loop3A_290 : i32
      %parallel_loop3A_292 = arith.index_cast %parallel_loop3A_291 : i32 to index
      %parallel_loop3A_293 = tpu.vector_load %arg14[%parallel_loop3A_292] {strides = array<i32>} : memref<12288xf32, #tpu.memory_space<vmem>>, vector<16xf32>,
      %parallel_loop3A_294 = arith.constant 256 : i32
      %parallel_loop3A_295 = arith.addi %parallel_loop3A_287, %parallel_loop3A_294 : i32
      %parallel_loop3A_296 = arith.index_cast %parallel_loop3A_295 : i32 to index
      %parallel_loop3A_297 = tpu.vector_load %arg14[%parallel_loop3A_296] {strides = array<i32>} : memref<12288xf32, #tpu.memory_space<vmem>>, vector<16xf32>,
      %parallel_loop3A_298 = arith.constant 256 : i32
      %parallel_loop3A_299 = arith.muli %parallel_loop3A_266, %parallel_loop3A_298 : i32
      %parallel_loop3A_300 = arith.addi %parallel_loop3A_299, %parallel_loop3A_284 : i32
      %parallel_loop3A_301 = arith.mulf %parallel_loop3A_237, %parallel_loop3A_289 : vector<16xf32>
      %parallel_loop3A_302 = arith.mulf %parallel_loop3A_239, %parallel_loop3A_293 : vector<16xf32>
      %parallel_loop3A_303 = arith.addf %parallel_loop3A_301, %parallel_loop3A_302 : vector<16xf32>
      %parallel_loop3A_304 = arith.mulf %parallel_loop3A_241, %parallel_loop3A_297 : vector<16xf32>
      %parallel_loop3A_305 = arith.addf %parallel_loop3A_303, %parallel_loop3A_304 : vector<16xf32>
      %parallel_loop3A_306 = arith.index_cast %parallel_loop3A_300 : i32 to index
      %parallel_loop3A_307 = tpu.vector_load %arg16[%parallel_loop3A_306] {strides = array<i32>} : memref<8192xf32, #tpu.memory_space<vmem>>, vector<16xf32>,
      tpu.vector_store %arg16[%parallel_loop3A_306], %parallel_loop3A_305 {strides = array<i32>} : memref<8192xf32, #tpu.memory_space<vmem>>, vector<16xf32>,
      %parallel_loop3A_308 = arith.mulf %parallel_loop3A_238, %parallel_loop3A_289 : vector<16xf32>
      %parallel_loop3A_309 = arith.mulf %parallel_loop3A_240, %parallel_loop3A_293 : vector<16xf32>
      %parallel_loop3A_310 = arith.addf %parallel_loop3A_308, %parallel_loop3A_309 : vector<16xf32>
      %parallel_loop3A_311 = arith.mulf %parallel_loop3A_242, %parallel_loop3A_297 : vector<16xf32>
      %parallel_loop3A_312 = arith.addf %parallel_loop3A_310, %parallel_loop3A_311 : vector<16xf32>
      %parallel_loop3A_313 = arith.constant 128 : i32
      %parallel_loop3A_314 = arith.addi %parallel_loop3A_300, %parallel_loop3A_313 : i32
      %parallel_loop3A_315 = arith.index_cast %parallel_loop3A_314 : i32 to index
      %parallel_loop3A_316 = tpu.vector_load %arg16[%parallel_loop3A_315] {strides = array<i32>} : memref<8192xf32, #tpu.memory_space<vmem>>, vector<16xf32>,
      tpu.vector_store %arg16[%parallel_loop3A_315], %parallel_loop3A_312 {strides = array<i32>} : memref<8192xf32, #tpu.memory_space<vmem>>, vector<16xf32>,
    } {sc.loop_unroll_factor = 8 : i64, sc.parallel_access}
    %add3A_161 = arith.constant 16384 : i32
    %add3A_162 = arith.addi %mul3A_2, %add3A_161 : i32
    %mul3A_163 = arith.constant 2 : i32
    %mul3A_164 = arith.muli %mul3A_163, %add3A_162 : i32
    %dma_start3A_165 = tpu.memref_slice %arg5[%mul3A_164] : memref<2097152xf32, #tpu.memory_space<hbm>> -> memref<8192xf32, #tpu.memory_space<hbm>>
    %dma_start3A_166 = tpu.memref_slice %arg5[%mul3A_164] : memref<2097152xf32, #tpu.memory_space<hbm>> -> memref<8192xf32, #tpu.memory_space<hbm>>
    tpu.enqueue_dma source(%arg16 : memref<8192xf32, #tpu.memory_space<vmem>>) target(%dma_start3A_166 : memref<8192xf32, #tpu.memory_space<hbm>>) target_semaphore(%arg20 : memref<!tpu.dma_semaphore, #tpu.memory_space<semaphore_mem>>)
    %add3A_167 = arith.constant 24576 : i32
    %add3A_168 = arith.addi %mul3A_2, %add3A_167 : i32
    %dma_start3A_169 = tpu.memref_slice %arg3[%add3A_168] : memref<1048576xi32, #tpu.memory_space<hbm>> -> memref<4096xi32, #tpu.memory_space<hbm>>
    %dma_start3A_170 = tpu.memref_slice %arg3[%add3A_168] : memref<1048576xi32, #tpu.memory_space<hbm>> -> memref<4096xi32, #tpu.memory_space<hbm>>
    tpu.enqueue_dma source(%dma_start3A_170 : memref<4096xi32, #tpu.memory_space<hbm>>) target(%arg12 : memref<4096xi32, #tpu.memory_space<vmem>>) target_semaphore(%arg18 : memref<!tpu.dma_semaphore, #tpu.memory_space<semaphore_mem>>)
    %mul3A_171 = arith.constant 3 : i32
    %mul3A_172 = arith.muli %mul3A_171, %add3A_168 : i32
    %dma_start3A_173 = tpu.memref_slice %arg4[%mul3A_172] : memref<3145728xf32, #tpu.memory_space<hbm>> -> memref<12288xf32, #tpu.memory_space<hbm>>
    %dma_start3A_174 = tpu.memref_slice %arg4[%mul3A_172] : memref<3145728xf32, #tpu.memory_space<hbm>> -> memref<12288xf32, #tpu.memory_space<hbm>>
    tpu.enqueue_dma source(%dma_start3A_174 : memref<12288xf32, #tpu.memory_space<hbm>>) target(%arg14 : memref<12288xf32, #tpu.memory_space<vmem>>) target_semaphore(%arg18 : memref<!tpu.dma_semaphore, #tpu.memory_space<semaphore_mem>>)
    %dma_wait3A_175 = tpu.memref_slice %arg3[%add3A_145] : memref<1048576xi32, #tpu.memory_space<hbm>> -> memref<4096xi32, #tpu.memory_space<hbm>>
    %dma_wait3A_176 = tpu.memref_slice %arg3[%add3A_145] : memref<1048576xi32, #tpu.memory_space<hbm>> -> memref<4096xi32, #tpu.memory_space<hbm>>
    tpu.wait_dma2 semaphore(%arg19 : memref<!tpu.dma_semaphore, #tpu.memory_space<semaphore_mem>>) src(%dma_wait3A_176 : memref<4096xi32, #tpu.memory_space<hbm>>) dst(%arg13 : memref<4096xi32, #tpu.memory_space<vmem>>)
    %dma_wait3A_177 = tpu.memref_slice %arg4[%mul3A_149] : memref<3145728xf32, #tpu.memory_space<hbm>> -> memref<12288xf32, #tpu.memory_space<hbm>>
    %dma_wait3A_178 = tpu.memref_slice %arg4[%mul3A_149] : memref<3145728xf32, #tpu.memory_space<hbm>> -> memref<12288xf32, #tpu.memory_space<hbm>>
    tpu.wait_dma2 semaphore(%arg19 : memref<!tpu.dma_semaphore, #tpu.memory_space<semaphore_mem>>) src(%dma_wait3A_178 : memref<12288xf32, #tpu.memory_space<hbm>>) dst(%arg15 : memref<12288xf32, #tpu.memory_space<vmem>>)
    %dma_wait3A_179 = tpu.memref_slice %arg5[%mul3A_141] : memref<2097152xf32, #tpu.memory_space<hbm>> -> memref<8192xf32, #tpu.memory_space<hbm>>
    %dma_wait3A_180 = tpu.memref_slice %arg5[%mul3A_141] : memref<2097152xf32, #tpu.memory_space<hbm>> -> memref<8192xf32, #tpu.memory_space<hbm>>
    tpu.wait_dma2 semaphore(%arg21 : memref<!tpu.dma_semaphore, #tpu.memory_space<semaphore_mem>>) src(%arg17 : memref<8192xf32, #tpu.memory_space<vmem>>) dst(%dma_wait3A_180 : memref<8192xf32, #tpu.memory_space<hbm>>)
    %parallel_loop3A_181 = arith.constant 0 : i32
    %parallel_loop3A_182 = arith.constant 256 : i32
    %parallel_loop3A_183 = arith.constant 1 : i32
    scf.for %parallel_loop3A_232 = %parallel_loop3A_181 to %parallel_loop3A_182 step %parallel_loop3A_183  : i32 {
      %parallel_loop3A_233 = arith.constant 16 : i32
      %parallel_loop3A_234 = arith.muli %parallel_loop3A_232, %parallel_loop3A_233 : i32
      %parallel_loop3A_235 = arith.index_cast %parallel_loop3A_234 : i32 to index
      %parallel_loop3A_236 = tpu.vector_load %arg13[%parallel_loop3A_235] {strides = array<i32>} : memref<4096xi32, #tpu.memory_space<vmem>>, vector<16xi32>,
      %parallel_loop3A_237 = tpu.vector_load_idx %arg6[%parallel_loop3A_236] : memref<1544xf32, #tpu.memory_space<vmem>>[vector<16xi32>], vector<16xf32>,
      %parallel_loop3A_238 = tpu.vector_load_idx %arg7[%parallel_loop3A_236] : memref<1544xf32, #tpu.memory_space<vmem>>[vector<16xi32>], vector<16xf32>,
      %parallel_loop3A_239 = tpu.vector_load_idx %arg8[%parallel_loop3A_236] : memref<1544xf32, #tpu.memory_space<vmem>>[vector<16xi32>], vector<16xf32>,
      %parallel_loop3A_240 = tpu.vector_load_idx %arg9[%parallel_loop3A_236] : memref<1544xf32, #tpu.memory_space<vmem>>[vector<16xi32>], vector<16xf32>,
      %parallel_loop3A_241 = tpu.vector_load_idx %arg10[%parallel_loop3A_236] : memref<1544xf32, #tpu.memory_space<vmem>>[vector<16xi32>], vector<16xf32>,
      %parallel_loop3A_242 = tpu.vector_load_idx %arg11[%parallel_loop3A_236] : memref<1544xf32, #tpu.memory_space<vmem>>[vector<16xi32>], vector<16xf32>,
      %parallel_loop3A_243 = arith.constant 8 : i32
      %parallel_loop3A_244 = arith.divsi %parallel_loop3A_232, %parallel_loop3A_243 : i32
      %parallel_loop3A_245 = arith.constant 0 : i32
      %parallel_loop3A_246 = arith.cmpi sgt, %parallel_loop3A_232, %parallel_loop3A_245 : i32
      %parallel_loop3A_247 = arith.extui %parallel_loop3A_246 : i1 to i32
      %parallel_loop3A_248 = arith.constant 0 : i32
      %parallel_loop3A_249 = arith.cmpi slt, %parallel_loop3A_232, %parallel_loop3A_248 : i32
      %parallel_loop3A_250 = arith.extui %parallel_loop3A_249 : i1 to i32
      %parallel_loop3A_251 = arith.subi %parallel_loop3A_247, %parallel_loop3A_250 : i32
      %parallel_loop3A_252 = arith.constant 0 : i32
      %parallel_loop3A_253 = arith.cmpi sgt, %parallel_loop3A_243, %parallel_loop3A_252 : i32
      %parallel_loop3A_254 = arith.extui %parallel_loop3A_253 : i1 to i32
      %parallel_loop3A_255 = arith.constant 0 : i32
      %parallel_loop3A_256 = arith.cmpi slt, %parallel_loop3A_243, %parallel_loop3A_255 : i32
      %parallel_loop3A_257 = arith.extui %parallel_loop3A_256 : i1 to i32
      %parallel_loop3A_258 = arith.subi %parallel_loop3A_254, %parallel_loop3A_257 : i32
      %parallel_loop3A_259 = arith.cmpi ne, %parallel_loop3A_251, %parallel_loop3A_258 : i32
      %parallel_loop3A_260 = arith.remsi %parallel_loop3A_232, %parallel_loop3A_243 : i32
      %parallel_loop3A_261 = arith.constant 0 : i32
      %parallel_loop3A_262 = arith.cmpi ne, %parallel_loop3A_260, %parallel_loop3A_261 : i32
      %parallel_loop3A_263 = arith.andi %parallel_loop3A_259, %parallel_loop3A_262 : i1
      %parallel_loop3A_264 = arith.constant 1 : i32
      %parallel_loop3A_265 = arith.subi %parallel_loop3A_244, %parallel_loop3A_264 : i32
      %parallel_loop3A_266 = arith.select %parallel_loop3A_263, %parallel_loop3A_265, %parallel_loop3A_244 : i32
      %parallel_loop3A_267 = arith.constant 8 : i32
      %parallel_loop3A_268 = arith.constant 0 : i32
      %parallel_loop3A_269 = arith.cmpi eq, %parallel_loop3A_267, %parallel_loop3A_268 : i32
      %parallel_loop3A_270 = arith.constant 1 : i32
      %parallel_loop3A_271 = arith.select %parallel_loop3A_269, %parallel_loop3A_270, %parallel_loop3A_267 : i32
      %parallel_loop3A_272 = arith.remsi %parallel_loop3A_232, %parallel_loop3A_271 : i32
      %parallel_loop3A_273 = arith.constant 0 : i32
      %parallel_loop3A_274 = arith.cmpi ne, %parallel_loop3A_272, %parallel_loop3A_273 : i32
      %parallel_loop3A_275 = arith.constant 0 : i32
      %parallel_loop3A_276 = arith.cmpi slt, %parallel_loop3A_272, %parallel_loop3A_275 : i32
      %parallel_loop3A_277 = arith.constant 0 : i32
      %parallel_loop3A_278 = arith.cmpi slt, %parallel_loop3A_271, %parallel_loop3A_277 : i32
      %parallel_loop3A_279 = arith.xori %parallel_loop3A_276, %parallel_loop3A_278 : i1
      %parallel_loop3A_280 = arith.andi %parallel_loop3A_279, %parallel_loop3A_274 : i1
      %parallel_loop3A_281 = arith.addi %parallel_loop3A_272, %parallel_loop3A_271 : i32
      %parallel_loop3A_282 = arith.select %parallel_loop3A_280, %parallel_loop3A_281, %parallel_loop3A_272 : i32
      %parallel_loop3A_283 = arith.constant 16 : i32
      %parallel_loop3A_284 = arith.muli %parallel_loop3A_282, %parallel_loop3A_283 : i32
      %parallel_loop3A_285 = arith.constant 384 : i32
      %parallel_loop3A_286 = arith.muli %parallel_loop3A_266, %parallel_loop3A_285 : i32
      %parallel_loop3A_287 = arith.addi %parallel_loop3A_286, %parallel_loop3A_284 : i32
      %parallel_loop3A_288 = arith.index_cast %parallel_loop3A_287 : i32 to index
      %parallel_loop3A_289 = tpu.vector_load %arg15[%parallel_loop3A_288] {strides = array<i32>} : memref<12288xf32, #tpu.memory_space<vmem>>, vector<16xf32>,
      %parallel_loop3A_290 = arith.constant 128 : i32
      %parallel_loop3A_291 = arith.addi %parallel_loop3A_287, %parallel_loop3A_290 : i32
      %parallel_loop3A_292 = arith.index_cast %parallel_loop3A_291 : i32 to index
      %parallel_loop3A_293 = tpu.vector_load %arg15[%parallel_loop3A_292] {strides = array<i32>} : memref<12288xf32, #tpu.memory_space<vmem>>, vector<16xf32>,
      %parallel_loop3A_294 = arith.constant 256 : i32
      %parallel_loop3A_295 = arith.addi %parallel_loop3A_287, %parallel_loop3A_294 : i32
      %parallel_loop3A_296 = arith.index_cast %parallel_loop3A_295 : i32 to index
      %parallel_loop3A_297 = tpu.vector_load %arg15[%parallel_loop3A_296] {strides = array<i32>} : memref<12288xf32, #tpu.memory_space<vmem>>, vector<16xf32>,
      %parallel_loop3A_298 = arith.constant 256 : i32
      %parallel_loop3A_299 = arith.muli %parallel_loop3A_266, %parallel_loop3A_298 : i32
      %parallel_loop3A_300 = arith.addi %parallel_loop3A_299, %parallel_loop3A_284 : i32
      %parallel_loop3A_301 = arith.mulf %parallel_loop3A_237, %parallel_loop3A_289 : vector<16xf32>
      %parallel_loop3A_302 = arith.mulf %parallel_loop3A_239, %parallel_loop3A_293 : vector<16xf32>
      %parallel_loop3A_303 = arith.addf %parallel_loop3A_301, %parallel_loop3A_302 : vector<16xf32>
      %parallel_loop3A_304 = arith.mulf %parallel_loop3A_241, %parallel_loop3A_297 : vector<16xf32>
      %parallel_loop3A_305 = arith.addf %parallel_loop3A_303, %parallel_loop3A_304 : vector<16xf32>
      %parallel_loop3A_306 = arith.index_cast %parallel_loop3A_300 : i32 to index
      %parallel_loop3A_307 = tpu.vector_load %arg17[%parallel_loop3A_306] {strides = array<i32>} : memref<8192xf32, #tpu.memory_space<vmem>>, vector<16xf32>,
      tpu.vector_store %arg17[%parallel_loop3A_306], %parallel_loop3A_305 {strides = array<i32>} : memref<8192xf32, #tpu.memory_space<vmem>>, vector<16xf32>,
      %parallel_loop3A_308 = arith.mulf %parallel_loop3A_238, %parallel_loop3A_289 : vector<16xf32>
      %parallel_loop3A_309 = arith.mulf %parallel_loop3A_240, %parallel_loop3A_293 : vector<16xf32>
      %parallel_loop3A_310 = arith.addf %parallel_loop3A_308, %parallel_loop3A_309 : vector<16xf32>
      %parallel_loop3A_311 = arith.mulf %parallel_loop3A_242, %parallel_loop3A_297 : vector<16xf32>
      %parallel_loop3A_312 = arith.addf %parallel_loop3A_310, %parallel_loop3A_311 : vector<16xf32>
      %parallel_loop3A_313 = arith.constant 128 : i32
      %parallel_loop3A_314 = arith.addi %parallel_loop3A_300, %parallel_loop3A_313 : i32
      %parallel_loop3A_315 = arith.index_cast %parallel_loop3A_314 : i32 to index
      %parallel_loop3A_316 = tpu.vector_load %arg17[%parallel_loop3A_315] {strides = array<i32>} : memref<8192xf32, #tpu.memory_space<vmem>>, vector<16xf32>,
      tpu.vector_store %arg17[%parallel_loop3A_315], %parallel_loop3A_312 {strides = array<i32>} : memref<8192xf32, #tpu.memory_space<vmem>>, vector<16xf32>,
    } {sc.loop_unroll_factor = 8 : i64, sc.parallel_access}
    %add3A_184 = arith.constant 20480 : i32
    %add3A_185 = arith.addi %mul3A_2, %add3A_184 : i32
    %mul3A_186 = arith.constant 2 : i32
    %mul3A_187 = arith.muli %mul3A_186, %add3A_185 : i32
    %dma_start3A_188 = tpu.memref_slice %arg5[%mul3A_187] : memref<2097152xf32, #tpu.memory_space<hbm>> -> memref<8192xf32, #tpu.memory_space<hbm>>
    %dma_start3A_189 = tpu.memref_slice %arg5[%mul3A_187] : memref<2097152xf32, #tpu.memory_space<hbm>> -> memref<8192xf32, #tpu.memory_space<hbm>>
    tpu.enqueue_dma source(%arg17 : memref<8192xf32, #tpu.memory_space<vmem>>) target(%dma_start3A_189 : memref<8192xf32, #tpu.memory_space<hbm>>) target_semaphore(%arg21 : memref<!tpu.dma_semaphore, #tpu.memory_space<semaphore_mem>>)
    %add3A_190 = arith.constant 28672 : i32
    %add3A_191 = arith.addi %mul3A_2, %add3A_190 : i32
    %dma_start3A_192 = tpu.memref_slice %arg3[%add3A_191] : memref<1048576xi32, #tpu.memory_space<hbm>> -> memref<4096xi32, #tpu.memory_space<hbm>>
    %dma_start3A_193 = tpu.memref_slice %arg3[%add3A_191] : memref<1048576xi32, #tpu.memory_space<hbm>> -> memref<4096xi32, #tpu.memory_space<hbm>>
    tpu.enqueue_dma source(%dma_start3A_193 : memref<4096xi32, #tpu.memory_space<hbm>>) target(%arg13 : memref<4096xi32, #tpu.memory_space<vmem>>) target_semaphore(%arg19 : memref<!tpu.dma_semaphore, #tpu.memory_space<semaphore_mem>>)
    %mul3A_194 = arith.constant 3 : i32
    %mul3A_195 = arith.muli %mul3A_194, %add3A_191 : i32
    %dma_start3A_196 = tpu.memref_slice %arg4[%mul3A_195] : memref<3145728xf32, #tpu.memory_space<hbm>> -> memref<12288xf32, #tpu.memory_space<hbm>>
    %dma_start3A_197 = tpu.memref_slice %arg4[%mul3A_195] : memref<3145728xf32, #tpu.memory_space<hbm>> -> memref<12288xf32, #tpu.memory_space<hbm>>
    tpu.enqueue_dma source(%dma_start3A_197 : memref<12288xf32, #tpu.memory_space<hbm>>) target(%arg15 : memref<12288xf32, #tpu.memory_space<vmem>>) target_semaphore(%arg19 : memref<!tpu.dma_semaphore, #tpu.memory_space<semaphore_mem>>)
    %dma_wait3A_198 = tpu.memref_slice %arg3[%add3A_168] : memref<1048576xi32, #tpu.memory_space<hbm>> -> memref<4096xi32, #tpu.memory_space<hbm>>
    %dma_wait3A_199 = tpu.memref_slice %arg3[%add3A_168] : memref<1048576xi32, #tpu.memory_space<hbm>> -> memref<4096xi32, #tpu.memory_space<hbm>>
    tpu.wait_dma2 semaphore(%arg18 : memref<!tpu.dma_semaphore, #tpu.memory_space<semaphore_mem>>) src(%dma_wait3A_199 : memref<4096xi32, #tpu.memory_space<hbm>>) dst(%arg12 : memref<4096xi32, #tpu.memory_space<vmem>>)
    %dma_wait3A_200 = tpu.memref_slice %arg4[%mul3A_172] : memref<3145728xf32, #tpu.memory_space<hbm>> -> memref<12288xf32, #tpu.memory_space<hbm>>
    %dma_wait3A_201 = tpu.memref_slice %arg4[%mul3A_172] : memref<3145728xf32, #tpu.memory_space<hbm>> -> memref<12288xf32, #tpu.memory_space<hbm>>
    tpu.wait_dma2 semaphore(%arg18 : memref<!tpu.dma_semaphore, #tpu.memory_space<semaphore_mem>>) src(%dma_wait3A_201 : memref<12288xf32, #tpu.memory_space<hbm>>) dst(%arg14 : memref<12288xf32, #tpu.memory_space<vmem>>)
    %dma_wait3A_202 = tpu.memref_slice %arg5[%mul3A_164] : memref<2097152xf32, #tpu.memory_space<hbm>> -> memref<8192xf32, #tpu.memory_space<hbm>>
    %dma_wait3A_203 = tpu.memref_slice %arg5[%mul3A_164] : memref<2097152xf32, #tpu.memory_space<hbm>> -> memref<8192xf32, #tpu.memory_space<hbm>>
    tpu.wait_dma2 semaphore(%arg20 : memref<!tpu.dma_semaphore, #tpu.memory_space<semaphore_mem>>) src(%arg16 : memref<8192xf32, #tpu.memory_space<vmem>>) dst(%dma_wait3A_203 : memref<8192xf32, #tpu.memory_space<hbm>>)
    %parallel_loop3A_204 = arith.constant 0 : i32
    %parallel_loop3A_205 = arith.constant 256 : i32
    %parallel_loop3A_206 = arith.constant 1 : i32
    scf.for %parallel_loop3A_232 = %parallel_loop3A_204 to %parallel_loop3A_205 step %parallel_loop3A_206  : i32 {
      %parallel_loop3A_233 = arith.constant 16 : i32
      %parallel_loop3A_234 = arith.muli %parallel_loop3A_232, %parallel_loop3A_233 : i32
      %parallel_loop3A_235 = arith.index_cast %parallel_loop3A_234 : i32 to index
      %parallel_loop3A_236 = tpu.vector_load %arg12[%parallel_loop3A_235] {strides = array<i32>} : memref<4096xi32, #tpu.memory_space<vmem>>, vector<16xi32>,
      %parallel_loop3A_237 = tpu.vector_load_idx %arg6[%parallel_loop3A_236] : memref<1544xf32, #tpu.memory_space<vmem>>[vector<16xi32>], vector<16xf32>,
      %parallel_loop3A_238 = tpu.vector_load_idx %arg7[%parallel_loop3A_236] : memref<1544xf32, #tpu.memory_space<vmem>>[vector<16xi32>], vector<16xf32>,
      %parallel_loop3A_239 = tpu.vector_load_idx %arg8[%parallel_loop3A_236] : memref<1544xf32, #tpu.memory_space<vmem>>[vector<16xi32>], vector<16xf32>,
      %parallel_loop3A_240 = tpu.vector_load_idx %arg9[%parallel_loop3A_236] : memref<1544xf32, #tpu.memory_space<vmem>>[vector<16xi32>], vector<16xf32>,
      %parallel_loop3A_241 = tpu.vector_load_idx %arg10[%parallel_loop3A_236] : memref<1544xf32, #tpu.memory_space<vmem>>[vector<16xi32>], vector<16xf32>,
      %parallel_loop3A_242 = tpu.vector_load_idx %arg11[%parallel_loop3A_236] : memref<1544xf32, #tpu.memory_space<vmem>>[vector<16xi32>], vector<16xf32>,
      %parallel_loop3A_243 = arith.constant 8 : i32
      %parallel_loop3A_244 = arith.divsi %parallel_loop3A_232, %parallel_loop3A_243 : i32
      %parallel_loop3A_245 = arith.constant 0 : i32
      %parallel_loop3A_246 = arith.cmpi sgt, %parallel_loop3A_232, %parallel_loop3A_245 : i32
      %parallel_loop3A_247 = arith.extui %parallel_loop3A_246 : i1 to i32
      %parallel_loop3A_248 = arith.constant 0 : i32
      %parallel_loop3A_249 = arith.cmpi slt, %parallel_loop3A_232, %parallel_loop3A_248 : i32
      %parallel_loop3A_250 = arith.extui %parallel_loop3A_249 : i1 to i32
      %parallel_loop3A_251 = arith.subi %parallel_loop3A_247, %parallel_loop3A_250 : i32
      %parallel_loop3A_252 = arith.constant 0 : i32
      %parallel_loop3A_253 = arith.cmpi sgt, %parallel_loop3A_243, %parallel_loop3A_252 : i32
      %parallel_loop3A_254 = arith.extui %parallel_loop3A_253 : i1 to i32
      %parallel_loop3A_255 = arith.constant 0 : i32
      %parallel_loop3A_256 = arith.cmpi slt, %parallel_loop3A_243, %parallel_loop3A_255 : i32
      %parallel_loop3A_257 = arith.extui %parallel_loop3A_256 : i1 to i32
      %parallel_loop3A_258 = arith.subi %parallel_loop3A_254, %parallel_loop3A_257 : i32
      %parallel_loop3A_259 = arith.cmpi ne, %parallel_loop3A_251, %parallel_loop3A_258 : i32
      %parallel_loop3A_260 = arith.remsi %parallel_loop3A_232, %parallel_loop3A_243 : i32
      %parallel_loop3A_261 = arith.constant 0 : i32
      %parallel_loop3A_262 = arith.cmpi ne, %parallel_loop3A_260, %parallel_loop3A_261 : i32
      %parallel_loop3A_263 = arith.andi %parallel_loop3A_259, %parallel_loop3A_262 : i1
      %parallel_loop3A_264 = arith.constant 1 : i32
      %parallel_loop3A_265 = arith.subi %parallel_loop3A_244, %parallel_loop3A_264 : i32
      %parallel_loop3A_266 = arith.select %parallel_loop3A_263, %parallel_loop3A_265, %parallel_loop3A_244 : i32
      %parallel_loop3A_267 = arith.constant 8 : i32
      %parallel_loop3A_268 = arith.constant 0 : i32
      %parallel_loop3A_269 = arith.cmpi eq, %parallel_loop3A_267, %parallel_loop3A_268 : i32
      %parallel_loop3A_270 = arith.constant 1 : i32
      %parallel_loop3A_271 = arith.select %parallel_loop3A_269, %parallel_loop3A_270, %parallel_loop3A_267 : i32
      %parallel_loop3A_272 = arith.remsi %parallel_loop3A_232, %parallel_loop3A_271 : i32
      %parallel_loop3A_273 = arith.constant 0 : i32
      %parallel_loop3A_274 = arith.cmpi ne, %parallel_loop3A_272, %parallel_loop3A_273 : i32
      %parallel_loop3A_275 = arith.constant 0 : i32
      %parallel_loop3A_276 = arith.cmpi slt, %parallel_loop3A_272, %parallel_loop3A_275 : i32
      %parallel_loop3A_277 = arith.constant 0 : i32
      %parallel_loop3A_278 = arith.cmpi slt, %parallel_loop3A_271, %parallel_loop3A_277 : i32
      %parallel_loop3A_279 = arith.xori %parallel_loop3A_276, %parallel_loop3A_278 : i1
      %parallel_loop3A_280 = arith.andi %parallel_loop3A_279, %parallel_loop3A_274 : i1
      %parallel_loop3A_281 = arith.addi %parallel_loop3A_272, %parallel_loop3A_271 : i32
      %parallel_loop3A_282 = arith.select %parallel_loop3A_280, %parallel_loop3A_281, %parallel_loop3A_272 : i32
      %parallel_loop3A_283 = arith.constant 16 : i32
      %parallel_loop3A_284 = arith.muli %parallel_loop3A_282, %parallel_loop3A_283 : i32
      %parallel_loop3A_285 = arith.constant 384 : i32
      %parallel_loop3A_286 = arith.muli %parallel_loop3A_266, %parallel_loop3A_285 : i32
      %parallel_loop3A_287 = arith.addi %parallel_loop3A_286, %parallel_loop3A_284 : i32
      %parallel_loop3A_288 = arith.index_cast %parallel_loop3A_287 : i32 to index
      %parallel_loop3A_289 = tpu.vector_load %arg14[%parallel_loop3A_288] {strides = array<i32>} : memref<12288xf32, #tpu.memory_space<vmem>>, vector<16xf32>,
      %parallel_loop3A_290 = arith.constant 128 : i32
      %parallel_loop3A_291 = arith.addi %parallel_loop3A_287, %parallel_loop3A_290 : i32
      %parallel_loop3A_292 = arith.index_cast %parallel_loop3A_291 : i32 to index
      %parallel_loop3A_293 = tpu.vector_load %arg14[%parallel_loop3A_292] {strides = array<i32>} : memref<12288xf32, #tpu.memory_space<vmem>>, vector<16xf32>,
      %parallel_loop3A_294 = arith.constant 256 : i32
      %parallel_loop3A_295 = arith.addi %parallel_loop3A_287, %parallel_loop3A_294 : i32
      %parallel_loop3A_296 = arith.index_cast %parallel_loop3A_295 : i32 to index
      %parallel_loop3A_297 = tpu.vector_load %arg14[%parallel_loop3A_296] {strides = array<i32>} : memref<12288xf32, #tpu.memory_space<vmem>>, vector<16xf32>,
      %parallel_loop3A_298 = arith.constant 256 : i32
      %parallel_loop3A_299 = arith.muli %parallel_loop3A_266, %parallel_loop3A_298 : i32
      %parallel_loop3A_300 = arith.addi %parallel_loop3A_299, %parallel_loop3A_284 : i32
      %parallel_loop3A_301 = arith.mulf %parallel_loop3A_237, %parallel_loop3A_289 : vector<16xf32>
      %parallel_loop3A_302 = arith.mulf %parallel_loop3A_239, %parallel_loop3A_293 : vector<16xf32>
      %parallel_loop3A_303 = arith.addf %parallel_loop3A_301, %parallel_loop3A_302 : vector<16xf32>
      %parallel_loop3A_304 = arith.mulf %parallel_loop3A_241, %parallel_loop3A_297 : vector<16xf32>
      %parallel_loop3A_305 = arith.addf %parallel_loop3A_303, %parallel_loop3A_304 : vector<16xf32>
      %parallel_loop3A_306 = arith.index_cast %parallel_loop3A_300 : i32 to index
      %parallel_loop3A_307 = tpu.vector_load %arg16[%parallel_loop3A_306] {strides = array<i32>} : memref<8192xf32, #tpu.memory_space<vmem>>, vector<16xf32>,
      tpu.vector_store %arg16[%parallel_loop3A_306], %parallel_loop3A_305 {strides = array<i32>} : memref<8192xf32, #tpu.memory_space<vmem>>, vector<16xf32>,
      %parallel_loop3A_308 = arith.mulf %parallel_loop3A_238, %parallel_loop3A_289 : vector<16xf32>
      %parallel_loop3A_309 = arith.mulf %parallel_loop3A_240, %parallel_loop3A_293 : vector<16xf32>
      %parallel_loop3A_310 = arith.addf %parallel_loop3A_308, %parallel_loop3A_309 : vector<16xf32>
      %parallel_loop3A_311 = arith.mulf %parallel_loop3A_242, %parallel_loop3A_297 : vector<16xf32>
      %parallel_loop3A_312 = arith.addf %parallel_loop3A_310, %parallel_loop3A_311 : vector<16xf32>
      %parallel_loop3A_313 = arith.constant 128 : i32
      %parallel_loop3A_314 = arith.addi %parallel_loop3A_300, %parallel_loop3A_313 : i32
      %parallel_loop3A_315 = arith.index_cast %parallel_loop3A_314 : i32 to index
      %parallel_loop3A_316 = tpu.vector_load %arg16[%parallel_loop3A_315] {strides = array<i32>} : memref<8192xf32, #tpu.memory_space<vmem>>, vector<16xf32>,
      tpu.vector_store %arg16[%parallel_loop3A_315], %parallel_loop3A_312 {strides = array<i32>} : memref<8192xf32, #tpu.memory_space<vmem>>, vector<16xf32>,
    } {sc.loop_unroll_factor = 8 : i64, sc.parallel_access}
    %add3A_207 = arith.constant 24576 : i32
    %add3A_208 = arith.addi %mul3A_2, %add3A_207 : i32
    %mul3A_209 = arith.constant 2 : i32
    %mul3A_210 = arith.muli %mul3A_209, %add3A_208 : i32
    %dma_start3A_211 = tpu.memref_slice %arg5[%mul3A_210] : memref<2097152xf32, #tpu.memory_space<hbm>> -> memref<8192xf32, #tpu.memory_space<hbm>>
    %dma_start3A_212 = tpu.memref_slice %arg5[%mul3A_210] : memref<2097152xf32, #tpu.memory_space<hbm>> -> memref<8192xf32, #tpu.memory_space<hbm>>
    tpu.enqueue_dma source(%arg16 : memref<8192xf32, #tpu.memory_space<vmem>>) target(%dma_start3A_212 : memref<8192xf32, #tpu.memory_space<hbm>>) target_semaphore(%arg20 : memref<!tpu.dma_semaphore, #tpu.memory_space<semaphore_mem>>)
    %dma_wait3A_213 = tpu.memref_slice %arg3[%add3A_191] : memref<1048576xi32, #tpu.memory_space<hbm>> -> memref<4096xi32, #tpu.memory_space<hbm>>
    %dma_wait3A_214 = tpu.memref_slice %arg3[%add3A_191] : memref<1048576xi32, #tpu.memory_space<hbm>> -> memref<4096xi32, #tpu.memory_space<hbm>>
    tpu.wait_dma2 semaphore(%arg19 : memref<!tpu.dma_semaphore, #tpu.memory_space<semaphore_mem>>) src(%dma_wait3A_214 : memref<4096xi32, #tpu.memory_space<hbm>>) dst(%arg13 : memref<4096xi32, #tpu.memory_space<vmem>>)
    %dma_wait3A_215 = tpu.memref_slice %arg4[%mul3A_195] : memref<3145728xf32, #tpu.memory_space<hbm>> -> memref<12288xf32, #tpu.memory_space<hbm>>
    %dma_wait3A_216 = tpu.memref_slice %arg4[%mul3A_195] : memref<3145728xf32, #tpu.memory_space<hbm>> -> memref<12288xf32, #tpu.memory_space<hbm>>
    tpu.wait_dma2 semaphore(%arg19 : memref<!tpu.dma_semaphore, #tpu.memory_space<semaphore_mem>>) src(%dma_wait3A_216 : memref<12288xf32, #tpu.memory_space<hbm>>) dst(%arg15 : memref<12288xf32, #tpu.memory_space<vmem>>)
    %dma_wait3A_217 = tpu.memref_slice %arg5[%mul3A_187] : memref<2097152xf32, #tpu.memory_space<hbm>> -> memref<8192xf32, #tpu.memory_space<hbm>>
    %dma_wait3A_218 = tpu.memref_slice %arg5[%mul3A_187] : memref<2097152xf32, #tpu.memory_space<hbm>> -> memref<8192xf32, #tpu.memory_space<hbm>>
    tpu.wait_dma2 semaphore(%arg21 : memref<!tpu.dma_semaphore, #tpu.memory_space<semaphore_mem>>) src(%arg17 : memref<8192xf32, #tpu.memory_space<vmem>>) dst(%dma_wait3A_218 : memref<8192xf32, #tpu.memory_space<hbm>>)
    %parallel_loop3A_219 = arith.constant 0 : i32
    %parallel_loop3A_220 = arith.constant 256 : i32
    %parallel_loop3A_221 = arith.constant 1 : i32
    scf.for %parallel_loop3A_232 = %parallel_loop3A_219 to %parallel_loop3A_220 step %parallel_loop3A_221  : i32 {
      %parallel_loop3A_233 = arith.constant 16 : i32
      %parallel_loop3A_234 = arith.muli %parallel_loop3A_232, %parallel_loop3A_233 : i32
      %parallel_loop3A_235 = arith.index_cast %parallel_loop3A_234 : i32 to index
      %parallel_loop3A_236 = tpu.vector_load %arg13[%parallel_loop3A_235] {strides = array<i32>} : memref<4096xi32, #tpu.memory_space<vmem>>, vector<16xi32>,
      %parallel_loop3A_237 = tpu.vector_load_idx %arg6[%parallel_loop3A_236] : memref<1544xf32, #tpu.memory_space<vmem>>[vector<16xi32>], vector<16xf32>,
      %parallel_loop3A_238 = tpu.vector_load_idx %arg7[%parallel_loop3A_236] : memref<1544xf32, #tpu.memory_space<vmem>>[vector<16xi32>], vector<16xf32>,
      %parallel_loop3A_239 = tpu.vector_load_idx %arg8[%parallel_loop3A_236] : memref<1544xf32, #tpu.memory_space<vmem>>[vector<16xi32>], vector<16xf32>,
      %parallel_loop3A_240 = tpu.vector_load_idx %arg9[%parallel_loop3A_236] : memref<1544xf32, #tpu.memory_space<vmem>>[vector<16xi32>], vector<16xf32>,
      %parallel_loop3A_241 = tpu.vector_load_idx %arg10[%parallel_loop3A_236] : memref<1544xf32, #tpu.memory_space<vmem>>[vector<16xi32>], vector<16xf32>,
      %parallel_loop3A_242 = tpu.vector_load_idx %arg11[%parallel_loop3A_236] : memref<1544xf32, #tpu.memory_space<vmem>>[vector<16xi32>], vector<16xf32>,
      %parallel_loop3A_243 = arith.constant 8 : i32
      %parallel_loop3A_244 = arith.divsi %parallel_loop3A_232, %parallel_loop3A_243 : i32
      %parallel_loop3A_245 = arith.constant 0 : i32
      %parallel_loop3A_246 = arith.cmpi sgt, %parallel_loop3A_232, %parallel_loop3A_245 : i32
      %parallel_loop3A_247 = arith.extui %parallel_loop3A_246 : i1 to i32
      %parallel_loop3A_248 = arith.constant 0 : i32
      %parallel_loop3A_249 = arith.cmpi slt, %parallel_loop3A_232, %parallel_loop3A_248 : i32
      %parallel_loop3A_250 = arith.extui %parallel_loop3A_249 : i1 to i32
      %parallel_loop3A_251 = arith.subi %parallel_loop3A_247, %parallel_loop3A_250 : i32
      %parallel_loop3A_252 = arith.constant 0 : i32
      %parallel_loop3A_253 = arith.cmpi sgt, %parallel_loop3A_243, %parallel_loop3A_252 : i32
      %parallel_loop3A_254 = arith.extui %parallel_loop3A_253 : i1 to i32
      %parallel_loop3A_255 = arith.constant 0 : i32
      %parallel_loop3A_256 = arith.cmpi slt, %parallel_loop3A_243, %parallel_loop3A_255 : i32
      %parallel_loop3A_257 = arith.extui %parallel_loop3A_256 : i1 to i32
      %parallel_loop3A_258 = arith.subi %parallel_loop3A_254, %parallel_loop3A_257 : i32
      %parallel_loop3A_259 = arith.cmpi ne, %parallel_loop3A_251, %parallel_loop3A_258 : i32
      %parallel_loop3A_260 = arith.remsi %parallel_loop3A_232, %parallel_loop3A_243 : i32
      %parallel_loop3A_261 = arith.constant 0 : i32
      %parallel_loop3A_262 = arith.cmpi ne, %parallel_loop3A_260, %parallel_loop3A_261 : i32
      %parallel_loop3A_263 = arith.andi %parallel_loop3A_259, %parallel_loop3A_262 : i1
      %parallel_loop3A_264 = arith.constant 1 : i32
      %parallel_loop3A_265 = arith.subi %parallel_loop3A_244, %parallel_loop3A_264 : i32
      %parallel_loop3A_266 = arith.select %parallel_loop3A_263, %parallel_loop3A_265, %parallel_loop3A_244 : i32
      %parallel_loop3A_267 = arith.constant 8 : i32
      %parallel_loop3A_268 = arith.constant 0 : i32
      %parallel_loop3A_269 = arith.cmpi eq, %parallel_loop3A_267, %parallel_loop3A_268 : i32
      %parallel_loop3A_270 = arith.constant 1 : i32
      %parallel_loop3A_271 = arith.select %parallel_loop3A_269, %parallel_loop3A_270, %parallel_loop3A_267 : i32
      %parallel_loop3A_272 = arith.remsi %parallel_loop3A_232, %parallel_loop3A_271 : i32
      %parallel_loop3A_273 = arith.constant 0 : i32
      %parallel_loop3A_274 = arith.cmpi ne, %parallel_loop3A_272, %parallel_loop3A_273 : i32
      %parallel_loop3A_275 = arith.constant 0 : i32
      %parallel_loop3A_276 = arith.cmpi slt, %parallel_loop3A_272, %parallel_loop3A_275 : i32
      %parallel_loop3A_277 = arith.constant 0 : i32
      %parallel_loop3A_278 = arith.cmpi slt, %parallel_loop3A_271, %parallel_loop3A_277 : i32
      %parallel_loop3A_279 = arith.xori %parallel_loop3A_276, %parallel_loop3A_278 : i1
      %parallel_loop3A_280 = arith.andi %parallel_loop3A_279, %parallel_loop3A_274 : i1
      %parallel_loop3A_281 = arith.addi %parallel_loop3A_272, %parallel_loop3A_271 : i32
      %parallel_loop3A_282 = arith.select %parallel_loop3A_280, %parallel_loop3A_281, %parallel_loop3A_272 : i32
      %parallel_loop3A_283 = arith.constant 16 : i32
      %parallel_loop3A_284 = arith.muli %parallel_loop3A_282, %parallel_loop3A_283 : i32
      %parallel_loop3A_285 = arith.constant 384 : i32
      %parallel_loop3A_286 = arith.muli %parallel_loop3A_266, %parallel_loop3A_285 : i32
      %parallel_loop3A_287 = arith.addi %parallel_loop3A_286, %parallel_loop3A_284 : i32
      %parallel_loop3A_288 = arith.index_cast %parallel_loop3A_287 : i32 to index
      %parallel_loop3A_289 = tpu.vector_load %arg15[%parallel_loop3A_288] {strides = array<i32>} : memref<12288xf32, #tpu.memory_space<vmem>>, vector<16xf32>,
      %parallel_loop3A_290 = arith.constant 128 : i32
      %parallel_loop3A_291 = arith.addi %parallel_loop3A_287, %parallel_loop3A_290 : i32
      %parallel_loop3A_292 = arith.index_cast %parallel_loop3A_291 : i32 to index
      %parallel_loop3A_293 = tpu.vector_load %arg15[%parallel_loop3A_292] {strides = array<i32>} : memref<12288xf32, #tpu.memory_space<vmem>>, vector<16xf32>,
      %parallel_loop3A_294 = arith.constant 256 : i32
      %parallel_loop3A_295 = arith.addi %parallel_loop3A_287, %parallel_loop3A_294 : i32
      %parallel_loop3A_296 = arith.index_cast %parallel_loop3A_295 : i32 to index
      %parallel_loop3A_297 = tpu.vector_load %arg15[%parallel_loop3A_296] {strides = array<i32>} : memref<12288xf32, #tpu.memory_space<vmem>>, vector<16xf32>,
      %parallel_loop3A_298 = arith.constant 256 : i32
      %parallel_loop3A_299 = arith.muli %parallel_loop3A_266, %parallel_loop3A_298 : i32
      %parallel_loop3A_300 = arith.addi %parallel_loop3A_299, %parallel_loop3A_284 : i32
      %parallel_loop3A_301 = arith.mulf %parallel_loop3A_237, %parallel_loop3A_289 : vector<16xf32>
      %parallel_loop3A_302 = arith.mulf %parallel_loop3A_239, %parallel_loop3A_293 : vector<16xf32>
      %parallel_loop3A_303 = arith.addf %parallel_loop3A_301, %parallel_loop3A_302 : vector<16xf32>
      %parallel_loop3A_304 = arith.mulf %parallel_loop3A_241, %parallel_loop3A_297 : vector<16xf32>
      %parallel_loop3A_305 = arith.addf %parallel_loop3A_303, %parallel_loop3A_304 : vector<16xf32>
      %parallel_loop3A_306 = arith.index_cast %parallel_loop3A_300 : i32 to index
      %parallel_loop3A_307 = tpu.vector_load %arg17[%parallel_loop3A_306] {strides = array<i32>} : memref<8192xf32, #tpu.memory_space<vmem>>, vector<16xf32>,
      tpu.vector_store %arg17[%parallel_loop3A_306], %parallel_loop3A_305 {strides = array<i32>} : memref<8192xf32, #tpu.memory_space<vmem>>, vector<16xf32>,
      %parallel_loop3A_308 = arith.mulf %parallel_loop3A_238, %parallel_loop3A_289 : vector<16xf32>
      %parallel_loop3A_309 = arith.mulf %parallel_loop3A_240, %parallel_loop3A_293 : vector<16xf32>
      %parallel_loop3A_310 = arith.addf %parallel_loop3A_308, %parallel_loop3A_309 : vector<16xf32>
      %parallel_loop3A_311 = arith.mulf %parallel_loop3A_242, %parallel_loop3A_297 : vector<16xf32>
      %parallel_loop3A_312 = arith.addf %parallel_loop3A_310, %parallel_loop3A_311 : vector<16xf32>
      %parallel_loop3A_313 = arith.constant 128 : i32
      %parallel_loop3A_314 = arith.addi %parallel_loop3A_300, %parallel_loop3A_313 : i32
      %parallel_loop3A_315 = arith.index_cast %parallel_loop3A_314 : i32 to index
      %parallel_loop3A_316 = tpu.vector_load %arg17[%parallel_loop3A_315] {strides = array<i32>} : memref<8192xf32, #tpu.memory_space<vmem>>, vector<16xf32>,
      tpu.vector_store %arg17[%parallel_loop3A_315], %parallel_loop3A_312 {strides = array<i32>} : memref<8192xf32, #tpu.memory_space<vmem>>, vector<16xf32>,
    } {sc.loop_unroll_factor = 8 : i64, sc.parallel_access}
    %add3A_222 = arith.constant 28672 : i32
    %add3A_223 = arith.addi %mul3A_2, %add3A_222 : i32
    %mul3A_224 = arith.constant 2 : i32
    %mul3A_225 = arith.muli %mul3A_224, %add3A_223 : i32
    %dma_start3A_226 = tpu.memref_slice %arg5[%mul3A_225] : memref<2097152xf32, #tpu.memory_space<hbm>> -> memref<8192xf32, #tpu.memory_space<hbm>>
    %dma_start3A_227 = tpu.memref_slice %arg5[%mul3A_225] : memref<2097152xf32, #tpu.memory_space<hbm>> -> memref<8192xf32, #tpu.memory_space<hbm>>
    tpu.enqueue_dma source(%arg17 : memref<8192xf32, #tpu.memory_space<vmem>>) target(%dma_start3A_227 : memref<8192xf32, #tpu.memory_space<hbm>>) target_semaphore(%arg21 : memref<!tpu.dma_semaphore, #tpu.memory_space<semaphore_mem>>)
    %dma_wait3A_228 = tpu.memref_slice %arg5[%mul3A_210] : memref<2097152xf32, #tpu.memory_space<hbm>> -> memref<8192xf32, #tpu.memory_space<hbm>>
    %dma_wait3A_229 = tpu.memref_slice %arg5[%mul3A_210] : memref<2097152xf32, #tpu.memory_space<hbm>> -> memref<8192xf32, #tpu.memory_space<hbm>>
    tpu.wait_dma2 semaphore(%arg20 : memref<!tpu.dma_semaphore, #tpu.memory_space<semaphore_mem>>) src(%arg16 : memref<8192xf32, #tpu.memory_space<vmem>>) dst(%dma_wait3A_229 : memref<8192xf32, #tpu.memory_space<hbm>>)
    %dma_wait3A_230 = tpu.memref_slice %arg5[%mul3A_225] : memref<2097152xf32, #tpu.memory_space<hbm>> -> memref<8192xf32, #tpu.memory_space<hbm>>
    %dma_wait3A_231 = tpu.memref_slice %arg5[%mul3A_225] : memref<2097152xf32, #tpu.memory_space<hbm>> -> memref<8192xf32, #tpu.memory_space<hbm>>
    tpu.wait_dma2 semaphore(%arg21 : memref<!tpu.dma_semaphore, #tpu.memory_space<semaphore_mem>>) src(%arg17 : memref<8192xf32, #tpu.memory_space<vmem>>) dst(%dma_wait3A_231 : memref<8192xf32, #tpu.memory_space<hbm>>)
    return
  }
}

</mosaic_0001>

<sc_bundles>
// kernel: kernel.3.cloned.1.call-start
scs
__scs_entry_jumppad:
0x0: {  	(pc) =	sbr.rel $0x88, $3  }
0x1: {  	(tag) =	ssettag $0x0;
	lr =	simm.s32 $0x1  }
0x2: {  	[smem:$0x3F9E] =	sst lr;
	_ =	strace $0xD0000000  }
0x3: {  	_ = 	snop  }
0x4: {  	_ = 	snop  }
0x5: {  	_ = 	snop  }
0x6: {  	_ = 	snop  }
0x7: {  	_ = 	snop  }
__scs_overlays_trampoline_lowered:
0x8: {  	[smem:$0x3FAD] =	sst s0  }
0x9: {  	[smem:$0x3FAE] =	sst s1  }
0xa: {  	[smem:$0x3FAF] =	sst s2  }
0xb: {  	[smem:$0x3FB0] =	sst s3  }
0xc: {  	[smem:$0x3FB1] =	sst s4  }
0xd: {  	[smem:$0x3FB2] =	sst s5  }
0xe: {  	[smem:$0x3FB3] =	sst s6  }
0xf: {  	[smem:$0x3FB4] =	sst s7  }
0x10: {  	[smem:$0x3FB5] =	sst s8  }
0x11: {  	[smem:$0x3FB6] =	sst s9;
	s0 =	simm.s32 @!p0 $0x0  }
0x12: {  	s1 =	sld [smem:$0x3F9C];
	s0 =	simm.s32 @p0 $0x1  }
0x13: {  	[smem:$0x3FB7] =	sst s0;
	s0 =	simm.s32 @!p1 $0x0  }
0x14: {  	s2 =	sld [smem:$0x3F9B];
	s0 =	simm.s32 @p1 $0x1  }
0x15: {  	[smem:$0x3FB8] =	sst s0;
	s0 =	simm.s32 @!p2 $0x0  }
0x16: {  	s3 =	sld [smem:$0x3FDB];
	s0 =	simm.s32 @p2 $0x1  }
0x17: {  	s4 =	simm.s32 $0x1BF5;
	[smem:$0x3FBA] =	sst s0  }
0x18: {  	s0 =	sld [smem:$0x3F9D];
	_ =	swait.ge [sflag:s4], $0x0  }
0x19: {  	s7 =	sld [smem:$0x3F9E]  }
0x1a: {  	s8 =	sadd.s32 $0xFFFFE003, lr  }
0x1b: {  	s9 =	sadd.s32 $0xFFFFFEF7, lr;
	s5 =	simm.s32 $0xFFFFFFFF;
	p2 =	slt.u32 s8, $0xFFFFF086  }
0x1c: {  	p1 =	slt.u32 s9, $0xF7A;
	s5 =	simm.s32 @!p2 $0x0  }
0x1d: {  	s5 =	simm.s32 @p1 $0x1;
	p0 =	seq.s32 s7, s2  }
0x1e: {  	s7 =	smul.u32 @!p0 $0xF7A, s2;
	p2 =	seq.s32 @!p0 s5, $0x0  }
0x1f: {  	s9 =	smul.u32 $0xF7A, s1;
	s8 =	simm.s32 @!p0 $0x1BF5;
	p2 =	por !p2, p0  }
0x20: {  	[sflag:s8] =	ssyncset.s32 @!p0 $0xFFFFF086;
	s6 =	sadd.s32 @!p0 s3, s7;
	s7 =	simm.s32 @!p0 $0x108  }
0x21: {  	s3 =	sadd.s32 s3, s9;
	s6 =	sadd.s32 @!p0 $0x88, s6;
	s7 =	simm.s32 @p2 $0x1082  }
0x22: {  	[simem:s7], [sflag:s8] =	dma.local @!p0 [hbm:s6], $0xF7A  }
0x23: {  	s9 =	sor.u32 $0xD0000000, s2;
	s6 =	simm.s32 $0x108;
	_ =	swait.ge @!p0 [sflag:s8], $0x0  }
0x24: {  	s3 =	sadd.s32 $0x88, s3;
	s6 =	simm.s32 @!p1 $0x1082;
	[sflag:s4] =	ssyncset.s32 $0xFFFFF086  }
0x25: {  	[simem:s6], [sflag:s4] =	dma.local [hbm:s3], $0xF7A  }
0x26: {  	[smem:$0x3F9E] =	sst s1;
	(tag) =	ssettag s2;
	_ =	strace s9  }
0x27: {  	s1 =	sld [smem:$0x3FAE]  }
0x28: {  	s2 =	sld [smem:$0x3FAF]  }
0x29: {  	s4 =	sld [smem:$0x3FB1]  }
0x2a: {  	p0 =	seq.s32 s5, $0x0;
	s5 =	sld [smem:$0x3FB2]  }
0x2b: {  	s6 =	sld [smem:$0x3FB3]  }
0x2c: {  	s7 =	sld [smem:$0x3FB4]  }
0x2d: {  	s3 =	simm.s32 $0x108;
	s8 =	sld [smem:$0x3FB5]  }
0x2e: {  	s3 =	simm.s32 @!p0 $0x1082;
	s9 =	sld [smem:$0x3FB6]  }
0x2f: {  	lr =	sadd.s32 s0, s3;
	s0 =	sld [smem:$0x3FAD]  }
0x30: {  	s3 =	sld [smem:$0x3FB0]  }
0x31: {  	[smem:$0x3FB9] =	sst s10  }
0x32: {  	s10 =	sld [smem:$0x3FB7];
	_ =	sdelay $0x3  }
0x33: {  	p0 =	seq.s32 s10, $0x1;
	s10 =	sld [smem:$0x3FB9];
	_ =	sdelay $0x3  }
0x34: {  	[smem:$0x3FB9] =	sst s10  }
0x35: {  	s10 =	sld [smem:$0x3FB8];
	_ =	sdelay $0x3  }
0x36: {  	p1 =	seq.s32 s10, $0x1;
	s10 =	sld [smem:$0x3FB9];
	_ =	sdelay $0x3  }
0x37: {  	[smem:$0x3FB9] =	sst s10  }
0x38: {  	s10 =	sld [smem:$0x3FBA]  }
0x39: {  	_ = 	snop;
	(pc) =	sbr.ind lr, $3  }
0x3a: {  	_ = 	snop  }
0x3b: {  	_ = 	snop  }
0x3c: {  	p2 =	seq.s32 s10, $0x1;
	s10 =	sld [smem:$0x3FB9]  }
0x3d: {  	_ =	shalt  }
0x3e: {  	_ =	shalt  }
0x3f: {  	_ =	shalt  }
0x40: {  	_ =	shalt  }
0x41: {  	_ =	shalt  }
0x42: {  	_ =	shalt  }
0x43: {  	_ =	shalt  }
0x44: {  	_ =	shalt  }
0x45: {  	_ =	shalt  }
0x46: {  	_ =	shalt  }
0x47: {  	_ =	shalt  }
0x48: {  	_ =	shalt  }
0x49: {  	_ =	shalt  }
0x4a: {  	_ =	shalt  }
0x4b: {  	_ =	shalt  }
0x4c: {  	_ =	shalt  }
0x4d: {  	_ =	shalt  }
0x4e: {  	_ =	shalt  }
0x4f: {  	_ =	shalt  }
0x50: {  	_ =	shalt  }
0x51: {  	_ =	shalt  }
0x52: {  	_ =	shalt  }
0x53: {  	_ =	shalt  }
0x54: {  	_ =	shalt  }
0x55: {  	_ =	shalt  }
0x56: {  	_ =	shalt  }
0x57: {  	_ =	shalt  }
0x58: {  	_ =	shalt  }
0x59: {  	_ =	shalt  }
0x5a: {  	_ =	shalt  }
0x5b: {  	_ =	shalt  }
0x5c: {  	_ =	shalt  }
0x5d: {  	_ =	shalt  }
0x5e: {  	_ =	shalt  }
0x5f: {  	_ =	shalt  }
0x60: {  	_ =	shalt  }
0x61: {  	_ =	shalt  }
0x62: {  	_ =	shalt  }
0x63: {  	_ =	shalt  }
0x64: {  	_ =	shalt  }
0x65: {  	_ =	shalt  }
0x66: {  	_ =	shalt  }
0x67: {  	_ =	shalt  }
0x68: {  	_ =	shalt  }
0x69: {  	_ =	shalt  }
0x6a: {  	_ =	shalt  }
0x6b: {  	_ =	shalt  }
0x6c: {  	_ =	shalt  }
0x6d: {  	_ =	shalt  }
0x6e: {  	_ =	shalt  }
0x6f: {  	_ =	shalt  }
0x70: {  	_ =	shalt  }
0x71: {  	_ =	shalt  }
0x72: {  	_ =	shalt  }
0x73: {  	_ =	shalt  }
0x74: {  	_ =	shalt  }
0x75: {  	_ =	shalt  }
0x76: {  	_ =	shalt  }
0x77: {  	_ =	shalt  }
0x78: {  	_ =	shalt  }
0x79: {  	_ =	shalt  }
0x7a: {  	_ =	shalt  }
0x7b: {  	_ =	shalt  }
0x7c: {  	_ =	shalt  }
0x7d: {  	_ =	shalt  }
0x7e: {  	_ =	shalt  }
0x7f: {  	_ =	shalt  }
0x80: {  	_ =	shalt  }
0x81: {  	_ =	shalt  }
0x82: {  	_ =	shalt  }
0x83: {  	_ =	shalt  }
0x84: {  	_ =	shalt  }
0x85: {  	_ =	shalt  }
0x86: {  	_ =	shalt  }
0x87: {  	_ =	shalt  }
.Lfunc_end0:
.L_simem_size_0:
called_computation_lowered:
.L_overlay_start_0:
0x88: {  	s2 =	sld [smem:$0x3FD9]  }
0x89: {  	s3 =	sld [smem:$0x3FFE];
	_ =	sdelay $0x1  }
0x8a: {  	s1 =	srdreg.scid  }
0x8b: {  	s0 =	sand.u32 $0x1, s1  }
0x8c: {  	s17 =	sshll.u32 s0, $0xA;
	s2 =	sadd.s32 s3, s2  }
0x8d: {  	s2 =	sadd.s32 s2, s17  }
0x8e: {  	[smem:$0x3FC5] =	sst s2  }
0x8f: {  	_ = 	snop  }
0x90: {  	s2 =	sld [smem:$0x3FC8]  }
0x91: {  	s18 =	sld [smem:$0x3FD0];
	(tm) =	ssettm $0x1  }
0x92: {  	s4 =	sld [smem:$0x3FFB];
	_ =	sdelay $0x3  }
0x93: {  	_ =	strace s4  }
0x94: {  	s4 =	sld [smem:$0x3FFC];
	_ =	sdelay $0x3  }
0x95: {  	_ =	strace s4  }
0x96: {  	s4 =	sld [smem:$0x3FFD];
	_ =	sdelay $0x3  }
0x97: {  	_ =	strace s4  }
0x98: {  	_ =	strace $0x8FFFFFFF  }
0x99: {  	s19 =	sld [smem:$0x3FDB];
	_ =	sdelay $0x1  }
0x9a: {  	s5 =	simm.s32 $_scs_section_size  }
0x9b: {  	s6 =	simm.s32 $_size__tile_overlayer_lowered;
	s7 =	simm.s32 $_tile_overlayer_lowered  }
0x9c: {  	s22 =	simm.s32 $0x1BFF;
	s21 =	sshll.u32 s7, $0x1;
	s4 =	sadd.s32 s5, s19  }
0x9d: {  	s8 =	simm.s32 $0x0;
	s20 =	sshll.u32 s6, $0x1;
	s6 =	sadd.s32 s21, s4  }
0x9e: {  	[timem:s8], [sflag:s22] =	dma.local [hbm:s6], s20  }
0x9f: {  	_ =	swait.ge [sflag:s22], s20  }
0xa0: {  	s5 =	ssub.s32 $0x0, s20;
	[sflag:s22] =	ssyncset.done $0x0  }
0xa1: {  	[sflag:s22] =	ssyncadd.s32 s5;
	_ =	sdelay $0x1  }
0xa2: {  	s23 =	simm.s32 $0x1B8B  }
0xa3: {  	_ =	swait.ge [sflag:s23], $0x1  }
0xa4: {  	[sflag:s23] =	ssyncset.done $0x0  }
0xa5: {  	s25 =	simm.s32 $0x1B8E;
	s24 =	sld [smem:$0x3FFE];
	[sflag:s23] =	ssyncadd.s32 $0xFFFFFFFF  }
0xa6: {  	s26 =	simm.s32 $execute0_lowered;
	[smem:$0x3FD2] =	sst s25  }
0xa7: {  	s6 =	sshll.u32 s26, $0x1;
	_ =	strace $0x80000046;
	[dreg:$0x1] =	wrdreg $0xFFFFFFFF  }
0xa8: {  	s28 =	simm.s32 $_size_execute0_lowered;
	s4 =	sadd.s32 s4, s6;
	[dreg:$0x0] =	wrdreg $0x0  }
0xa9: {  	s6 =	sshll.u32 s28, $0x1;
	[dreg:$0x2] =	wrdreg s4  }
0xaa: {  	[dreg:$0x3] =	wrdreg s6  }
0xab: {  	[dreg:$0x4] =	wrdreg $0xC0  }
0xac: {  	_ =	task [dreg:s8], $0x5FFFF  }
0xad: {  	[dreg:$0x1] =	wrdreg $0xFFFFFFFF  }
0xae: {  	[dreg:$0x0] =	wrdreg $0x60  }
0xaf: {  	[dreg:$0x2] =	wrdreg s24  }
0xb0: {  	[dreg:$0x3] =	wrdreg s2  }
0xb1: {  	[dreg:$0x4] =	wrdreg s18  }
0xb2: {  	[dreg:$0x5] =	wrdreg $0x9  }
0xb3: {  	_ =	task.clear_ibuf [dreg:s8], $0x6FFFF;
	_ =	strace $0x90000046  }
0xb4: {  	s29 =	simm.s32 $0x9;
	_ =	strace $0x80000048  }
0xb5: {  	_ =	swait.ge [sflag:s29], $0x1  }
0xb6: {  	[sflag:s29] =	ssyncadd.s32 $0xFFFFFFFF  }
0xb7: {  	_ =	strace $0x90000048  }
0xb8: {  	_ =	sfence  }
0xb9: {  	s30 =	sld [smem:$0x0];
	_ =	sdelay $0x2  }
0xba: {  	s31 =	sshll.u32 s1, $0xD;
	s1 =	sshrl.u32 s1, $0x2  }
0xbb: {  	s3 =	sand.u32 $0x4000, s31;
	s1 =	sadd.s32 s1, s30  }
0xbc: {  	s0 =	sor.u32 s3, s0;
	s1 =	sshll.u32 s1, $0x11  }
0xbd: {  	s0 =	sor.u32 s1, s0  }
0xbe: {  	s0 =	sadd.s32 $0x8F2B, s0  }
0xbf: {  	[sflag:s0] =	ssyncadd.remote.s32 $0x1  }
0xc0: {  	_ =	sfence.sel $0xFFFF  }
0xc1: {  	[dreg:$0x0] =	wrdreg $0xFFFFFFFF;
	(pc) =	sbr.abs _section_cstart, $3  }
0xc2: {  	[dreg:$0x1] =	wrdreg $0xFFFFFFFF  }
0xc3: {  	_ =	task.clear_ibuf [dreg:s8], $0x2FFFF;
	_ =	strace $0x9FFFFFFF  }
0xc4: {  	(tm) =	ssettm $0x7FFFFFFF  }
0xc5: {  	_ =	shalt  }
tec
execute0_lowered:
.L_overlay_start_1:
0x0: {  	(tag) =	ssettag $0x1  }
0x1: {  	s1 =	srdreg.scid;
	s0 =	rddreg [dreg:$0x0]  }
0x2: {  	s2 =	stileid.u32;
	s3 =	rddreg [dreg:$0x1]  }
0x3: {  	s1 =	sand.u32 $0x1, s1;
	s2 =	sshll.u32 s2, $0x1;
	s4 =	sadd.s32 $0xA00, s0  }
0x4: {  	s28 =	sadd.s32 $0x400, s0;
	s29 =	sadd.s32 $0x4C1, s0;
	s30 =	sadd.s32 $0x582, s0  }
0x5: {  	s31 =	sadd.s32 $0x643, s0;
	s2 =	sor.u32 s1, s2;
	s1 =	ssub.s32 $0x2, s1  }
0x6: {  	s5 =	sshll.u32 s2, $0xF;
	s6 =	sshrl.u32 s1, $0x1;
	s7 =	smul.u32 $0x3000, s2  }
0x7: {  	s11 =	sshll.u32 s2, $0xC;
	s2 =	sshll.u32 s2, $0xD;
	s8 =	sor.u32 $0x1000, s5  }
0x8: {  	s1 =	ssub.s32 s1, s6;
	s6 =	sadd.s32 s3, s11;
	s11 =	sor.u32 $0x3000, s5  }
0x9: {  	s9 =	smul.u32 $0x3, s8;
	[dreg:$0x4] =	wrdreg s6;
	s12 =	sadd.s32 s4, s7  }
0xa: {  	s13 =	sshrl.u32 s8, $0x3;
	s7 =	sor.u32 $0x2000, s5;
	s17 =	smul.u32 $0x3, s11  }
0xb: {  	s19 =	sshrl.u32 s11, $0x3;
	s1 =	smax.u32 s1, $0x1;
	[dreg:$0x5] =	wrdreg s12  }
0xc: {  	s6 =	sadd.s32 s3, s13;
	s15 =	sshrl.u32 s7, $0x3;
	s10 =	smul.u32 $0x3, s7  }
0xd: {  	s12 =	sor.u32 $0x4000, s5;
	s13 =	sor.u32 $0x5000, s5;
	[dreg:$0x6] =	wrdreg s6  }
0xe: {  	s14 =	sshrl.u32 s9, $0x3;
	s16 =	sadd.s32 s3, s15;
	s20 =	sshrl.u32 s12, $0x3  }
0xf: {  	s21 =	smul.u32 $0x3, s12;
	s15 =	sor.u32 $0x6000, s5;
	s5 =	sor.u32 $0x7000, s5  }
0x10: {  	s23 =	smul.u32 $0x3, s13;
	s6 =	sadd.s32 s4, s14;
	[dreg:$0x8] =	wrdreg s16  }
0x11: {  	s18 =	sshrl.u32 s10, $0x3;
	s10 =	sadd.s32 s3, s19;
	s14 =	sshrl.u32 s13, $0x3  }
0x12: {  	s22 =	sshrl.u32 s15, $0x3;
	s24 =	smul.u32 $0x3, s15;
	[dreg:$0x7] =	wrdreg s6  }
0x13: {  	s16 =	sshrl.u32 s5, $0x3;
	s26 =	smul.u32 $0x3, s5;
	[dreg:$0x9] =	wrdreg s10  }
0x14: {  	s6 =	sshrl.u32 s17, $0x3;
	s10 =	sadd.s32 s3, s20;
	s14 =	sadd.s32 s3, s14  }
0x15: {  	s9 =	sadd.s32 s4, s18;
	s25 =	sshrl.u32 s21, $0x3;
	s17 =	rddreg [dreg:$0x2]  }
0x16: {  	s20 =	sshrl.u32 s11, $0x2;
	s21 =	sshrl.u32 s12, $0x2;
	[dreg:$0xa] =	wrdreg s10  }
0x17: {  	s11 =	simm.s32 $0x5;
	s12 =	simm.s32 $0x1;
	[dreg:$0xb] =	wrdreg s14  }
0x18: {  	s14 =	sadd.s32 s3, s22;
	s3 =	sadd.s32 s3, s16;
	[dreg:$0xe] =	wrdreg s9  }
0x19: {  	s6 =	sadd.s32 s4, s6;
	s9 =	sadd.s32 s4, s25;
	s16 =	simm.s32 $0x0  }
0x1a: {  	s10 =	sshrl.u32 s8, $0x2;
	s2 =	sadd.s32 s17, s2;
	[dreg:$0xc] =	wrdreg s14  }
0x1b: {  	s22 =	sshrl.u32 s13, $0x2;
	s25 =	sshrl.u32 s15, $0x2;
	[dreg:$0xd] =	wrdreg s3  }
0x1c: {  	s8 =	simm.s32 $0x4700;
	s13 =	simm.s32 $0xA700;
	[dreg:$0xf] =	wrdreg s6  }
0x1d: {  	s15 =	simm.s32 $0xC700;
	s3 =	sshrl.u32 s23, $0x3;
	[dreg:$0x10] =	wrdreg s9  }
0x1e: {  	s6 =	sshrl.u32 s24, $0x3;
	s9 =	sshrl.u32 s26, $0x3;
	[smem:$0x7FF] =	sst s16  }
0x1f: {  	s14 =	sshrl.u32 s7, $0x2;
	[dreg:$0x14] =	wrdreg s2;
	s18 =	sadd.s32 s17, s10  }
0x20: {  	s2 =	sadd.s32 s17, s20;
	s23 =	sadd.s32 s17, s21;
	s24 =	sadd.s32 s17, s22  }
0x21: {  	s26 =	sshrl.u32 s5, $0x2;
	s25 =	sadd.s32 s17, s25;
	s21 =	sadd.s32 $0x704, s0  }
0x22: {  	s0 =	sadd.s32 $0x7C5, s0;
	s5 =	simm.s32 $0x1A00;
	[dreg:$0x15] =	wrdreg s18  }
0x23: {  	s7 =	simm.s32 $0x2700;
	s10 =	simm.s32 $0x7700;
	[dreg:$0x17] =	wrdreg s2  }
0x24: {  	s3 =	sadd.s32 s4, s3;
	s19 =	sadd.s32 s17, s14;
	[dreg:$0x18] =	wrdreg s23  }
0x25: {  	[dreg:$0x19] =	wrdreg s24;
	s26 =	sadd.s32 s17, s26;
	s2 =	simm.s32 $0x680  }
0x26: {  	s14 =	simm.s32 $0x2;
	s17 =	simm.s32 $0x3;
	[dreg:$0x11] =	wrdreg s3  }
0x27: {  	s18 =	simm.s32 $0x4;
	s3 =	sadd.s32 s4, s6;
	[dreg:$0x16] =	wrdreg s19  }
0x28: {  	s6 =	simm.s32 $0x2080;
	[dreg:$0x12] =	wrdreg s3;
	s3 =	sadd.s32 s4, s9  }
0x29: {  	s19 =	simm.s32 $0x0;
	s4 =	simm.s32 $0x1380;
	[dreg:$0x13] =	wrdreg s3  }
0x2a: {  	s9 =	simm.s32 $0x3700;
	s3 =	simm.s32 $0xD00;
	_ =	strace $0x80000047  }
.LBB2_1:
0x2b: {  	[tilespmem:s16], [sflag:$0x5] =	stream.linear.gather [hbm4b:s28+s16], $0x608, $0x38;
	[tilespmem:$0xE700] =	vst v63  }
0x2c: {  	_ = 	snop  }
0x2d: {  	[tilespmem:s2], [sflag:$0x5] =	stream.linear.gather [hbm4b:s29+s16], $0x608, $0x38;
	[tilespmem:$0xE700] =	vst v63  }
0x2e: {  	_ = 	snop  }
0x2f: {  	[tilespmem:s3], [sflag:$0x5] =	stream.linear.gather [hbm4b:s30+s16], $0x608, $0x38;
	[tilespmem:$0xE700] =	vst v63  }
0x30: {  	_ = 	snop  }
0x31: {  	[tilespmem:s4], [sflag:$0x5] =	stream.linear.gather [hbm4b:s31+s16], $0x608, $0x38;
	[tilespmem:$0xE700] =	vst v63  }
0x32: {  	_ = 	snop  }
0x33: {  	[tilespmem:s5], [sflag:$0x5] =	stream.linear.gather [hbm4b:s21+s16], $0x608, $0x38;
	[tilespmem:$0xE700] =	vst v63  }
0x34: {  	_ = 	snop  }
0x35: {  	[tilespmem:s6], [sflag:$0x5] =	stream.linear.gather [hbm4b:s0+s16], $0x608, $0x38;
	[tilespmem:$0xE700] =	vst v63  }
0x36: {  	s20 =	rddreg [dreg:$0x4]  }
0x37: {  	[tilespmem:s7], [sflag:$0x1] =	stream.linear.gather [hbm4b:s20+s16], $0x1000, $0x38;
	[tilespmem:$0xE700] =	vst v63  }
0x38: {  	s22 =	rddreg [dreg:$0x5]  }
0x39: {  	[tilespmem:s8], [sflag:$0x1] =	stream.linear.gather [hbm4b:s22+s16], $0x3000, $0x38;
	[tilespmem:$0xE700] =	vst v63  }
0x3a: {  	s23 =	rddreg [dreg:$0x6]  }
0x3b: {  	[tilespmem:s9], [sflag:$0x2] =	stream.linear.gather [hbm4b:s23+s16], $0x1000, $0x38;
	[tilespmem:$0xE700] =	vst v63  }
0x3c: {  	s24 =	rddreg [dreg:$0x7]  }
0x3d: {  	[tilespmem:s10], [sflag:$0x2] =	stream.linear.gather [hbm4b:s24+s16], $0x3000, $0x38;
	[tilespmem:$0xE700] =	vst v63  }
0x3e: {  	_ =	swait.ge [sflag:s11], $0x608  }
0x3f: {  	[sflag:s11] =	ssyncset.done $0x0  }
0x40: {  	[sflag:s11] =	ssyncadd.s32 $0xFFFFF9F8  }
0x41: {  	_ =	swait.ge [sflag:s11], $0x608  }
0x42: {  	[sflag:s11] =	ssyncset.done $0x0  }
0x43: {  	[sflag:s11] =	ssyncadd.s32 $0xFFFFF9F8  }
0x44: {  	_ =	swait.ge [sflag:s11], $0x608  }
0x45: {  	[sflag:s11] =	ssyncset.done $0x0  }
0x46: {  	[sflag:s11] =	ssyncadd.s32 $0xFFFFF9F8  }
0x47: {  	_ =	swait.ge [sflag:s11], $0x608  }
0x48: {  	[sflag:s11] =	ssyncset.done $0x0  }
0x49: {  	[sflag:s11] =	ssyncadd.s32 $0xFFFFF9F8  }
0x4a: {  	_ =	swait.ge [sflag:s11], $0x608  }
0x4b: {  	[sflag:s11] =	ssyncset.done $0x0  }
0x4c: {  	[sflag:s11] =	ssyncadd.s32 $0xFFFFF9F8  }
0x4d: {  	_ =	swait.ge [sflag:s11], $0x608  }
0x4e: {  	[sflag:s11] =	ssyncset.done $0x0  }
0x4f: {  	[sflag:s11] =	ssyncadd.s32 $0xFFFFF9F8  }
0x50: {  	_ =	swait.ge [sflag:s12], $0x1000  }
0x51: {  	[sflag:s12] =	ssyncset.done $0x0  }
0x52: {  	[sflag:s12] =	ssyncadd.s32 $0xFFFFF000  }
0x53: {  	_ =	swait.ge [sflag:s12], $0x3000  }
0x54: {  	[sflag:s12] =	ssyncset.done $0x0  }
0x55: {  	s22 =	simm.s32 $0x2740;
	[sflag:s12] =	ssyncadd.s32 $0xFFFFD000  }
0x56: {  	v0 =	vld [tilespmem:s22+$0x30]  }
0x57: {  	v1 =	vld [tilespmem:s22+$0xFFFFFFD0]  }
0x58: {  	v2 =	vld [tilespmem:s22+$0xFFFFFFE0]  }
0x59: {  	v4 =	vld [tilespmem:s22+$0xFFFFFFF0]  }
0x5a: {  	v5 =	vld [tilespmem:s22+$0x0]  }
0x5b: {  	v9 =	vld [tilespmem:s22+$0x10]  }
0x5c: {  	s20 =	simm.s32 $0x47C0;
	v12 =	vld [tilespmem:s22+$0x20]  }
0x5d: {  	v3 =	vld [tilespmem:s20+$0xFFFFFFB0]  }
0x5e: {  	v8 =	vld [tilespmem:s20+$0x30]  }
0x5f: {  	v11 =	vld [tilespmem:s20+$0xB0]  }
0x60: {  	v13 =	vld [tilespmem:s22+$0xFFFFFFC0]  }
0x61: {  	v44 =	vld [tilespmem:s20+$0xFFFFFF40]  }
0x62: {  	v45 =	vld [tilespmem:s20+$0xFFFFFFC0]  }
0x63: {  	v46 =	vld [tilespmem:s20+$0xFFFFFF50]  }
0x64: {  	v47 =	vld [tilespmem:s20+$0xFFFFFFD0]  }
0x65: {  	v48 =	vld [tilespmem:s20+$0xFFFFFF60]  }
0x66: {  	v49 =	vld [tilespmem:s20+$0xFFFFFFE0]  }
0x67: {  	v50 =	vld [tilespmem:s20+$0xFFFFFF70]  }
0x68: {  	v51 =	vld [tilespmem:s20+$0xFFFFFFF0]  }
0x69: {  	v52 =	vld [tilespmem:s20+$0xFFFFFF80]  }
0x6a: {  	v53 =	vld [tilespmem:s20+$0x0]  }
0x6b: {  	v54 =	vld [tilespmem:s20+$0xFFFFFF90]  }
0x6c: {  	v55 =	vld [tilespmem:s20+$0x10]  }
0x6d: {  	v56 =	vld [tilespmem:s20+$0xFFFFFFA0]  }
0x6e: {  	v57 =	vld [tilespmem:s20+$0x20]  }
0x6f: {  	v62 =	vld [tilespmem:s20+$0x50]  }
0x70: {  	v6 =	vld.idx.msk [tilespmem:v0+s2+$0x0], $0xffff  }
0x71: {  	v7 =	vld.idx.msk [tilespmem:v0+s4+$0x0], $0xffff  }
0x72: {  	v10 =	vld.idx.msk [tilespmem:v0+s6+$0x0], $0xffff  }
0x73: {  	v14 =	vld.idx.msk [tilespmem:v1+s16+$0x0], $0xffff  }
0x74: {  	v15 =	vld.idx.msk [tilespmem:v1+s2+$0x0], $0xffff  }
0x75: {  	v16 =	vld.idx.msk [tilespmem:v1+s3+$0x0], $0xffff  }
0x76: {  	v17 =	vld.idx.msk [tilespmem:v1+s4+$0x0], $0xffff  }
0x77: {  	v18 =	vld.idx.msk [tilespmem:v2+s16+$0x0], $0xffff  }
0x78: {  	v19 =	vld.idx.msk [tilespmem:v0+s5+$0x0], $0xffff  }
0x79: {  	v20 =	vld.idx.msk [tilespmem:v0+s16+$0x0], $0xffff  }
0x7a: {  	v0 =	vld.idx.msk [tilespmem:v0+s3+$0x0], $0xffff  }
0x7b: {  	v21 =	vld.idx.msk [tilespmem:v13+s16+$0x0], $0xffff  }
0x7c: {  	v22 =	vld.idx.msk [tilespmem:v13+s2+$0x0], $0xffff  }
0x7d: {  	v23 =	vld.idx.msk [tilespmem:v13+s3+$0x0], $0xffff  }
0x7e: {  	v24 =	vld.idx.msk [tilespmem:v13+s4+$0x0], $0xffff  }
0x7f: {  	v25 =	vld.idx.msk [tilespmem:v2+s2+$0x0], $0xffff  }
0x80: {  	v26 =	vld.idx.msk [tilespmem:v2+s3+$0x0], $0xffff  }
0x81: {  	v27 =	vld.idx.msk [tilespmem:v2+s4+$0x0], $0xffff  }
0x82: {  	v28 =	vld.idx.msk [tilespmem:v4+s16+$0x0], $0xffff  }
0x83: {  	v29 =	vld.idx.msk [tilespmem:v4+s2+$0x0], $0xffff  }
0x84: {  	v30 =	vld.idx.msk [tilespmem:v4+s3+$0x0], $0xffff  }
0x85: {  	v31 =	vld.idx.msk [tilespmem:v4+s4+$0x0], $0xffff  }
0x86: {  	v32 =	vld.idx.msk [tilespmem:v5+s16+$0x0], $0xffff  }
0x87: {  	v33 =	vld.idx.msk [tilespmem:v5+s2+$0x0], $0xffff  }
0x88: {  	v34 =	vld.idx.msk [tilespmem:v5+s3+$0x0], $0xffff  }
0x89: {  	v35 =	vld.idx.msk [tilespmem:v5+s4+$0x0], $0xffff  }
0x8a: {  	v36 =	vld.idx.msk [tilespmem:v9+s16+$0x0], $0xffff  }
0x8b: {  	v37 =	vld.idx.msk [tilespmem:v9+s2+$0x0], $0xffff  }
0x8c: {  	v38 =	vld.idx.msk [tilespmem:v9+s3+$0x0], $0xffff  }
0x8d: {  	v39 =	vld.idx.msk [tilespmem:v9+s4+$0x0], $0xffff  }
0x8e: {  	v40 =	vld.idx.msk [tilespmem:v12+s16+$0x0], $0xffff  }
0x8f: {  	v41 =	vld.idx.msk [tilespmem:v12+s2+$0x0], $0xffff  }
0x90: {  	v58 =	vld.idx.msk [tilespmem:v13+s5+$0x0], $0xffff  }
0x91: {  	v59 =	vld.idx.msk [tilespmem:v13+s6+$0x0], $0xffff;
	v6 =	vmul.f32 v3, v6  }
0x92: {  	v60 =	vld.idx.msk [tilespmem:v1+s5+$0x0], $0xffff;
	v7 =	vmul.f32 v8, v7;
	v13 =	vmul.f32 v3, v20  }
0x93: {  	v0 =	vmul.f32 v8, v0;
	v8 =	vmul.f32 v11, v10;
	v3 =	vld.idx.msk [tilespmem:v2+s5+$0x0], $0xffff  }
0x94: {  	v20 =	vld.idx.msk [tilespmem:v2+s6+$0x0], $0xffff;
	v2 =	vmul.f32 v45, v24;
	v63 =	vmul.f32 v56, v41  }
0x95: {  	v61 =	vld.idx.msk [tilespmem:v1+s6+$0x0], $0xffff;
	v1 =	vadd.f32 v7, v6;
	v6 =	vmul.f32 v11, v19;
	v7 =	vmul.f32 v44, v21  }
0x96: {  	v10 =	vadd.f32 v0, v13;
	v11 =	vmul.f32 v44, v22;
	v13 =	vmul.f32 v45, v23;
	v0 =	vld.idx.msk [tilespmem:v4+s5+$0x0], $0xffff  }
0x97: {  	v23 =	vld.idx.msk [tilespmem:v4+s6+$0x0], $0xffff;
	v4 =	vmul.f32 v47, v17;
	v17 =	vmul.f32 v50, v29;
	v19 =	vadd.f32 v8, v1  }
0x98: {  	v42 =	vld.idx.msk [tilespmem:v12+s3+$0x0], $0xffff;
	v8 =	vmul.f32 v46, v14;
	v24 =	vadd.f32 v6, v10;
	v10 =	vmul.f32 v46, v15  }
0x99: {  	v43 =	vld.idx.msk [tilespmem:v12+s4+$0x0], $0xffff;
	v14 =	vmul.f32 v47, v16;
	v6 =	vadd.f32 v13, v7;
	v13 =	vmul.f32 v48, v18  }
0x9a: {  	v21 =	vld.idx.msk [tilespmem:v5+s6+$0x0], $0xffff;
	v15 =	vmul.f32 v48, v25;
	v16 =	vmul.f32 v49, v26  }
0x9b: {  	v1 =	vld.idx.msk [tilespmem:v5+s5+$0x0], $0xffff;
	v5 =	vmul.f32 v49, v27;
	v18 =	vmul.f32 v51, v30  }
0x9c: {  	v22 =	vld.idx.msk [tilespmem:v9+s6+$0x0], $0xffff;
	v11 =	vadd.f32 v2, v11;
	v25 =	vmul.f32 v53, v34;
	v26 =	vmul.f32 v54, v36  }
0x9d: {  	v29 =	vld [tilespmem:s20+$0x40];
	v30 =	vmul.f32 v55, v38;
	v7 =	vadd.f32 v14, v8;
	v14 =	vmul.f32 v50, v28  }
0x9e: {  	v2 =	vld.idx.msk [tilespmem:v9+s5+$0x0], $0xffff;
	v8 =	vadd.f32 v4, v10;
	v9 =	vadd.f32 v16, v13;
	v13 =	vmul.f32 v51, v31  }
0x9f: {  	v16 =	vmul.f32 v52, v32;
	v4 =	vld.idx.msk [tilespmem:v12+s5+$0x0], $0xffff;
	v10 =	vadd.f32 v5, v15;
	v15 =	vmul.f32 v52, v33  }
0xa0: {  	v5 =	vld.idx.msk [tilespmem:v12+s6+$0x0], $0xffff;
	v31 =	vmul.f32 v56, v40;
	v12 =	vadd.f32 v18, v14;
	v18 =	vmul.f32 v53, v35  }
0xa1: {  	v28 =	vld [tilespmem:s20+$0x60];
	v13 =	vadd.f32 v13, v17;
	v17 =	vmul.f32 v54, v37;
	v14 =	vadd.f32 v25, v16  }
0xa2: {  	v27 =	vld [tilespmem:s20+$0x70];
	v25 =	vmul.f32 v55, v39;
	v16 =	vadd.f32 v30, v26;
	v30 =	vmul.f32 v57, v43  }
0xa3: {  	s22 =	simm.s32 $0xA780;
	v32 =	vmul.f32 v29, v58;
	v26 =	vld [tilespmem:s20+$0x80];
	v15 =	vadd.f32 v18, v15;
	v18 =	vmul.f32 v57, v42  }
0xa4: {  	[tilespmem:s22+$0x70] =	vst v19;
	v17 =	vadd.f32 v25, v17;
	v25 =	vld [tilespmem:s20+$0x90];
	v19 =	vadd.f32 v30, v63;
	v30 =	vmul.f32 v62, v60  }
0xa5: {  	s23 =	simm.s32 $0x0;
	s24 =	simm.s32 $0x27C0;
	[tilespmem:s22+$0xFFFFFFF0] =	vst v24;
	v24 =	vld [tilespmem:s20+$0xA0];
	v18 =	vadd.f32 v18, v31;
	v31 =	vmul.f32 v29, v59;
	v29 =	vmul.f32 v62, v61  }
.LBB2_2:
0xa6: {  	v33 =	vld [tilespmem:s24+$0x30];
	v6 =	vadd.f32 v32, v6;
	v32 =	vmul.f32 v28, v3;
	v20 =	vmul.f32 v28, v20  }
0xa7: {  	s23 =	sadd.s32 $0x8, s23;
	v11 =	vadd.f32 v31, v11;
	v3 =	vld [tilespmem:s24+$0xFFFFFFD0];
	v28 =	vmul.f32 v27, v0;
	v23 =	vmul.f32 v27, v23  }
0xa8: {  	p0 =	slt.u32 s23, $0xF8;
	v0 =	vld [tilespmem:s24+$0xFFFFFFE0];
	[tilespmem:s22+$0xFFFFFF80] =	vst v6;
	v6 =	vadd.f32 v30, v7;
	v7 =	vmul.f32 v26, v1;
	v21 =	vmul.f32 v26, v21  }
0xa9: {  	v8 =	vadd.f32 v29, v8;
	v1 =	vld [tilespmem:s24+$0xFFFFFFF0];
	[tilespmem:s22+$0x0] =	vst v11;
	v11 =	vmul.f32 v25, v2;
	v22 =	vmul.f32 v25, v22  }
0xaa: {  	v2 =	vld [tilespmem:s24+$0x0];
	[tilespmem:s22+$0xFFFFFF90] =	vst v6;
	v6 =	vadd.f32 v32, v9;
	v9 =	vmul.f32 v24, v4;
	v24 =	vmul.f32 v24, v5  }
0xab: {  	v4 =	vld [tilespmem:s24+$0x10];
	[tilespmem:s22+$0x10] =	vst v8;
	v8 =	vadd.f32 v20, v10;
	v10 =	vadd.f32 v28, v12  }
0xac: {  	s20 =	sadd.s32 $0x180, s20;
	v7 =	vadd.f32 v7, v14;
	v5 =	vld [tilespmem:s24+$0x20];
	[tilespmem:s22+$0xFFFFFFA0] =	vst v6;
	v6 =	vadd.f32 v23, v13  }
0xad: {  	v11 =	vadd.f32 v11, v16;
	v12 =	vld [tilespmem:s20+$0xFFFFFFB0];
	[tilespmem:s22+$0x20] =	vst v8;
	v8 =	vadd.f32 v21, v15  }
0xae: {  	v9 =	vadd.f32 v9, v18;
	v14 =	vld.idx.msk [tilespmem:v33+s2+$0x0], $0xffff;
	[tilespmem:s22+$0xFFFFFFB0] =	vst v10;
	v10 =	vadd.f32 v22, v17  }
0xaf: {  	v15 =	vld.idx.msk [tilespmem:v33+s4+$0x0], $0xffff;
	[tilespmem:s22+$0x30] =	vst v6;
	v6 =	vadd.f32 v24, v19  }
0xb0: {  	v16 =	vld [tilespmem:s20+$0x30];
	[tilespmem:s22+$0xFFFFFFC0] =	vst v7  }
0xb1: {  	v7 =	vld.idx.msk [tilespmem:v33+s6+$0x0], $0xffff;
	[tilespmem:s22+$0x40] =	vst v8  }
0xb2: {  	v8 =	vld [tilespmem:s20+$0xB0];
	[tilespmem:s22+$0xFFFFFFD0] =	vst v11  }
0xb3: {  	v13 =	vld [tilespmem:s24+$0xFFFFFFC0];
	[tilespmem:s22+$0x50] =	vst v10  }
0xb4: {  	v10 =	vld.idx.msk [tilespmem:v3+s16+$0x0], $0xffff;
	[tilespmem:s22+$0xFFFFFFE0] =	vst v9  }
0xb5: {  	v11 =	vmul.f32 v12, v14;
	v9 =	vld.idx.msk [tilespmem:v3+s2+$0x0], $0xffff;
	v14 =	vmul.f32 v16, v15;
	[tilespmem:s22+$0x60] =	vst v6  }
0xb6: {  	v15 =	vld.idx.msk [tilespmem:v3+s3+$0x0], $0xffff  }
0xb7: {  	v17 =	vld.idx.msk [tilespmem:v3+s4+$0x0], $0xffff;
	v6 =	vadd.f32 v14, v11;
	v7 =	vmul.f32 v8, v7  }
0xb8: {  	v14 =	vld.idx.msk [tilespmem:v0+s16+$0x0], $0xffff  }
0xb9: {  	v11 =	vld.idx.msk [tilespmem:v33+s5+$0x0], $0xffff;
	v6 =	vadd.f32 v7, v6  }
0xba: {  	s22 =	sadd.s32 $0x100, s22;
	v7 =	vld.idx.msk [tilespmem:v33+s16+$0x0], $0xffff  }
0xbb: {  	v18 =	vld.idx.msk [tilespmem:v33+s3+$0x0], $0xffff;
	[tilespmem:s22+$0x70] =	vst v6  }
0xbc: {  	v6 =	vld.idx.msk [tilespmem:v13+s16+$0x0], $0xffff  }
0xbd: {  	v19 =	vld.idx.msk [tilespmem:v13+s2+$0x0], $0xffff  }
0xbe: {  	v20 =	vld.idx.msk [tilespmem:v13+s3+$0x0], $0xffff  }
0xbf: {  	v8 =	vmul.f32 v8, v11;
	v21 =	vld.idx.msk [tilespmem:v13+s4+$0x0], $0xffff  }
0xc0: {  	v7 =	vmul.f32 v12, v7;
	v22 =	vld.idx.msk [tilespmem:v0+s2+$0x0], $0xffff  }
0xc1: {  	v11 =	vmul.f32 v16, v18;
	v12 =	vld.idx.msk [tilespmem:v0+s3+$0x0], $0xffff  }
0xc2: {  	v16 =	vld.idx.msk [tilespmem:v0+s4+$0x0], $0xffff  }
0xc3: {  	v7 =	vadd.f32 v11, v7;
	v18 =	vld.idx.msk [tilespmem:v1+s16+$0x0], $0xffff  }
0xc4: {  	v23 =	vld.idx.msk [tilespmem:v1+s2+$0x0], $0xffff  }
0xc5: {  	v7 =	vadd.f32 v8, v7;
	v24 =	vld.idx.msk [tilespmem:v1+s3+$0x0], $0xffff  }
0xc6: {  	v25 =	vld.idx.msk [tilespmem:v1+s4+$0x0], $0xffff  }
0xc7: {  	v26 =	vld.idx.msk [tilespmem:v2+s16+$0x0], $0xffff;
	[tilespmem:s22+$0xFFFFFFF0] =	vst v7  }
0xc8: {  	v27 =	vld.idx.msk [tilespmem:v2+s2+$0x0], $0xffff  }
0xc9: {  	v28 =	vld.idx.msk [tilespmem:v2+s3+$0x0], $0xffff  }
0xca: {  	v29 =	vld.idx.msk [tilespmem:v2+s4+$0x0], $0xffff  }
0xcb: {  	v30 =	vld.idx.msk [tilespmem:v4+s16+$0x0], $0xffff  }
0xcc: {  	v31 =	vld.idx.msk [tilespmem:v4+s2+$0x0], $0xffff  }
0xcd: {  	v32 =	vld.idx.msk [tilespmem:v4+s3+$0x0], $0xffff  }
0xce: {  	v33 =	vld.idx.msk [tilespmem:v4+s4+$0x0], $0xffff  }
0xcf: {  	v34 =	vld.idx.msk [tilespmem:v5+s16+$0x0], $0xffff  }
0xd0: {  	v35 =	vld.idx.msk [tilespmem:v5+s2+$0x0], $0xffff  }
0xd1: {  	v36 =	vld.idx.msk [tilespmem:v5+s3+$0x0], $0xffff  }
0xd2: {  	v37 =	vld.idx.msk [tilespmem:v5+s4+$0x0], $0xffff  }
0xd3: {  	v7 =	vld [tilespmem:s20+$0xFFFFFF40]  }
0xd4: {  	v8 =	vld [tilespmem:s20+$0xFFFFFFC0]  }
0xd5: {  	v11 =	vld [tilespmem:s20+$0xFFFFFF50]  }
0xd6: {  	v38 =	vld [tilespmem:s20+$0xFFFFFFD0]  }
0xd7: {  	v39 =	vld [tilespmem:s20+$0xFFFFFF60]  }
0xd8: {  	v6 =	vmul.f32 v7, v6;
	v7 =	vmul.f32 v7, v19;
	v19 =	vld [tilespmem:s20+$0xFFFFFFE0]  }
0xd9: {  	v20 =	vmul.f32 v8, v20;
	v8 =	vmul.f32 v8, v21;
	v21 =	vld [tilespmem:s20+$0xFFFFFF70]  }
0xda: {  	v10 =	vmul.f32 v11, v10;
	v9 =	vmul.f32 v11, v9;
	v40 =	vld [tilespmem:s20+$0xFFFFFFF0]  }
0xdb: {  	v6 =	vadd.f32 v20, v6;
	v15 =	vmul.f32 v38, v15;
	v17 =	vmul.f32 v38, v17;
	v20 =	vld [tilespmem:s20+$0xFFFFFF80]  }
0xdc: {  	v11 =	vadd.f32 v8, v7;
	v14 =	vmul.f32 v39, v14;
	v22 =	vmul.f32 v39, v22;
	v38 =	vld [tilespmem:s20+$0x0]  }
0xdd: {  	v7 =	vadd.f32 v15, v10;
	v10 =	vmul.f32 v19, v12;
	v12 =	vmul.f32 v19, v16;
	v15 =	vld [tilespmem:s20+$0xFFFFFF90]  }
0xde: {  	v8 =	vadd.f32 v17, v9;
	v16 =	vmul.f32 v21, v18;
	v17 =	vmul.f32 v21, v23;
	v18 =	vld [tilespmem:s20+$0x10]  }
0xdf: {  	v9 =	vadd.f32 v10, v14;
	v14 =	vmul.f32 v40, v24;
	v19 =	vmul.f32 v40, v25;
	v21 =	vld [tilespmem:s20+$0xFFFFFFA0]  }
0xe0: {  	v10 =	vadd.f32 v12, v22;
	v22 =	vmul.f32 v20, v26;
	v20 =	vmul.f32 v20, v27;
	v23 =	vld [tilespmem:s20+$0x20]  }
0xe1: {  	v24 =	vld.idx.msk [tilespmem:v13+s5+$0x0], $0xffff;
	v12 =	vadd.f32 v14, v16;
	v14 =	vmul.f32 v38, v28;
	v16 =	vmul.f32 v38, v29  }
0xe2: {  	v25 =	vld.idx.msk [tilespmem:v13+s6+$0x0], $0xffff;
	v13 =	vadd.f32 v19, v17;
	v17 =	vmul.f32 v15, v30;
	v19 =	vmul.f32 v15, v31  }
0xe3: {  	v29 =	vld.idx.msk [tilespmem:v3+s5+$0x0], $0xffff;
	v14 =	vadd.f32 v14, v22;
	v22 =	vmul.f32 v18, v32;
	v18 =	vmul.f32 v18, v33  }
0xe4: {  	v15 =	vadd.f32 v16, v20;
	v33 =	vld.idx.msk [tilespmem:v3+s6+$0x0], $0xffff;
	v26 =	vmul.f32 v21, v34;
	v21 =	vmul.f32 v21, v35  }
0xe5: {  	v3 =	vld.idx.msk [tilespmem:v0+s5+$0x0], $0xffff;
	v16 =	vadd.f32 v22, v17;
	v22 =	vmul.f32 v23, v36;
	v23 =	vmul.f32 v23, v37  }
0xe6: {  	v17 =	vadd.f32 v18, v19;
	v20 =	vld.idx.msk [tilespmem:v0+s6+$0x0], $0xffff  }
0xe7: {  	v0 =	vld.idx.msk [tilespmem:v1+s5+$0x0], $0xffff;
	v18 =	vadd.f32 v22, v26;
	v19 =	vadd.f32 v23, v21  }
0xe8: {  	v23 =	vld.idx.msk [tilespmem:v1+s6+$0x0], $0xffff  }
0xe9: {  	v1 =	vld.idx.msk [tilespmem:v2+s5+$0x0], $0xffff  }
0xea: {  	v21 =	vld.idx.msk [tilespmem:v2+s6+$0x0], $0xffff  }
0xeb: {  	v2 =	vld.idx.msk [tilespmem:v4+s5+$0x0], $0xffff  }
0xec: {  	v22 =	vld.idx.msk [tilespmem:v4+s6+$0x0], $0xffff  }
0xed: {  	v4 =	vld.idx.msk [tilespmem:v5+s5+$0x0], $0xffff  }
0xee: {  	v5 =	vld.idx.msk [tilespmem:v5+s6+$0x0], $0xffff  }
0xef: {  	v30 =	vld [tilespmem:s20+$0x40]  }
0xf0: {  	v34 =	vld [tilespmem:s20+$0x50]  }
.Ltmp0:
0xf1: {  	v28 =	vld [tilespmem:s20+$0x60];
	(pc) =	sbr.rel @p0 .LBB2_2-.Ltmp0, $4  }
0xf2: {  	v27 =	vld [tilespmem:s20+$0x70]  }
0xf3: {  	v26 =	vld [tilespmem:s20+$0x80]  }
0xf4: {  	v32 =	vmul.f32 v30, v24;
	v31 =	vmul.f32 v30, v25;
	v25 =	vld [tilespmem:s20+$0x90]  }
0xf5: {  	s24 =	sadd.s32 $0x80, s24;
	v30 =	vmul.f32 v34, v29;
	v29 =	vmul.f32 v34, v33;
	v24 =	vld [tilespmem:s20+$0xA0]  }
0xf6: {  	v6 =	vadd.f32 v32, v6  }
0xf7: {  	v11 =	vadd.f32 v31, v11  }
0xf8: {  	v3 =	vmul.f32 v28, v3;
	v8 =	vadd.f32 v29, v8;
	[tilespmem:s22+$0xFFFFFF80] =	vst v6  }
0xf9: {  	v0 =	vmul.f32 v27, v0;
	v6 =	vadd.f32 v30, v7;
	[tilespmem:s22+$0x0] =	vst v11  }
0xfa: {  	v7 =	vmul.f32 v28, v20;
	v3 =	vadd.f32 v3, v9;
	[tilespmem:s22+$0x10] =	vst v8  }
0xfb: {  	v1 =	vmul.f32 v26, v1;
	v0 =	vadd.f32 v0, v12;
	[tilespmem:s22+$0xFFFFFF90] =	vst v6  }
0xfc: {  	v2 =	vmul.f32 v25, v2;
	v7 =	vadd.f32 v7, v10;
	[tilespmem:s22+$0xFFFFFFA0] =	vst v3  }
0xfd: {  	v6 =	vmul.f32 v27, v23;
	v1 =	vadd.f32 v1, v14;
	[tilespmem:s22+$0xFFFFFFB0] =	vst v0  }
0xfe: {  	v3 =	vmul.f32 v26, v21;
	v2 =	vadd.f32 v2, v16;
	[tilespmem:s22+$0x20] =	vst v7  }
0xff: {  	v0 =	vmul.f32 v25, v22;
	v6 =	vadd.f32 v6, v13;
	[tilespmem:s22+$0xFFFFFFC0] =	vst v1  }
0x100: {  	v4 =	vmul.f32 v24, v4;
	v3 =	vadd.f32 v3, v15;
	[tilespmem:s22+$0xFFFFFFD0] =	vst v2  }
0x101: {  	v1 =	vmul.f32 v24, v5;
	v0 =	vadd.f32 v0, v17;
	[tilespmem:s22+$0x30] =	vst v6  }
0x102: {  	[tilespmem:s22+$0x40] =	vst v3;
	v3 =	vadd.f32 v4, v18  }
0x103: {  	v1 =	vadd.f32 v1, v19;
	[tilespmem:s22+$0x50] =	vst v0  }
0x104: {  	[tilespmem:s22+$0xFFFFFFE0] =	vst v3  }
0x105: {  	[tilespmem:s22+$0x60] =	vst v1  }
0x106: {  	s20 =	rddreg [dreg:$0x14]  }
0x107: {  	[hbm4b:s20+s16] =	stream.linear.scatter [tilespmem:s13], [sflag:$0x3], $0x2000, $0x38;
	[tilespmem:$0xE700] =	vst v63  }
0x108: {  	s22 =	rddreg [dreg:$0x8]  }
0x109: {  	[tilespmem:s7], [sflag:$0x1] =	stream.linear.gather [hbm4b:s22+s16], $0x1000, $0x38;
	[tilespmem:$0xE700] =	vst v63  }
0x10a: {  	s23 =	rddreg [dreg:$0xe]  }
0x10b: {  	[tilespmem:s8], [sflag:$0x1] =	stream.linear.gather [hbm4b:s23+s16], $0x3000, $0x38;
	[tilespmem:$0xE700] =	vst v63  }
0x10c: {  	_ =	swait.ge [sflag:s14], $0x1000  }
0x10d: {  	[sflag:s14] =	ssyncset.done $0x0  }
0x10e: {  	[sflag:s14] =	ssyncadd.s32 $0xFFFFF000  }
0x10f: {  	_ =	swait.ge [sflag:s14], $0x3000  }
0x110: {  	[sflag:s14] =	ssyncset.done $0x0  }
0x111: {  	s24 =	simm.s32 $0x3740;
	[sflag:s14] =	ssyncadd.s32 $0xFFFFD000  }
0x112: {  	v0 =	vld [tilespmem:s24+$0x30]  }
0x113: {  	v1 =	vld [tilespmem:s24+$0xFFFFFFD0]  }
0x114: {  	v2 =	vld [tilespmem:s24+$0xFFFFFFE0]  }
0x115: {  	v4 =	vld [tilespmem:s24+$0xFFFFFFF0]  }
0x116: {  	v5 =	vld [tilespmem:s24+$0x0]  }
0x117: {  	v9 =	vld [tilespmem:s24+$0x10]  }
0x118: {  	s20 =	simm.s32 $0x77C0;
	v12 =	vld [tilespmem:s24+$0x20]  }
0x119: {  	v3 =	vld [tilespmem:s20+$0xFFFFFFB0]  }
0x11a: {  	v8 =	vld [tilespmem:s20+$0x30]  }
0x11b: {  	v11 =	vld [tilespmem:s20+$0xB0]  }
0x11c: {  	v13 =	vld [tilespmem:s24+$0xFFFFFFC0]  }
0x11d: {  	v44 =	vld [tilespmem:s20+$0xFFFFFF40]  }
0x11e: {  	v45 =	vld [tilespmem:s20+$0xFFFFFFC0]  }
0x11f: {  	v46 =	vld [tilespmem:s20+$0xFFFFFF50]  }
0x120: {  	v47 =	vld [tilespmem:s20+$0xFFFFFFD0]  }
0x121: {  	v48 =	vld [tilespmem:s20+$0xFFFFFF60]  }
0x122: {  	v49 =	vld [tilespmem:s20+$0xFFFFFFE0]  }
0x123: {  	v50 =	vld [tilespmem:s20+$0xFFFFFF70]  }
0x124: {  	v51 =	vld [tilespmem:s20+$0xFFFFFFF0]  }
0x125: {  	v52 =	vld [tilespmem:s20+$0xFFFFFF80]  }
0x126: {  	v53 =	vld [tilespmem:s20+$0x0]  }
0x127: {  	v54 =	vld [tilespmem:s20+$0xFFFFFF90]  }
0x128: {  	v55 =	vld [tilespmem:s20+$0x10]  }
0x129: {  	v56 =	vld [tilespmem:s20+$0xFFFFFFA0]  }
0x12a: {  	v57 =	vld [tilespmem:s20+$0x20]  }
0x12b: {  	v62 =	vld [tilespmem:s20+$0x50]  }
0x12c: {  	v6 =	vld.idx.msk [tilespmem:v0+s2+$0x0], $0xffff  }
0x12d: {  	v7 =	vld.idx.msk [tilespmem:v0+s4+$0x0], $0xffff  }
0x12e: {  	v10 =	vld.idx.msk [tilespmem:v0+s6+$0x0], $0xffff  }
0x12f: {  	v14 =	vld.idx.msk [tilespmem:v1+s16+$0x0], $0xffff  }
0x130: {  	v15 =	vld.idx.msk [tilespmem:v1+s2+$0x0], $0xffff  }
0x131: {  	v16 =	vld.idx.msk [tilespmem:v1+s3+$0x0], $0xffff  }
0x132: {  	v17 =	vld.idx.msk [tilespmem:v1+s4+$0x0], $0xffff  }
0x133: {  	v18 =	vld.idx.msk [tilespmem:v2+s16+$0x0], $0xffff  }
0x134: {  	v19 =	vld.idx.msk [tilespmem:v0+s5+$0x0], $0xffff  }
0x135: {  	v20 =	vld.idx.msk [tilespmem:v0+s16+$0x0], $0xffff  }
0x136: {  	v0 =	vld.idx.msk [tilespmem:v0+s3+$0x0], $0xffff  }
0x137: {  	v21 =	vld.idx.msk [tilespmem:v13+s16+$0x0], $0xffff  }
0x138: {  	v22 =	vld.idx.msk [tilespmem:v13+s2+$0x0], $0xffff  }
0x139: {  	v23 =	vld.idx.msk [tilespmem:v13+s3+$0x0], $0xffff  }
0x13a: {  	v24 =	vld.idx.msk [tilespmem:v13+s4+$0x0], $0xffff  }
0x13b: {  	v25 =	vld.idx.msk [tilespmem:v2+s2+$0x0], $0xffff  }
0x13c: {  	v26 =	vld.idx.msk [tilespmem:v2+s3+$0x0], $0xffff  }
0x13d: {  	v27 =	vld.idx.msk [tilespmem:v2+s4+$0x0], $0xffff  }
0x13e: {  	v28 =	vld.idx.msk [tilespmem:v4+s16+$0x0], $0xffff  }
0x13f: {  	v29 =	vld.idx.msk [tilespmem:v4+s2+$0x0], $0xffff  }
0x140: {  	v30 =	vld.idx.msk [tilespmem:v4+s3+$0x0], $0xffff  }
0x141: {  	v31 =	vld.idx.msk [tilespmem:v4+s4+$0x0], $0xffff  }
0x142: {  	v32 =	vld.idx.msk [tilespmem:v5+s16+$0x0], $0xffff  }
0x143: {  	v33 =	vld.idx.msk [tilespmem:v5+s2+$0x0], $0xffff  }
0x144: {  	v34 =	vld.idx.msk [tilespmem:v5+s3+$0x0], $0xffff  }
0x145: {  	v35 =	vld.idx.msk [tilespmem:v5+s4+$0x0], $0xffff  }
0x146: {  	v36 =	vld.idx.msk [tilespmem:v9+s16+$0x0], $0xffff  }
0x147: {  	v37 =	vld.idx.msk [tilespmem:v9+s2+$0x0], $0xffff  }
0x148: {  	v38 =	vld.idx.msk [tilespmem:v9+s3+$0x0], $0xffff  }
0x149: {  	v39 =	vld.idx.msk [tilespmem:v9+s4+$0x0], $0xffff  }
0x14a: {  	v40 =	vld.idx.msk [tilespmem:v12+s16+$0x0], $0xffff  }
0x14b: {  	v41 =	vld.idx.msk [tilespmem:v12+s2+$0x0], $0xffff  }
0x14c: {  	v58 =	vld.idx.msk [tilespmem:v13+s5+$0x0], $0xffff  }
0x14d: {  	v59 =	vld.idx.msk [tilespmem:v13+s6+$0x0], $0xffff;
	v6 =	vmul.f32 v3, v6  }
0x14e: {  	v60 =	vld.idx.msk [tilespmem:v1+s5+$0x0], $0xffff;
	v7 =	vmul.f32 v8, v7;
	v13 =	vmul.f32 v3, v20  }
0x14f: {  	v0 =	vmul.f32 v8, v0;
	v8 =	vmul.f32 v11, v10;
	v3 =	vld.idx.msk [tilespmem:v2+s5+$0x0], $0xffff  }
0x150: {  	v20 =	vld.idx.msk [tilespmem:v2+s6+$0x0], $0xffff;
	v2 =	vmul.f32 v45, v24;
	v63 =	vmul.f32 v56, v41  }
0x151: {  	v61 =	vld.idx.msk [tilespmem:v1+s6+$0x0], $0xffff;
	v1 =	vadd.f32 v7, v6;
	v6 =	vmul.f32 v11, v19;
	v7 =	vmul.f32 v44, v21  }
0x152: {  	v10 =	vadd.f32 v0, v13;
	v11 =	vmul.f32 v44, v22;
	v13 =	vmul.f32 v45, v23;
	v0 =	vld.idx.msk [tilespmem:v4+s5+$0x0], $0xffff  }
0x153: {  	v23 =	vld.idx.msk [tilespmem:v4+s6+$0x0], $0xffff;
	v4 =	vmul.f32 v47, v17;
	v17 =	vmul.f32 v50, v29;
	v19 =	vadd.f32 v8, v1  }
0x154: {  	v42 =	vld.idx.msk [tilespmem:v12+s3+$0x0], $0xffff;
	v8 =	vmul.f32 v46, v14;
	v24 =	vadd.f32 v6, v10;
	v10 =	vmul.f32 v46, v15  }
0x155: {  	v43 =	vld.idx.msk [tilespmem:v12+s4+$0x0], $0xffff;
	v14 =	vmul.f32 v47, v16;
	v6 =	vadd.f32 v13, v7;
	v13 =	vmul.f32 v48, v18  }
0x156: {  	v21 =	vld.idx.msk [tilespmem:v5+s6+$0x0], $0xffff;
	v15 =	vmul.f32 v48, v25;
	v16 =	vmul.f32 v49, v26  }
0x157: {  	v1 =	vld.idx.msk [tilespmem:v5+s5+$0x0], $0xffff;
	v5 =	vmul.f32 v49, v27;
	v18 =	vmul.f32 v51, v30  }
0x158: {  	v22 =	vld.idx.msk [tilespmem:v9+s6+$0x0], $0xffff;
	v11 =	vadd.f32 v2, v11;
	v25 =	vmul.f32 v53, v34;
	v26 =	vmul.f32 v54, v36  }
0x159: {  	v29 =	vld [tilespmem:s20+$0x40];
	v30 =	vmul.f32 v55, v38;
	v7 =	vadd.f32 v14, v8;
	v14 =	vmul.f32 v50, v28  }
0x15a: {  	v2 =	vld.idx.msk [tilespmem:v9+s5+$0x0], $0xffff;
	v8 =	vadd.f32 v4, v10;
	v9 =	vadd.f32 v16, v13;
	v13 =	vmul.f32 v51, v31  }
0x15b: {  	v16 =	vmul.f32 v52, v32;
	v4 =	vld.idx.msk [tilespmem:v12+s5+$0x0], $0xffff;
	v10 =	vadd.f32 v5, v15;
	v15 =	vmul.f32 v52, v33  }
0x15c: {  	v5 =	vld.idx.msk [tilespmem:v12+s6+$0x0], $0xffff;
	v31 =	vmul.f32 v56, v40;
	v12 =	vadd.f32 v18, v14;
	v18 =	vmul.f32 v53, v35  }
0x15d: {  	v28 =	vld [tilespmem:s20+$0x60];
	v13 =	vadd.f32 v13, v17;
	v17 =	vmul.f32 v54, v37;
	v14 =	vadd.f32 v25, v16  }
0x15e: {  	v27 =	vld [tilespmem:s20+$0x70];
	v25 =	vmul.f32 v55, v39;
	v16 =	vadd.f32 v30, v26;
	v30 =	vmul.f32 v57, v43  }
0x15f: {  	s22 =	simm.s32 $0xC780;
	v32 =	vmul.f32 v29, v58;
	v26 =	vld [tilespmem:s20+$0x80];
	v15 =	vadd.f32 v18, v15;
	v18 =	vmul.f32 v57, v42  }
0x160: {  	[tilespmem:s22+$0x70] =	vst v19;
	v17 =	vadd.f32 v25, v17;
	v25 =	vld [tilespmem:s20+$0x90];
	v19 =	vadd.f32 v30, v63;
	v30 =	vmul.f32 v62, v60  }
0x161: {  	s23 =	simm.s32 $0x0;
	s24 =	simm.s32 $0x37C0;
	[tilespmem:s22+$0xFFFFFFF0] =	vst v24;
	v24 =	vld [tilespmem:s20+$0xA0];
	v18 =	vadd.f32 v18, v31;
	v31 =	vmul.f32 v29, v59;
	v29 =	vmul.f32 v62, v61  }
.LBB2_4:
0x162: {  	v33 =	vld [tilespmem:s24+$0x30];
	v6 =	vadd.f32 v32, v6;
	v32 =	vmul.f32 v28, v3;
	v20 =	vmul.f32 v28, v20  }
0x163: {  	s23 =	sadd.s32 $0x8, s23;
	v11 =	vadd.f32 v31, v11;
	v3 =	vld [tilespmem:s24+$0xFFFFFFD0];
	v28 =	vmul.f32 v27, v0;
	v23 =	vmul.f32 v27, v23  }
0x164: {  	p0 =	slt.u32 s23, $0xF8;
	v0 =	vld [tilespmem:s24+$0xFFFFFFE0];
	[tilespmem:s22+$0xFFFFFF80] =	vst v6;
	v6 =	vadd.f32 v30, v7;
	v7 =	vmul.f32 v26, v1;
	v21 =	vmul.f32 v26, v21  }
0x165: {  	v8 =	vadd.f32 v29, v8;
	v1 =	vld [tilespmem:s24+$0xFFFFFFF0];
	[tilespmem:s22+$0x0] =	vst v11;
	v11 =	vmul.f32 v25, v2;
	v22 =	vmul.f32 v25, v22  }
0x166: {  	v2 =	vld [tilespmem:s24+$0x0];
	[tilespmem:s22+$0xFFFFFF90] =	vst v6;
	v6 =	vadd.f32 v32, v9;
	v9 =	vmul.f32 v24, v4;
	v24 =	vmul.f32 v24, v5  }
0x167: {  	v4 =	vld [tilespmem:s24+$0x10];
	[tilespmem:s22+$0x10] =	vst v8;
	v8 =	vadd.f32 v20, v10;
	v10 =	vadd.f32 v28, v12  }
0x168: {  	s20 =	sadd.s32 $0x180, s20;
	v7 =	vadd.f32 v7, v14;
	v5 =	vld [tilespmem:s24+$0x20];
	[tilespmem:s22+$0xFFFFFFA0] =	vst v6;
	v6 =	vadd.f32 v23, v13  }
0x169: {  	v11 =	vadd.f32 v11, v16;
	v12 =	vld [tilespmem:s20+$0xFFFFFFB0];
	[tilespmem:s22+$0x20] =	vst v8;
	v8 =	vadd.f32 v21, v15  }
0x16a: {  	v9 =	vadd.f32 v9, v18;
	v14 =	vld.idx.msk [tilespmem:v33+s2+$0x0], $0xffff;
	[tilespmem:s22+$0xFFFFFFB0] =	vst v10;
	v10 =	vadd.f32 v22, v17  }
0x16b: {  	v15 =	vld.idx.msk [tilespmem:v33+s4+$0x0], $0xffff;
	[tilespmem:s22+$0x30] =	vst v6;
	v6 =	vadd.f32 v24, v19  }
0x16c: {  	v16 =	vld [tilespmem:s20+$0x30];
	[tilespmem:s22+$0xFFFFFFC0] =	vst v7  }
0x16d: {  	v7 =	vld.idx.msk [tilespmem:v33+s6+$0x0], $0xffff;
	[tilespmem:s22+$0x40] =	vst v8  }
0x16e: {  	v8 =	vld [tilespmem:s20+$0xB0];
	[tilespmem:s22+$0xFFFFFFD0] =	vst v11  }
0x16f: {  	v13 =	vld [tilespmem:s24+$0xFFFFFFC0];
	[tilespmem:s22+$0x50] =	vst v10  }
0x170: {  	v10 =	vld.idx.msk [tilespmem:v3+s16+$0x0], $0xffff;
	[tilespmem:s22+$0xFFFFFFE0] =	vst v9  }
0x171: {  	v11 =	vmul.f32 v12, v14;
	v9 =	vld.idx.msk [tilespmem:v3+s2+$0x0], $0xffff;
	v14 =	vmul.f32 v16, v15;
	[tilespmem:s22+$0x60] =	vst v6  }
0x172: {  	v15 =	vld.idx.msk [tilespmem:v3+s3+$0x0], $0xffff  }
0x173: {  	v17 =	vld.idx.msk [tilespmem:v3+s4+$0x0], $0xffff;
	v6 =	vadd.f32 v14, v11;
	v7 =	vmul.f32 v8, v7  }
0x174: {  	v14 =	vld.idx.msk [tilespmem:v0+s16+$0x0], $0xffff  }
0x175: {  	v11 =	vld.idx.msk [tilespmem:v33+s5+$0x0], $0xffff;
	v6 =	vadd.f32 v7, v6  }
0x176: {  	s22 =	sadd.s32 $0x100, s22;
	v7 =	vld.idx.msk [tilespmem:v33+s16+$0x0], $0xffff  }
0x177: {  	v18 =	vld.idx.msk [tilespmem:v33+s3+$0x0], $0xffff;
	[tilespmem:s22+$0x70] =	vst v6  }
0x178: {  	v6 =	vld.idx.msk [tilespmem:v13+s16+$0x0], $0xffff  }
0x179: {  	v19 =	vld.idx.msk [tilespmem:v13+s2+$0x0], $0xffff  }
0x17a: {  	v20 =	vld.idx.msk [tilespmem:v13+s3+$0x0], $0xffff  }
0x17b: {  	v8 =	vmul.f32 v8, v11;
	v21 =	vld.idx.msk [tilespmem:v13+s4+$0x0], $0xffff  }
0x17c: {  	v7 =	vmul.f32 v12, v7;
	v22 =	vld.idx.msk [tilespmem:v0+s2+$0x0], $0xffff  }
0x17d: {  	v11 =	vmul.f32 v16, v18;
	v12 =	vld.idx.msk [tilespmem:v0+s3+$0x0], $0xffff  }
0x17e: {  	v16 =	vld.idx.msk [tilespmem:v0+s4+$0x0], $0xffff  }
0x17f: {  	v7 =	vadd.f32 v11, v7;
	v18 =	vld.idx.msk [tilespmem:v1+s16+$0x0], $0xffff  }
0x180: {  	v23 =	vld.idx.msk [tilespmem:v1+s2+$0x0], $0xffff  }
0x181: {  	v7 =	vadd.f32 v8, v7;
	v24 =	vld.idx.msk [tilespmem:v1+s3+$0x0], $0xffff  }
0x182: {  	v25 =	vld.idx.msk [tilespmem:v1+s4+$0x0], $0xffff  }
0x183: {  	v26 =	vld.idx.msk [tilespmem:v2+s16+$0x0], $0xffff;
	[tilespmem:s22+$0xFFFFFFF0] =	vst v7  }
0x184: {  	v27 =	vld.idx.msk [tilespmem:v2+s2+$0x0], $0xffff  }
0x185: {  	v28 =	vld.idx.msk [tilespmem:v2+s3+$0x0], $0xffff  }
0x186: {  	v29 =	vld.idx.msk [tilespmem:v2+s4+$0x0], $0xffff  }
0x187: {  	v30 =	vld.idx.msk [tilespmem:v4+s16+$0x0], $0xffff  }
0x188: {  	v31 =	vld.idx.msk [tilespmem:v4+s2+$0x0], $0xffff  }
0x189: {  	v32 =	vld.idx.msk [tilespmem:v4+s3+$0x0], $0xffff  }
0x18a: {  	v33 =	vld.idx.msk [tilespmem:v4+s4+$0x0], $0xffff  }
0x18b: {  	v34 =	vld.idx.msk [tilespmem:v5+s16+$0x0], $0xffff  }
0x18c: {  	v35 =	vld.idx.msk [tilespmem:v5+s2+$0x0], $0xffff  }
0x18d: {  	v36 =	vld.idx.msk [tilespmem:v5+s3+$0x0], $0xffff  }
0x18e: {  	v37 =	vld.idx.msk [tilespmem:v5+s4+$0x0], $0xffff  }
0x18f: {  	v7 =	vld [tilespmem:s20+$0xFFFFFF40]  }
0x190: {  	v8 =	vld [tilespmem:s20+$0xFFFFFFC0]  }
0x191: {  	v11 =	vld [tilespmem:s20+$0xFFFFFF50]  }
0x192: {  	v38 =	vld [tilespmem:s20+$0xFFFFFFD0]  }
0x193: {  	v39 =	vld [tilespmem:s20+$0xFFFFFF60]  }
0x194: {  	v6 =	vmul.f32 v7, v6;
	v7 =	vmul.f32 v7, v19;
	v19 =	vld [tilespmem:s20+$0xFFFFFFE0]  }
0x195: {  	v20 =	vmul.f32 v8, v20;
	v8 =	vmul.f32 v8, v21;
	v21 =	vld [tilespmem:s20+$0xFFFFFF70]  }
0x196: {  	v10 =	vmul.f32 v11, v10;
	v9 =	vmul.f32 v11, v9;
	v40 =	vld [tilespmem:s20+$0xFFFFFFF0]  }
0x197: {  	v6 =	vadd.f32 v20, v6;
	v15 =	vmul.f32 v38, v15;
	v17 =	vmul.f32 v38, v17;
	v20 =	vld [tilespmem:s20+$0xFFFFFF80]  }
0x198: {  	v11 =	vadd.f32 v8, v7;
	v14 =	vmul.f32 v39, v14;
	v22 =	vmul.f32 v39, v22;
	v38 =	vld [tilespmem:s20+$0x0]  }
0x199: {  	v7 =	vadd.f32 v15, v10;
	v10 =	vmul.f32 v19, v12;
	v12 =	vmul.f32 v19, v16;
	v15 =	vld [tilespmem:s20+$0xFFFFFF90]  }
0x19a: {  	v8 =	vadd.f32 v17, v9;
	v16 =	vmul.f32 v21, v18;
	v17 =	vmul.f32 v21, v23;
	v18 =	vld [tilespmem:s20+$0x10]  }
0x19b: {  	v9 =	vadd.f32 v10, v14;
	v14 =	vmul.f32 v40, v24;
	v19 =	vmul.f32 v40, v25;
	v21 =	vld [tilespmem:s20+$0xFFFFFFA0]  }
0x19c: {  	v10 =	vadd.f32 v12, v22;
	v22 =	vmul.f32 v20, v26;
	v20 =	vmul.f32 v20, v27;
	v23 =	vld [tilespmem:s20+$0x20]  }
0x19d: {  	v24 =	vld.idx.msk [tilespmem:v13+s5+$0x0], $0xffff;
	v12 =	vadd.f32 v14, v16;
	v14 =	vmul.f32 v38, v28;
	v16 =	vmul.f32 v38, v29  }
0x19e: {  	v25 =	vld.idx.msk [tilespmem:v13+s6+$0x0], $0xffff;
	v13 =	vadd.f32 v19, v17;
	v17 =	vmul.f32 v15, v30;
	v19 =	vmul.f32 v15, v31  }
0x19f: {  	v29 =	vld.idx.msk [tilespmem:v3+s5+$0x0], $0xffff;
	v14 =	vadd.f32 v14, v22;
	v22 =	vmul.f32 v18, v32;
	v18 =	vmul.f32 v18, v33  }
0x1a0: {  	v15 =	vadd.f32 v16, v20;
	v33 =	vld.idx.msk [tilespmem:v3+s6+$0x0], $0xffff;
	v26 =	vmul.f32 v21, v34;
	v21 =	vmul.f32 v21, v35  }
0x1a1: {  	v3 =	vld.idx.msk [tilespmem:v0+s5+$0x0], $0xffff;
	v16 =	vadd.f32 v22, v17;
	v22 =	vmul.f32 v23, v36;
	v23 =	vmul.f32 v23, v37  }
0x1a2: {  	v17 =	vadd.f32 v18, v19;
	v20 =	vld.idx.msk [tilespmem:v0+s6+$0x0], $0xffff  }
0x1a3: {  	v0 =	vld.idx.msk [tilespmem:v1+s5+$0x0], $0xffff;
	v18 =	vadd.f32 v22, v26;
	v19 =	vadd.f32 v23, v21  }
0x1a4: {  	v23 =	vld.idx.msk [tilespmem:v1+s6+$0x0], $0xffff  }
0x1a5: {  	v1 =	vld.idx.msk [tilespmem:v2+s5+$0x0], $0xffff  }
0x1a6: {  	v21 =	vld.idx.msk [tilespmem:v2+s6+$0x0], $0xffff  }
0x1a7: {  	v2 =	vld.idx.msk [tilespmem:v4+s5+$0x0], $0xffff  }
0x1a8: {  	v22 =	vld.idx.msk [tilespmem:v4+s6+$0x0], $0xffff  }
0x1a9: {  	v4 =	vld.idx.msk [tilespmem:v5+s5+$0x0], $0xffff  }
0x1aa: {  	v5 =	vld.idx.msk [tilespmem:v5+s6+$0x0], $0xffff  }
0x1ab: {  	v30 =	vld [tilespmem:s20+$0x40]  }
0x1ac: {  	v34 =	vld [tilespmem:s20+$0x50]  }
.Ltmp1:
0x1ad: {  	v28 =	vld [tilespmem:s20+$0x60];
	(pc) =	sbr.rel @p0 .LBB2_4-.Ltmp1, $4  }
0x1ae: {  	v27 =	vld [tilespmem:s20+$0x70]  }
0x1af: {  	v26 =	vld [tilespmem:s20+$0x80]  }
0x1b0: {  	v32 =	vmul.f32 v30, v24;
	v31 =	vmul.f32 v30, v25;
	v25 =	vld [tilespmem:s20+$0x90]  }
0x1b1: {  	s24 =	sadd.s32 $0x80, s24;
	v30 =	vmul.f32 v34, v29;
	v29 =	vmul.f32 v34, v33;
	v24 =	vld [tilespmem:s20+$0xA0]  }
0x1b2: {  	v6 =	vadd.f32 v32, v6  }
0x1b3: {  	v11 =	vadd.f32 v31, v11  }
0x1b4: {  	v3 =	vmul.f32 v28, v3;
	v8 =	vadd.f32 v29, v8;
	[tilespmem:s22+$0xFFFFFF80] =	vst v6  }
0x1b5: {  	v0 =	vmul.f32 v27, v0;
	v6 =	vadd.f32 v30, v7;
	[tilespmem:s22+$0x0] =	vst v11  }
0x1b6: {  	v7 =	vmul.f32 v28, v20;
	v3 =	vadd.f32 v3, v9;
	[tilespmem:s22+$0x10] =	vst v8  }
0x1b7: {  	v1 =	vmul.f32 v26, v1;
	v0 =	vadd.f32 v0, v12;
	[tilespmem:s22+$0xFFFFFF90] =	vst v6  }
0x1b8: {  	v2 =	vmul.f32 v25, v2;
	v7 =	vadd.f32 v7, v10;
	[tilespmem:s22+$0xFFFFFFA0] =	vst v3  }
0x1b9: {  	v6 =	vmul.f32 v27, v23;
	v1 =	vadd.f32 v1, v14;
	[tilespmem:s22+$0xFFFFFFB0] =	vst v0  }
0x1ba: {  	v3 =	vmul.f32 v26, v21;
	v2 =	vadd.f32 v2, v16;
	[tilespmem:s22+$0x20] =	vst v7  }
0x1bb: {  	v0 =	vmul.f32 v25, v22;
	v6 =	vadd.f32 v6, v13;
	[tilespmem:s22+$0xFFFFFFC0] =	vst v1  }
0x1bc: {  	v4 =	vmul.f32 v24, v4;
	v3 =	vadd.f32 v3, v15;
	[tilespmem:s22+$0xFFFFFFD0] =	vst v2  }
0x1bd: {  	v1 =	vmul.f32 v24, v5;
	v0 =	vadd.f32 v0, v17;
	[tilespmem:s22+$0x30] =	vst v6  }
0x1be: {  	[tilespmem:s22+$0x40] =	vst v3;
	v3 =	vadd.f32 v4, v18  }
0x1bf: {  	v1 =	vadd.f32 v1, v19;
	[tilespmem:s22+$0x50] =	vst v0  }
0x1c0: {  	[tilespmem:s22+$0xFFFFFFE0] =	vst v3  }
0x1c1: {  	[tilespmem:s22+$0x60] =	vst v1  }
0x1c2: {  	s20 =	rddreg [dreg:$0x15]  }
0x1c3: {  	[hbm4b:s20+s16] =	stream.linear.scatter [tilespmem:s15], [sflag:$0x4], $0x2000, $0x38;
	[tilespmem:$0xE700] =	vst v63  }
0x1c4: {  	s22 =	rddreg [dreg:$0x9]  }
0x1c5: {  	[tilespmem:s9], [sflag:$0x2] =	stream.linear.gather [hbm4b:s22+s16], $0x1000, $0x38;
	[tilespmem:$0xE700] =	vst v63  }
0x1c6: {  	s23 =	rddreg [dreg:$0xf]  }
0x1c7: {  	[tilespmem:s10], [sflag:$0x2] =	stream.linear.gather [hbm4b:s23+s16], $0x3000, $0x38;
	[tilespmem:$0xE700] =	vst v63  }
0x1c8: {  	_ =	swait.ge [sflag:s12], $0x1000  }
0x1c9: {  	[sflag:s12] =	ssyncset.done $0x0  }
0x1ca: {  	[sflag:s12] =	ssyncadd.s32 $0xFFFFF000  }
0x1cb: {  	_ =	swait.ge [sflag:s12], $0x3000  }
0x1cc: {  	[sflag:s12] =	ssyncset.done $0x0  }
0x1cd: {  	[sflag:s12] =	ssyncadd.s32 $0xFFFFD000  }
0x1ce: {  	_ =	swait.ge [sflag:s17], $0x2000  }
0x1cf: {  	[sflag:s17] =	ssyncset.done $0x0  }
0x1d0: {  	s24 =	simm.s32 $0x2740;
	[sflag:s17] =	ssyncadd.s32 $0xFFFFE000  }
0x1d1: {  	v0 =	vld [tilespmem:s24+$0x30]  }
0x1d2: {  	v1 =	vld [tilespmem:s24+$0xFFFFFFD0]  }
0x1d3: {  	v2 =	vld [tilespmem:s24+$0xFFFFFFE0]  }
0x1d4: {  	v4 =	vld [tilespmem:s24+$0xFFFFFFF0]  }
0x1d5: {  	v5 =	vld [tilespmem:s24+$0x0]  }
0x1d6: {  	v9 =	vld [tilespmem:s24+$0x10]  }
0x1d7: {  	s20 =	simm.s32 $0x47C0;
	v12 =	vld [tilespmem:s24+$0x20]  }
0x1d8: {  	v3 =	vld [tilespmem:s20+$0xFFFFFFB0]  }
0x1d9: {  	v8 =	vld [tilespmem:s20+$0x30]  }
0x1da: {  	v11 =	vld [tilespmem:s20+$0xB0]  }
0x1db: {  	v13 =	vld [tilespmem:s24+$0xFFFFFFC0]  }
0x1dc: {  	v44 =	vld [tilespmem:s20+$0xFFFFFF40]  }
0x1dd: {  	v45 =	vld [tilespmem:s20+$0xFFFFFFC0]  }
0x1de: {  	v46 =	vld [tilespmem:s20+$0xFFFFFF50]  }
0x1df: {  	v47 =	vld [tilespmem:s20+$0xFFFFFFD0]  }
0x1e0: {  	v48 =	vld [tilespmem:s20+$0xFFFFFF60]  }
0x1e1: {  	v49 =	vld [tilespmem:s20+$0xFFFFFFE0]  }
0x1e2: {  	v50 =	vld [tilespmem:s20+$0xFFFFFF70]  }
0x1e3: {  	v51 =	vld [tilespmem:s20+$0xFFFFFFF0]  }
0x1e4: {  	v52 =	vld [tilespmem:s20+$0xFFFFFF80]  }
0x1e5: {  	v53 =	vld [tilespmem:s20+$0x0]  }
0x1e6: {  	v54 =	vld [tilespmem:s20+$0xFFFFFF90]  }
0x1e7: {  	v55 =	vld [tilespmem:s20+$0x10]  }
0x1e8: {  	v56 =	vld [tilespmem:s20+$0xFFFFFFA0]  }
0x1e9: {  	v57 =	vld [tilespmem:s20+$0x20]  }
0x1ea: {  	v62 =	vld [tilespmem:s20+$0x50]  }
0x1eb: {  	v6 =	vld.idx.msk [tilespmem:v0+s2+$0x0], $0xffff  }
0x1ec: {  	v7 =	vld.idx.msk [tilespmem:v0+s4+$0x0], $0xffff  }
0x1ed: {  	v10 =	vld.idx.msk [tilespmem:v0+s6+$0x0], $0xffff  }
0x1ee: {  	v14 =	vld.idx.msk [tilespmem:v1+s16+$0x0], $0xffff  }
0x1ef: {  	v15 =	vld.idx.msk [tilespmem:v1+s2+$0x0], $0xffff  }
0x1f0: {  	v16 =	vld.idx.msk [tilespmem:v1+s3+$0x0], $0xffff  }
0x1f1: {  	v17 =	vld.idx.msk [tilespmem:v1+s4+$0x0], $0xffff  }
0x1f2: {  	v18 =	vld.idx.msk [tilespmem:v2+s16+$0x0], $0xffff  }
0x1f3: {  	v19 =	vld.idx.msk [tilespmem:v0+s5+$0x0], $0xffff  }
0x1f4: {  	v20 =	vld.idx.msk [tilespmem:v0+s16+$0x0], $0xffff  }
0x1f5: {  	v0 =	vld.idx.msk [tilespmem:v0+s3+$0x0], $0xffff  }
0x1f6: {  	v21 =	vld.idx.msk [tilespmem:v13+s16+$0x0], $0xffff  }
0x1f7: {  	v22 =	vld.idx.msk [tilespmem:v13+s2+$0x0], $0xffff  }
0x1f8: {  	v23 =	vld.idx.msk [tilespmem:v13+s3+$0x0], $0xffff  }
0x1f9: {  	v24 =	vld.idx.msk [tilespmem:v13+s4+$0x0], $0xffff  }
0x1fa: {  	v25 =	vld.idx.msk [tilespmem:v2+s2+$0x0], $0xffff  }
0x1fb: {  	v26 =	vld.idx.msk [tilespmem:v2+s3+$0x0], $0xffff  }
0x1fc: {  	v27 =	vld.idx.msk [tilespmem:v2+s4+$0x0], $0xffff  }
0x1fd: {  	v28 =	vld.idx.msk [tilespmem:v4+s16+$0x0], $0xffff  }
0x1fe: {  	v29 =	vld.idx.msk [tilespmem:v4+s2+$0x0], $0xffff  }
0x1ff: {  	v30 =	vld.idx.msk [tilespmem:v4+s3+$0x0], $0xffff  }
0x200: {  	v31 =	vld.idx.msk [tilespmem:v4+s4+$0x0], $0xffff  }
0x201: {  	v32 =	vld.idx.msk [tilespmem:v5+s16+$0x0], $0xffff  }
0x202: {  	v33 =	vld.idx.msk [tilespmem:v5+s2+$0x0], $0xffff  }
0x203: {  	v34 =	vld.idx.msk [tilespmem:v5+s3+$0x0], $0xffff  }
0x204: {  	v35 =	vld.idx.msk [tilespmem:v5+s4+$0x0], $0xffff  }
0x205: {  	v36 =	vld.idx.msk [tilespmem:v9+s16+$0x0], $0xffff  }
0x206: {  	v37 =	vld.idx.msk [tilespmem:v9+s2+$0x0], $0xffff  }
0x207: {  	v38 =	vld.idx.msk [tilespmem:v9+s3+$0x0], $0xffff  }
0x208: {  	v39 =	vld.idx.msk [tilespmem:v9+s4+$0x0], $0xffff  }
0x209: {  	v40 =	vld.idx.msk [tilespmem:v12+s16+$0x0], $0xffff  }
0x20a: {  	v41 =	vld.idx.msk [tilespmem:v12+s2+$0x0], $0xffff  }
0x20b: {  	v58 =	vld.idx.msk [tilespmem:v13+s5+$0x0], $0xffff  }
0x20c: {  	v59 =	vld.idx.msk [tilespmem:v13+s6+$0x0], $0xffff;
	v6 =	vmul.f32 v3, v6  }
0x20d: {  	v60 =	vld.idx.msk [tilespmem:v1+s5+$0x0], $0xffff;
	v7 =	vmul.f32 v8, v7;
	v13 =	vmul.f32 v3, v20  }
0x20e: {  	v0 =	vmul.f32 v8, v0;
	v8 =	vmul.f32 v11, v10;
	v3 =	vld.idx.msk [tilespmem:v2+s5+$0x0], $0xffff  }
0x20f: {  	v20 =	vld.idx.msk [tilespmem:v2+s6+$0x0], $0xffff;
	v2 =	vmul.f32 v45, v24;
	v63 =	vmul.f32 v56, v41  }
0x210: {  	v61 =	vld.idx.msk [tilespmem:v1+s6+$0x0], $0xffff;
	v1 =	vadd.f32 v7, v6;
	v6 =	vmul.f32 v11, v19;
	v7 =	vmul.f32 v44, v21  }
0x211: {  	v10 =	vadd.f32 v0, v13;
	v11 =	vmul.f32 v44, v22;
	v13 =	vmul.f32 v45, v23;
	v0 =	vld.idx.msk [tilespmem:v4+s5+$0x0], $0xffff  }
0x212: {  	v23 =	vld.idx.msk [tilespmem:v4+s6+$0x0], $0xffff;
	v4 =	vmul.f32 v47, v17;
	v17 =	vmul.f32 v50, v29;
	v19 =	vadd.f32 v8, v1  }
0x213: {  	v42 =	vld.idx.msk [tilespmem:v12+s3+$0x0], $0xffff;
	v8 =	vmul.f32 v46, v14;
	v24 =	vadd.f32 v6, v10;
	v10 =	vmul.f32 v46, v15  }
0x214: {  	v43 =	vld.idx.msk [tilespmem:v12+s4+$0x0], $0xffff;
	v14 =	vmul.f32 v47, v16;
	v6 =	vadd.f32 v13, v7;
	v13 =	vmul.f32 v48, v18  }
0x215: {  	v21 =	vld.idx.msk [tilespmem:v5+s6+$0x0], $0xffff;
	v15 =	vmul.f32 v48, v25;
	v16 =	vmul.f32 v49, v26  }
0x216: {  	v1 =	vld.idx.msk [tilespmem:v5+s5+$0x0], $0xffff;
	v5 =	vmul.f32 v49, v27;
	v18 =	vmul.f32 v51, v30  }
0x217: {  	v22 =	vld.idx.msk [tilespmem:v9+s6+$0x0], $0xffff;
	v11 =	vadd.f32 v2, v11;
	v25 =	vmul.f32 v53, v34;
	v26 =	vmul.f32 v54, v36  }
0x218: {  	v29 =	vld [tilespmem:s20+$0x40];
	v30 =	vmul.f32 v55, v38;
	v7 =	vadd.f32 v14, v8;
	v14 =	vmul.f32 v50, v28  }
0x219: {  	v2 =	vld.idx.msk [tilespmem:v9+s5+$0x0], $0xffff;
	v8 =	vadd.f32 v4, v10;
	v9 =	vadd.f32 v16, v13;
	v13 =	vmul.f32 v51, v31  }
0x21a: {  	v16 =	vmul.f32 v52, v32;
	v4 =	vld.idx.msk [tilespmem:v12+s5+$0x0], $0xffff;
	v10 =	vadd.f32 v5, v15;
	v15 =	vmul.f32 v52, v33  }
0x21b: {  	v5 =	vld.idx.msk [tilespmem:v12+s6+$0x0], $0xffff;
	v31 =	vmul.f32 v56, v40;
	v12 =	vadd.f32 v18, v14;
	v18 =	vmul.f32 v53, v35  }
0x21c: {  	v28 =	vld [tilespmem:s20+$0x60];
	v13 =	vadd.f32 v13, v17;
	v17 =	vmul.f32 v54, v37;
	v14 =	vadd.f32 v25, v16  }
0x21d: {  	v27 =	vld [tilespmem:s20+$0x70];
	v25 =	vmul.f32 v55, v39;
	v16 =	vadd.f32 v30, v26;
	v30 =	vmul.f32 v57, v43  }
0x21e: {  	s22 =	simm.s32 $0xA780;
	v32 =	vmul.f32 v29, v58;
	v26 =	vld [tilespmem:s20+$0x80];
	v15 =	vadd.f32 v18, v15;
	v18 =	vmul.f32 v57, v42  }
0x21f: {  	[tilespmem:s22+$0x70] =	vst v19;
	v17 =	vadd.f32 v25, v17;
	v25 =	vld [tilespmem:s20+$0x90];
	v19 =	vadd.f32 v30, v63;
	v30 =	vmul.f32 v62, v60  }
0x220: {  	s23 =	simm.s32 $0x0;
	s24 =	simm.s32 $0x27C0;
	[tilespmem:s22+$0xFFFFFFF0] =	vst v24;
	v24 =	vld [tilespmem:s20+$0xA0];
	v18 =	vadd.f32 v18, v31;
	v31 =	vmul.f32 v29, v59;
	v29 =	vmul.f32 v62, v61  }
.LBB2_6:
0x221: {  	v33 =	vld [tilespmem:s24+$0x30];
	v6 =	vadd.f32 v32, v6;
	v32 =	vmul.f32 v28, v3;
	v20 =	vmul.f32 v28, v20  }
0x222: {  	s23 =	sadd.s32 $0x8, s23;
	v11 =	vadd.f32 v31, v11;
	v3 =	vld [tilespmem:s24+$0xFFFFFFD0];
	v28 =	vmul.f32 v27, v0;
	v23 =	vmul.f32 v27, v23  }
0x223: {  	p0 =	slt.u32 s23, $0xF8;
	v0 =	vld [tilespmem:s24+$0xFFFFFFE0];
	[tilespmem:s22+$0xFFFFFF80] =	vst v6;
	v6 =	vadd.f32 v30, v7;
	v7 =	vmul.f32 v26, v1;
	v21 =	vmul.f32 v26, v21  }
0x224: {  	v8 =	vadd.f32 v29, v8;
	v1 =	vld [tilespmem:s24+$0xFFFFFFF0];
	[tilespmem:s22+$0x0] =	vst v11;
	v11 =	vmul.f32 v25, v2;
	v22 =	vmul.f32 v25, v22  }
0x225: {  	v2 =	vld [tilespmem:s24+$0x0];
	[tilespmem:s22+$0xFFFFFF90] =	vst v6;
	v6 =	vadd.f32 v32, v9;
	v9 =	vmul.f32 v24, v4;
	v24 =	vmul.f32 v24, v5  }
0x226: {  	v4 =	vld [tilespmem:s24+$0x10];
	[tilespmem:s22+$0x10] =	vst v8;
	v8 =	vadd.f32 v20, v10;
	v10 =	vadd.f32 v28, v12  }
0x227: {  	s20 =	sadd.s32 $0x180, s20;
	v7 =	vadd.f32 v7, v14;
	v5 =	vld [tilespmem:s24+$0x20];
	[tilespmem:s22+$0xFFFFFFA0] =	vst v6;
	v6 =	vadd.f32 v23, v13  }
0x228: {  	v11 =	vadd.f32 v11, v16;
	v12 =	vld [tilespmem:s20+$0xFFFFFFB0];
	[tilespmem:s22+$0x20] =	vst v8;
	v8 =	vadd.f32 v21, v15  }
0x229: {  	v9 =	vadd.f32 v9, v18;
	v14 =	vld.idx.msk [tilespmem:v33+s2+$0x0], $0xffff;
	[tilespmem:s22+$0xFFFFFFB0] =	vst v10;
	v10 =	vadd.f32 v22, v17  }
0x22a: {  	v15 =	vld.idx.msk [tilespmem:v33+s4+$0x0], $0xffff;
	[tilespmem:s22+$0x30] =	vst v6;
	v6 =	vadd.f32 v24, v19  }
0x22b: {  	v16 =	vld [tilespmem:s20+$0x30];
	[tilespmem:s22+$0xFFFFFFC0] =	vst v7  }
0x22c: {  	v7 =	vld.idx.msk [tilespmem:v33+s6+$0x0], $0xffff;
	[tilespmem:s22+$0x40] =	vst v8  }
0x22d: {  	v8 =	vld [tilespmem:s20+$0xB0];
	[tilespmem:s22+$0xFFFFFFD0] =	vst v11  }
0x22e: {  	v13 =	vld [tilespmem:s24+$0xFFFFFFC0];
	[tilespmem:s22+$0x50] =	vst v10  }
0x22f: {  	v10 =	vld.idx.msk [tilespmem:v3+s16+$0x0], $0xffff;
	[tilespmem:s22+$0xFFFFFFE0] =	vst v9  }
0x230: {  	v11 =	vmul.f32 v12, v14;
	v9 =	vld.idx.msk [tilespmem:v3+s2+$0x0], $0xffff;
	v14 =	vmul.f32 v16, v15;
	[tilespmem:s22+$0x60] =	vst v6  }
0x231: {  	v15 =	vld.idx.msk [tilespmem:v3+s3+$0x0], $0xffff  }
0x232: {  	v17 =	vld.idx.msk [tilespmem:v3+s4+$0x0], $0xffff;
	v6 =	vadd.f32 v14, v11;
	v7 =	vmul.f32 v8, v7  }
0x233: {  	v14 =	vld.idx.msk [tilespmem:v0+s16+$0x0], $0xffff  }
0x234: {  	v11 =	vld.idx.msk [tilespmem:v33+s5+$0x0], $0xffff;
	v6 =	vadd.f32 v7, v6  }
0x235: {  	s22 =	sadd.s32 $0x100, s22;
	v7 =	vld.idx.msk [tilespmem:v33+s16+$0x0], $0xffff  }
0x236: {  	v18 =	vld.idx.msk [tilespmem:v33+s3+$0x0], $0xffff;
	[tilespmem:s22+$0x70] =	vst v6  }
0x237: {  	v6 =	vld.idx.msk [tilespmem:v13+s16+$0x0], $0xffff  }
0x238: {  	v19 =	vld.idx.msk [tilespmem:v13+s2+$0x0], $0xffff  }
0x239: {  	v20 =	vld.idx.msk [tilespmem:v13+s3+$0x0], $0xffff  }
0x23a: {  	v8 =	vmul.f32 v8, v11;
	v21 =	vld.idx.msk [tilespmem:v13+s4+$0x0], $0xffff  }
0x23b: {  	v7 =	vmul.f32 v12, v7;
	v22 =	vld.idx.msk [tilespmem:v0+s2+$0x0], $0xffff  }
0x23c: {  	v11 =	vmul.f32 v16, v18;
	v12 =	vld.idx.msk [tilespmem:v0+s3+$0x0], $0xffff  }
0x23d: {  	v16 =	vld.idx.msk [tilespmem:v0+s4+$0x0], $0xffff  }
0x23e: {  	v7 =	vadd.f32 v11, v7;
	v18 =	vld.idx.msk [tilespmem:v1+s16+$0x0], $0xffff  }
0x23f: {  	v23 =	vld.idx.msk [tilespmem:v1+s2+$0x0], $0xffff  }
0x240: {  	v7 =	vadd.f32 v8, v7;
	v24 =	vld.idx.msk [tilespmem:v1+s3+$0x0], $0xffff  }
0x241: {  	v25 =	vld.idx.msk [tilespmem:v1+s4+$0x0], $0xffff  }
0x242: {  	v26 =	vld.idx.msk [tilespmem:v2+s16+$0x0], $0xffff;
	[tilespmem:s22+$0xFFFFFFF0] =	vst v7  }
0x243: {  	v27 =	vld.idx.msk [tilespmem:v2+s2+$0x0], $0xffff  }
0x244: {  	v28 =	vld.idx.msk [tilespmem:v2+s3+$0x0], $0xffff  }
0x245: {  	v29 =	vld.idx.msk [tilespmem:v2+s4+$0x0], $0xffff  }
0x246: {  	v30 =	vld.idx.msk [tilespmem:v4+s16+$0x0], $0xffff  }
0x247: {  	v31 =	vld.idx.msk [tilespmem:v4+s2+$0x0], $0xffff  }
0x248: {  	v32 =	vld.idx.msk [tilespmem:v4+s3+$0x0], $0xffff  }
0x249: {  	v33 =	vld.idx.msk [tilespmem:v4+s4+$0x0], $0xffff  }
0x24a: {  	v34 =	vld.idx.msk [tilespmem:v5+s16+$0x0], $0xffff  }
0x24b: {  	v35 =	vld.idx.msk [tilespmem:v5+s2+$0x0], $0xffff  }
0x24c: {  	v36 =	vld.idx.msk [tilespmem:v5+s3+$0x0], $0xffff  }
0x24d: {  	v37 =	vld.idx.msk [tilespmem:v5+s4+$0x0], $0xffff  }
0x24e: {  	v7 =	vld [tilespmem:s20+$0xFFFFFF40]  }
0x24f: {  	v8 =	vld [tilespmem:s20+$0xFFFFFFC0]  }
0x250: {  	v11 =	vld [tilespmem:s20+$0xFFFFFF50]  }
0x251: {  	v38 =	vld [tilespmem:s20+$0xFFFFFFD0]  }
0x252: {  	v39 =	vld [tilespmem:s20+$0xFFFFFF60]  }
0x253: {  	v6 =	vmul.f32 v7, v6;
	v7 =	vmul.f32 v7, v19;
	v19 =	vld [tilespmem:s20+$0xFFFFFFE0]  }
0x254: {  	v20 =	vmul.f32 v8, v20;
	v8 =	vmul.f32 v8, v21;
	v21 =	vld [tilespmem:s20+$0xFFFFFF70]  }
0x255: {  	v10 =	vmul.f32 v11, v10;
	v9 =	vmul.f32 v11, v9;
	v40 =	vld [tilespmem:s20+$0xFFFFFFF0]  }
0x256: {  	v6 =	vadd.f32 v20, v6;
	v15 =	vmul.f32 v38, v15;
	v17 =	vmul.f32 v38, v17;
	v20 =	vld [tilespmem:s20+$0xFFFFFF80]  }
0x257: {  	v11 =	vadd.f32 v8, v7;
	v14 =	vmul.f32 v39, v14;
	v22 =	vmul.f32 v39, v22;
	v38 =	vld [tilespmem:s20+$0x0]  }
0x258: {  	v7 =	vadd.f32 v15, v10;
	v10 =	vmul.f32 v19, v12;
	v12 =	vmul.f32 v19, v16;
	v15 =	vld [tilespmem:s20+$0xFFFFFF90]  }
0x259: {  	v8 =	vadd.f32 v17, v9;
	v16 =	vmul.f32 v21, v18;
	v17 =	vmul.f32 v21, v23;
	v18 =	vld [tilespmem:s20+$0x10]  }
0x25a: {  	v9 =	vadd.f32 v10, v14;
	v14 =	vmul.f32 v40, v24;
	v19 =	vmul.f32 v40, v25;
	v21 =	vld [tilespmem:s20+$0xFFFFFFA0]  }
0x25b: {  	v10 =	vadd.f32 v12, v22;
	v22 =	vmul.f32 v20, v26;
	v20 =	vmul.f32 v20, v27;
	v23 =	vld [tilespmem:s20+$0x20]  }
0x25c: {  	v24 =	vld.idx.msk [tilespmem:v13+s5+$0x0], $0xffff;
	v12 =	vadd.f32 v14, v16;
	v14 =	vmul.f32 v38, v28;
	v16 =	vmul.f32 v38, v29  }
0x25d: {  	v25 =	vld.idx.msk [tilespmem:v13+s6+$0x0], $0xffff;
	v13 =	vadd.f32 v19, v17;
	v17 =	vmul.f32 v15, v30;
	v19 =	vmul.f32 v15, v31  }
0x25e: {  	v29 =	vld.idx.msk [tilespmem:v3+s5+$0x0], $0xffff;
	v14 =	vadd.f32 v14, v22;
	v22 =	vmul.f32 v18, v32;
	v18 =	vmul.f32 v18, v33  }
0x25f: {  	v15 =	vadd.f32 v16, v20;
	v33 =	vld.idx.msk [tilespmem:v3+s6+$0x0], $0xffff;
	v26 =	vmul.f32 v21, v34;
	v21 =	vmul.f32 v21, v35  }
0x260: {  	v3 =	vld.idx.msk [tilespmem:v0+s5+$0x0], $0xffff;
	v16 =	vadd.f32 v22, v17;
	v22 =	vmul.f32 v23, v36;
	v23 =	vmul.f32 v23, v37  }
0x261: {  	v17 =	vadd.f32 v18, v19;
	v20 =	vld.idx.msk [tilespmem:v0+s6+$0x0], $0xffff  }
0x262: {  	v0 =	vld.idx.msk [tilespmem:v1+s5+$0x0], $0xffff;
	v18 =	vadd.f32 v22, v26;
	v19 =	vadd.f32 v23, v21  }
0x263: {  	v23 =	vld.idx.msk [tilespmem:v1+s6+$0x0], $0xffff  }
0x264: {  	v1 =	vld.idx.msk [tilespmem:v2+s5+$0x0], $0xffff  }
0x265: {  	v21 =	vld.idx.msk [tilespmem:v2+s6+$0x0], $0xffff  }
0x266: {  	v2 =	vld.idx.msk [tilespmem:v4+s5+$0x0], $0xffff  }
0x267: {  	v22 =	vld.idx.msk [tilespmem:v4+s6+$0x0], $0xffff  }
0x268: {  	v4 =	vld.idx.msk [tilespmem:v5+s5+$0x0], $0xffff  }
0x269: {  	v5 =	vld.idx.msk [tilespmem:v5+s6+$0x0], $0xffff  }
0x26a: {  	v30 =	vld [tilespmem:s20+$0x40]  }
0x26b: {  	v34 =	vld [tilespmem:s20+$0x50]  }
.Ltmp2:
0x26c: {  	v28 =	vld [tilespmem:s20+$0x60];
	(pc) =	sbr.rel @p0 .LBB2_6-.Ltmp2, $4  }
0x26d: {  	v27 =	vld [tilespmem:s20+$0x70]  }
0x26e: {  	v26 =	vld [tilespmem:s20+$0x80]  }
0x26f: {  	v32 =	vmul.f32 v30, v24;
	v31 =	vmul.f32 v30, v25;
	v25 =	vld [tilespmem:s20+$0x90]  }
0x270: {  	s24 =	sadd.s32 $0x80, s24;
	v30 =	vmul.f32 v34, v29;
	v29 =	vmul.f32 v34, v33;
	v24 =	vld [tilespmem:s20+$0xA0]  }
0x271: {  	v6 =	vadd.f32 v32, v6  }
0x272: {  	v11 =	vadd.f32 v31, v11  }
0x273: {  	v3 =	vmul.f32 v28, v3;
	v8 =	vadd.f32 v29, v8;
	[tilespmem:s22+$0xFFFFFF80] =	vst v6  }
0x274: {  	v0 =	vmul.f32 v27, v0;
	v6 =	vadd.f32 v30, v7;
	[tilespmem:s22+$0x0] =	vst v11  }
0x275: {  	v7 =	vmul.f32 v28, v20;
	v3 =	vadd.f32 v3, v9;
	[tilespmem:s22+$0x10] =	vst v8  }
0x276: {  	v1 =	vmul.f32 v26, v1;
	v0 =	vadd.f32 v0, v12;
	[tilespmem:s22+$0xFFFFFF90] =	vst v6  }
0x277: {  	v2 =	vmul.f32 v25, v2;
	v7 =	vadd.f32 v7, v10;
	[tilespmem:s22+$0xFFFFFFA0] =	vst v3  }
0x278: {  	v6 =	vmul.f32 v27, v23;
	v1 =	vadd.f32 v1, v14;
	[tilespmem:s22+$0xFFFFFFB0] =	vst v0  }
0x279: {  	v3 =	vmul.f32 v26, v21;
	v2 =	vadd.f32 v2, v16;
	[tilespmem:s22+$0x20] =	vst v7  }
0x27a: {  	v0 =	vmul.f32 v25, v22;
	v6 =	vadd.f32 v6, v13;
	[tilespmem:s22+$0xFFFFFFC0] =	vst v1  }
0x27b: {  	v4 =	vmul.f32 v24, v4;
	v3 =	vadd.f32 v3, v15;
	[tilespmem:s22+$0xFFFFFFD0] =	vst v2  }
0x27c: {  	v1 =	vmul.f32 v24, v5;
	v0 =	vadd.f32 v0, v17;
	[tilespmem:s22+$0x30] =	vst v6  }
0x27d: {  	[tilespmem:s22+$0x40] =	vst v3;
	v3 =	vadd.f32 v4, v18  }
0x27e: {  	v1 =	vadd.f32 v1, v19;
	[tilespmem:s22+$0x50] =	vst v0  }
0x27f: {  	[tilespmem:s22+$0xFFFFFFE0] =	vst v3  }
0x280: {  	[tilespmem:s22+$0x60] =	vst v1  }
0x281: {  	s20 =	rddreg [dreg:$0x16]  }
0x282: {  	[hbm4b:s20+s16] =	stream.linear.scatter [tilespmem:s13], [sflag:$0x3], $0x2000, $0x38;
	[tilespmem:$0xE700] =	vst v63  }
0x283: {  	s22 =	rddreg [dreg:$0xa]  }
0x284: {  	[tilespmem:s7], [sflag:$0x1] =	stream.linear.gather [hbm4b:s22+s16], $0x1000, $0x38;
	[tilespmem:$0xE700] =	vst v63  }
0x285: {  	s23 =	rddreg [dreg:$0x10]  }
0x286: {  	[tilespmem:s8], [sflag:$0x1] =	stream.linear.gather [hbm4b:s23+s16], $0x3000, $0x38;
	[tilespmem:$0xE700] =	vst v63  }
0x287: {  	_ =	swait.ge [sflag:s14], $0x1000  }
0x288: {  	[sflag:s14] =	ssyncset.done $0x0  }
0x289: {  	[sflag:s14] =	ssyncadd.s32 $0xFFFFF000  }
0x28a: {  	_ =	swait.ge [sflag:s14], $0x3000  }
0x28b: {  	[sflag:s14] =	ssyncset.done $0x0  }
0x28c: {  	[sflag:s14] =	ssyncadd.s32 $0xFFFFD000  }
0x28d: {  	_ =	swait.ge [sflag:s18], $0x2000  }
0x28e: {  	[sflag:s18] =	ssyncset.done $0x0  }
0x28f: {  	s24 =	simm.s32 $0x3740;
	[sflag:s18] =	ssyncadd.s32 $0xFFFFE000  }
0x290: {  	v0 =	vld [tilespmem:s24+$0x30]  }
0x291: {  	v1 =	vld [tilespmem:s24+$0xFFFFFFD0]  }
0x292: {  	v2 =	vld [tilespmem:s24+$0xFFFFFFE0]  }
0x293: {  	v4 =	vld [tilespmem:s24+$0xFFFFFFF0]  }
0x294: {  	v5 =	vld [tilespmem:s24+$0x0]  }
0x295: {  	v9 =	vld [tilespmem:s24+$0x10]  }
0x296: {  	s20 =	simm.s32 $0x77C0;
	v12 =	vld [tilespmem:s24+$0x20]  }
0x297: {  	v3 =	vld [tilespmem:s20+$0xFFFFFFB0]  }
0x298: {  	v8 =	vld [tilespmem:s20+$0x30]  }
0x299: {  	v11 =	vld [tilespmem:s20+$0xB0]  }
0x29a: {  	v13 =	vld [tilespmem:s24+$0xFFFFFFC0]  }
0x29b: {  	v44 =	vld [tilespmem:s20+$0xFFFFFF40]  }
0x29c: {  	v45 =	vld [tilespmem:s20+$0xFFFFFFC0]  }
0x29d: {  	v46 =	vld [tilespmem:s20+$0xFFFFFF50]  }
0x29e: {  	v47 =	vld [tilespmem:s20+$0xFFFFFFD0]  }
0x29f: {  	v48 =	vld [tilespmem:s20+$0xFFFFFF60]  }
0x2a0: {  	v49 =	vld [tilespmem:s20+$0xFFFFFFE0]  }
0x2a1: {  	v50 =	vld [tilespmem:s20+$0xFFFFFF70]  }
0x2a2: {  	v51 =	vld [tilespmem:s20+$0xFFFFFFF0]  }
0x2a3: {  	v52 =	vld [tilespmem:s20+$0xFFFFFF80]  }
0x2a4: {  	v53 =	vld [tilespmem:s20+$0x0]  }
0x2a5: {  	v54 =	vld [tilespmem:s20+$0xFFFFFF90]  }
0x2a6: {  	v55 =	vld [tilespmem:s20+$0x10]  }
0x2a7: {  	v56 =	vld [tilespmem:s20+$0xFFFFFFA0]  }
0x2a8: {  	v57 =	vld [tilespmem:s20+$0x20]  }
0x2a9: {  	v62 =	vld [tilespmem:s20+$0x50]  }
0x2aa: {  	v6 =	vld.idx.msk [tilespmem:v0+s2+$0x0], $0xffff  }
0x2ab: {  	v7 =	vld.idx.msk [tilespmem:v0+s4+$0x0], $0xffff  }
0x2ac: {  	v10 =	vld.idx.msk [tilespmem:v0+s6+$0x0], $0xffff  }
0x2ad: {  	v14 =	vld.idx.msk [tilespmem:v1+s16+$0x0], $0xffff  }
0x2ae: {  	v15 =	vld.idx.msk [tilespmem:v1+s2+$0x0], $0xffff  }
0x2af: {  	v16 =	vld.idx.msk [tilespmem:v1+s3+$0x0], $0xffff  }
0x2b0: {  	v17 =	vld.idx.msk [tilespmem:v1+s4+$0x0], $0xffff  }
0x2b1: {  	v18 =	vld.idx.msk [tilespmem:v2+s16+$0x0], $0xffff  }
0x2b2: {  	v19 =	vld.idx.msk [tilespmem:v0+s5+$0x0], $0xffff  }
0x2b3: {  	v20 =	vld.idx.msk [tilespmem:v0+s16+$0x0], $0xffff  }
0x2b4: {  	v0 =	vld.idx.msk [tilespmem:v0+s3+$0x0], $0xffff  }
0x2b5: {  	v21 =	vld.idx.msk [tilespmem:v13+s16+$0x0], $0xffff  }
0x2b6: {  	v22 =	vld.idx.msk [tilespmem:v13+s2+$0x0], $0xffff  }
0x2b7: {  	v23 =	vld.idx.msk [tilespmem:v13+s3+$0x0], $0xffff  }
0x2b8: {  	v24 =	vld.idx.msk [tilespmem:v13+s4+$0x0], $0xffff  }
0x2b9: {  	v25 =	vld.idx.msk [tilespmem:v2+s2+$0x0], $0xffff  }
0x2ba: {  	v26 =	vld.idx.msk [tilespmem:v2+s3+$0x0], $0xffff  }
0x2bb: {  	v27 =	vld.idx.msk [tilespmem:v2+s4+$0x0], $0xffff  }
0x2bc: {  	v28 =	vld.idx.msk [tilespmem:v4+s16+$0x0], $0xffff  }
0x2bd: {  	v29 =	vld.idx.msk [tilespmem:v4+s2+$0x0], $0xffff  }
0x2be: {  	v30 =	vld.idx.msk [tilespmem:v4+s3+$0x0], $0xffff  }
0x2bf: {  	v31 =	vld.idx.msk [tilespmem:v4+s4+$0x0], $0xffff  }
0x2c0: {  	v32 =	vld.idx.msk [tilespmem:v5+s16+$0x0], $0xffff  }
0x2c1: {  	v33 =	vld.idx.msk [tilespmem:v5+s2+$0x0], $0xffff  }
0x2c2: {  	v34 =	vld.idx.msk [tilespmem:v5+s3+$0x0], $0xffff  }
0x2c3: {  	v35 =	vld.idx.msk [tilespmem:v5+s4+$0x0], $0xffff  }
0x2c4: {  	v36 =	vld.idx.msk [tilespmem:v9+s16+$0x0], $0xffff  }
0x2c5: {  	v37 =	vld.idx.msk [tilespmem:v9+s2+$0x0], $0xffff  }
0x2c6: {  	v38 =	vld.idx.msk [tilespmem:v9+s3+$0x0], $0xffff  }
0x2c7: {  	v39 =	vld.idx.msk [tilespmem:v9+s4+$0x0], $0xffff  }
0x2c8: {  	v40 =	vld.idx.msk [tilespmem:v12+s16+$0x0], $0xffff  }
0x2c9: {  	v41 =	vld.idx.msk [tilespmem:v12+s2+$0x0], $0xffff  }
0x2ca: {  	v58 =	vld.idx.msk [tilespmem:v13+s5+$0x0], $0xffff  }
0x2cb: {  	v59 =	vld.idx.msk [tilespmem:v13+s6+$0x0], $0xffff;
	v6 =	vmul.f32 v3, v6  }
0x2cc: {  	v60 =	vld.idx.msk [tilespmem:v1+s5+$0x0], $0xffff;
	v7 =	vmul.f32 v8, v7;
	v13 =	vmul.f32 v3, v20  }
0x2cd: {  	v0 =	vmul.f32 v8, v0;
	v8 =	vmul.f32 v11, v10;
	v3 =	vld.idx.msk [tilespmem:v2+s5+$0x0], $0xffff  }
0x2ce: {  	v20 =	vld.idx.msk [tilespmem:v2+s6+$0x0], $0xffff;
	v2 =	vmul.f32 v45, v24;
	v63 =	vmul.f32 v56, v41  }
0x2cf: {  	v61 =	vld.idx.msk [tilespmem:v1+s6+$0x0], $0xffff;
	v1 =	vadd.f32 v7, v6;
	v6 =	vmul.f32 v11, v19;
	v7 =	vmul.f32 v44, v21  }
0x2d0: {  	v10 =	vadd.f32 v0, v13;
	v11 =	vmul.f32 v44, v22;
	v13 =	vmul.f32 v45, v23;
	v0 =	vld.idx.msk [tilespmem:v4+s5+$0x0], $0xffff  }
0x2d1: {  	v23 =	vld.idx.msk [tilespmem:v4+s6+$0x0], $0xffff;
	v4 =	vmul.f32 v47, v17;
	v17 =	vmul.f32 v50, v29;
	v19 =	vadd.f32 v8, v1  }
0x2d2: {  	v42 =	vld.idx.msk [tilespmem:v12+s3+$0x0], $0xffff;
	v8 =	vmul.f32 v46, v14;
	v24 =	vadd.f32 v6, v10;
	v10 =	vmul.f32 v46, v15  }
0x2d3: {  	v43 =	vld.idx.msk [tilespmem:v12+s4+$0x0], $0xffff;
	v14 =	vmul.f32 v47, v16;
	v6 =	vadd.f32 v13, v7;
	v13 =	vmul.f32 v48, v18  }
0x2d4: {  	v21 =	vld.idx.msk [tilespmem:v5+s6+$0x0], $0xffff;
	v15 =	vmul.f32 v48, v25;
	v16 =	vmul.f32 v49, v26  }
0x2d5: {  	v1 =	vld.idx.msk [tilespmem:v5+s5+$0x0], $0xffff;
	v5 =	vmul.f32 v49, v27;
	v18 =	vmul.f32 v51, v30  }
0x2d6: {  	v22 =	vld.idx.msk [tilespmem:v9+s6+$0x0], $0xffff;
	v11 =	vadd.f32 v2, v11;
	v25 =	vmul.f32 v53, v34;
	v26 =	vmul.f32 v54, v36  }
0x2d7: {  	v29 =	vld [tilespmem:s20+$0x40];
	v30 =	vmul.f32 v55, v38;
	v7 =	vadd.f32 v14, v8;
	v14 =	vmul.f32 v50, v28  }
0x2d8: {  	v2 =	vld.idx.msk [tilespmem:v9+s5+$0x0], $0xffff;
	v8 =	vadd.f32 v4, v10;
	v9 =	vadd.f32 v16, v13;
	v13 =	vmul.f32 v51, v31  }
0x2d9: {  	v16 =	vmul.f32 v52, v32;
	v4 =	vld.idx.msk [tilespmem:v12+s5+$0x0], $0xffff;
	v10 =	vadd.f32 v5, v15;
	v15 =	vmul.f32 v52, v33  }
0x2da: {  	v5 =	vld.idx.msk [tilespmem:v12+s6+$0x0], $0xffff;
	v31 =	vmul.f32 v56, v40;
	v12 =	vadd.f32 v18, v14;
	v18 =	vmul.f32 v53, v35  }
0x2db: {  	v28 =	vld [tilespmem:s20+$0x60];
	v13 =	vadd.f32 v13, v17;
	v17 =	vmul.f32 v54, v37;
	v14 =	vadd.f32 v25, v16  }
0x2dc: {  	v27 =	vld [tilespmem:s20+$0x70];
	v25 =	vmul.f32 v55, v39;
	v16 =	vadd.f32 v30, v26;
	v30 =	vmul.f32 v57, v43  }
0x2dd: {  	s22 =	simm.s32 $0xC780;
	v32 =	vmul.f32 v29, v58;
	v26 =	vld [tilespmem:s20+$0x80];
	v15 =	vadd.f32 v18, v15;
	v18 =	vmul.f32 v57, v42  }
0x2de: {  	[tilespmem:s22+$0x70] =	vst v19;
	v17 =	vadd.f32 v25, v17;
	v25 =	vld [tilespmem:s20+$0x90];
	v19 =	vadd.f32 v30, v63;
	v30 =	vmul.f32 v62, v60  }
0x2df: {  	s23 =	simm.s32 $0x0;
	s24 =	simm.s32 $0x37C0;
	[tilespmem:s22+$0xFFFFFFF0] =	vst v24;
	v24 =	vld [tilespmem:s20+$0xA0];
	v18 =	vadd.f32 v18, v31;
	v31 =	vmul.f32 v29, v59;
	v29 =	vmul.f32 v62, v61  }
.LBB2_8:
0x2e0: {  	v33 =	vld [tilespmem:s24+$0x30];
	v6 =	vadd.f32 v32, v6;
	v32 =	vmul.f32 v28, v3;
	v20 =	vmul.f32 v28, v20  }
0x2e1: {  	s23 =	sadd.s32 $0x8, s23;
	v11 =	vadd.f32 v31, v11;
	v3 =	vld [tilespmem:s24+$0xFFFFFFD0];
	v28 =	vmul.f32 v27, v0;
	v23 =	vmul.f32 v27, v23  }
0x2e2: {  	p0 =	slt.u32 s23, $0xF8;
	v0 =	vld [tilespmem:s24+$0xFFFFFFE0];
	[tilespmem:s22+$0xFFFFFF80] =	vst v6;
	v6 =	vadd.f32 v30, v7;
	v7 =	vmul.f32 v26, v1;
	v21 =	vmul.f32 v26, v21  }
0x2e3: {  	v8 =	vadd.f32 v29, v8;
	v1 =	vld [tilespmem:s24+$0xFFFFFFF0];
	[tilespmem:s22+$0x0] =	vst v11;
	v11 =	vmul.f32 v25, v2;
	v22 =	vmul.f32 v25, v22  }
0x2e4: {  	v2 =	vld [tilespmem:s24+$0x0];
	[tilespmem:s22+$0xFFFFFF90] =	vst v6;
	v6 =	vadd.f32 v32, v9;
	v9 =	vmul.f32 v24, v4;
	v24 =	vmul.f32 v24, v5  }
0x2e5: {  	v4 =	vld [tilespmem:s24+$0x10];
	[tilespmem:s22+$0x10] =	vst v8;
	v8 =	vadd.f32 v20, v10;
	v10 =	vadd.f32 v28, v12  }
0x2e6: {  	s20 =	sadd.s32 $0x180, s20;
	v7 =	vadd.f32 v7, v14;
	v5 =	vld [tilespmem:s24+$0x20];
	[tilespmem:s22+$0xFFFFFFA0] =	vst v6;
	v6 =	vadd.f32 v23, v13  }
0x2e7: {  	v11 =	vadd.f32 v11, v16;
	v12 =	vld [tilespmem:s20+$0xFFFFFFB0];
	[tilespmem:s22+$0x20] =	vst v8;
	v8 =	vadd.f32 v21, v15  }
0x2e8: {  	v9 =	vadd.f32 v9, v18;
	v14 =	vld.idx.msk [tilespmem:v33+s2+$0x0], $0xffff;
	[tilespmem:s22+$0xFFFFFFB0] =	vst v10;
	v10 =	vadd.f32 v22, v17  }
0x2e9: {  	v15 =	vld.idx.msk [tilespmem:v33+s4+$0x0], $0xffff;
	[tilespmem:s22+$0x30] =	vst v6;
	v6 =	vadd.f32 v24, v19  }
0x2ea: {  	v16 =	vld [tilespmem:s20+$0x30];
	[tilespmem:s22+$0xFFFFFFC0] =	vst v7  }
0x2eb: {  	v7 =	vld.idx.msk [tilespmem:v33+s6+$0x0], $0xffff;
	[tilespmem:s22+$0x40] =	vst v8  }
0x2ec: {  	v8 =	vld [tilespmem:s20+$0xB0];
	[tilespmem:s22+$0xFFFFFFD0] =	vst v11  }
0x2ed: {  	v13 =	vld [tilespmem:s24+$0xFFFFFFC0];
	[tilespmem:s22+$0x50] =	vst v10  }
0x2ee: {  	v10 =	vld.idx.msk [tilespmem:v3+s16+$0x0], $0xffff;
	[tilespmem:s22+$0xFFFFFFE0] =	vst v9  }
0x2ef: {  	v11 =	vmul.f32 v12, v14;
	v9 =	vld.idx.msk [tilespmem:v3+s2+$0x0], $0xffff;
	v14 =	vmul.f32 v16, v15;
	[tilespmem:s22+$0x60] =	vst v6  }
0x2f0: {  	v15 =	vld.idx.msk [tilespmem:v3+s3+$0x0], $0xffff  }
0x2f1: {  	v17 =	vld.idx.msk [tilespmem:v3+s4+$0x0], $0xffff;
	v6 =	vadd.f32 v14, v11;
	v7 =	vmul.f32 v8, v7  }
0x2f2: {  	v14 =	vld.idx.msk [tilespmem:v0+s16+$0x0], $0xffff  }
0x2f3: {  	v11 =	vld.idx.msk [tilespmem:v33+s5+$0x0], $0xffff;
	v6 =	vadd.f32 v7, v6  }
0x2f4: {  	s22 =	sadd.s32 $0x100, s22;
	v7 =	vld.idx.msk [tilespmem:v33+s16+$0x0], $0xffff  }
0x2f5: {  	v18 =	vld.idx.msk [tilespmem:v33+s3+$0x0], $0xffff;
	[tilespmem:s22+$0x70] =	vst v6  }
0x2f6: {  	v6 =	vld.idx.msk [tilespmem:v13+s16+$0x0], $0xffff  }
0x2f7: {  	v19 =	vld.idx.msk [tilespmem:v13+s2+$0x0], $0xffff  }
0x2f8: {  	v20 =	vld.idx.msk [tilespmem:v13+s3+$0x0], $0xffff  }
0x2f9: {  	v8 =	vmul.f32 v8, v11;
	v21 =	vld.idx.msk [tilespmem:v13+s4+$0x0], $0xffff  }
0x2fa: {  	v7 =	vmul.f32 v12, v7;
	v22 =	vld.idx.msk [tilespmem:v0+s2+$0x0], $0xffff  }
0x2fb: {  	v11 =	vmul.f32 v16, v18;
	v12 =	vld.idx.msk [tilespmem:v0+s3+$0x0], $0xffff  }
0x2fc: {  	v16 =	vld.idx.msk [tilespmem:v0+s4+$0x0], $0xffff  }
0x2fd: {  	v7 =	vadd.f32 v11, v7;
	v18 =	vld.idx.msk [tilespmem:v1+s16+$0x0], $0xffff  }
0x2fe: {  	v23 =	vld.idx.msk [tilespmem:v1+s2+$0x0], $0xffff  }
0x2ff: {  	v7 =	vadd.f32 v8, v7;
	v24 =	vld.idx.msk [tilespmem:v1+s3+$0x0], $0xffff  }
0x300: {  	v25 =	vld.idx.msk [tilespmem:v1+s4+$0x0], $0xffff  }
0x301: {  	v26 =	vld.idx.msk [tilespmem:v2+s16+$0x0], $0xffff;
	[tilespmem:s22+$0xFFFFFFF0] =	vst v7  }
0x302: {  	v27 =	vld.idx.msk [tilespmem:v2+s2+$0x0], $0xffff  }
0x303: {  	v28 =	vld.idx.msk [tilespmem:v2+s3+$0x0], $0xffff  }
0x304: {  	v29 =	vld.idx.msk [tilespmem:v2+s4+$0x0], $0xffff  }
0x305: {  	v30 =	vld.idx.msk [tilespmem:v4+s16+$0x0], $0xffff  }
0x306: {  	v31 =	vld.idx.msk [tilespmem:v4+s2+$0x0], $0xffff  }
0x307: {  	v32 =	vld.idx.msk [tilespmem:v4+s3+$0x0], $0xffff  }
0x308: {  	v33 =	vld.idx.msk [tilespmem:v4+s4+$0x0], $0xffff  }
0x309: {  	v34 =	vld.idx.msk [tilespmem:v5+s16+$0x0], $0xffff  }
0x30a: {  	v35 =	vld.idx.msk [tilespmem:v5+s2+$0x0], $0xffff  }
0x30b: {  	v36 =	vld.idx.msk [tilespmem:v5+s3+$0x0], $0xffff  }
0x30c: {  	v37 =	vld.idx.msk [tilespmem:v5+s4+$0x0], $0xffff  }
0x30d: {  	v7 =	vld [tilespmem:s20+$0xFFFFFF40]  }
0x30e: {  	v8 =	vld [tilespmem:s20+$0xFFFFFFC0]  }
0x30f: {  	v11 =	vld [tilespmem:s20+$0xFFFFFF50]  }
0x310: {  	v38 =	vld [tilespmem:s20+$0xFFFFFFD0]  }
0x311: {  	v39 =	vld [tilespmem:s20+$0xFFFFFF60]  }
0x312: {  	v6 =	vmul.f32 v7, v6;
	v7 =	vmul.f32 v7, v19;
	v19 =	vld [tilespmem:s20+$0xFFFFFFE0]  }
0x313: {  	v20 =	vmul.f32 v8, v20;
	v8 =	vmul.f32 v8, v21;
	v21 =	vld [tilespmem:s20+$0xFFFFFF70]  }
0x314: {  	v10 =	vmul.f32 v11, v10;
	v9 =	vmul.f32 v11, v9;
	v40 =	vld [tilespmem:s20+$0xFFFFFFF0]  }
0x315: {  	v6 =	vadd.f32 v20, v6;
	v15 =	vmul.f32 v38, v15;
	v17 =	vmul.f32 v38, v17;
	v20 =	vld [tilespmem:s20+$0xFFFFFF80]  }
0x316: {  	v11 =	vadd.f32 v8, v7;
	v14 =	vmul.f32 v39, v14;
	v22 =	vmul.f32 v39, v22;
	v38 =	vld [tilespmem:s20+$0x0]  }
0x317: {  	v7 =	vadd.f32 v15, v10;
	v10 =	vmul.f32 v19, v12;
	v12 =	vmul.f32 v19, v16;
	v15 =	vld [tilespmem:s20+$0xFFFFFF90]  }
0x318: {  	v8 =	vadd.f32 v17, v9;
	v16 =	vmul.f32 v21, v18;
	v17 =	vmul.f32 v21, v23;
	v18 =	vld [tilespmem:s20+$0x10]  }
0x319: {  	v9 =	vadd.f32 v10, v14;
	v14 =	vmul.f32 v40, v24;
	v19 =	vmul.f32 v40, v25;
	v21 =	vld [tilespmem:s20+$0xFFFFFFA0]  }
0x31a: {  	v10 =	vadd.f32 v12, v22;
	v22 =	vmul.f32 v20, v26;
	v20 =	vmul.f32 v20, v27;
	v23 =	vld [tilespmem:s20+$0x20]  }
0x31b: {  	v24 =	vld.idx.msk [tilespmem:v13+s5+$0x0], $0xffff;
	v12 =	vadd.f32 v14, v16;
	v14 =	vmul.f32 v38, v28;
	v16 =	vmul.f32 v38, v29  }
0x31c: {  	v25 =	vld.idx.msk [tilespmem:v13+s6+$0x0], $0xffff;
	v13 =	vadd.f32 v19, v17;
	v17 =	vmul.f32 v15, v30;
	v19 =	vmul.f32 v15, v31  }
0x31d: {  	v29 =	vld.idx.msk [tilespmem:v3+s5+$0x0], $0xffff;
	v14 =	vadd.f32 v14, v22;
	v22 =	vmul.f32 v18, v32;
	v18 =	vmul.f32 v18, v33  }
0x31e: {  	v15 =	vadd.f32 v16, v20;
	v33 =	vld.idx.msk [tilespmem:v3+s6+$0x0], $0xffff;
	v26 =	vmul.f32 v21, v34;
	v21 =	vmul.f32 v21, v35  }
0x31f: {  	v3 =	vld.idx.msk [tilespmem:v0+s5+$0x0], $0xffff;
	v16 =	vadd.f32 v22, v17;
	v22 =	vmul.f32 v23, v36;
	v23 =	vmul.f32 v23, v37  }
0x320: {  	v17 =	vadd.f32 v18, v19;
	v20 =	vld.idx.msk [tilespmem:v0+s6+$0x0], $0xffff  }
0x321: {  	v0 =	vld.idx.msk [tilespmem:v1+s5+$0x0], $0xffff;
	v18 =	vadd.f32 v22, v26;
	v19 =	vadd.f32 v23, v21  }
0x322: {  	v23 =	vld.idx.msk [tilespmem:v1+s6+$0x0], $0xffff  }
0x323: {  	v1 =	vld.idx.msk [tilespmem:v2+s5+$0x0], $0xffff  }
0x324: {  	v21 =	vld.idx.msk [tilespmem:v2+s6+$0x0], $0xffff  }
0x325: {  	v2 =	vld.idx.msk [tilespmem:v4+s5+$0x0], $0xffff  }
0x326: {  	v22 =	vld.idx.msk [tilespmem:v4+s6+$0x0], $0xffff  }
0x327: {  	v4 =	vld.idx.msk [tilespmem:v5+s5+$0x0], $0xffff  }
0x328: {  	v5 =	vld.idx.msk [tilespmem:v5+s6+$0x0], $0xffff  }
0x329: {  	v30 =	vld [tilespmem:s20+$0x40]  }
0x32a: {  	v34 =	vld [tilespmem:s20+$0x50]  }
.Ltmp3:
0x32b: {  	v28 =	vld [tilespmem:s20+$0x60];
	(pc) =	sbr.rel @p0 .LBB2_8-.Ltmp3, $4  }
0x32c: {  	v27 =	vld [tilespmem:s20+$0x70]  }
0x32d: {  	v26 =	vld [tilespmem:s20+$0x80]  }
0x32e: {  	v32 =	vmul.f32 v30, v24;
	v31 =	vmul.f32 v30, v25;
	v25 =	vld [tilespmem:s20+$0x90]  }
0x32f: {  	s24 =	sadd.s32 $0x80, s24;
	v30 =	vmul.f32 v34, v29;
	v29 =	vmul.f32 v34, v33;
	v24 =	vld [tilespmem:s20+$0xA0]  }
0x330: {  	v6 =	vadd.f32 v32, v6  }
0x331: {  	v11 =	vadd.f32 v31, v11  }
0x332: {  	v3 =	vmul.f32 v28, v3;
	v8 =	vadd.f32 v29, v8;
	[tilespmem:s22+$0xFFFFFF80] =	vst v6  }
0x333: {  	v0 =	vmul.f32 v27, v0;
	v6 =	vadd.f32 v30, v7;
	[tilespmem:s22+$0x0] =	vst v11  }
0x334: {  	v7 =	vmul.f32 v28, v20;
	v3 =	vadd.f32 v3, v9;
	[tilespmem:s22+$0x10] =	vst v8  }
0x335: {  	v1 =	vmul.f32 v26, v1;
	v0 =	vadd.f32 v0, v12;
	[tilespmem:s22+$0xFFFFFF90] =	vst v6  }
0x336: {  	v2 =	vmul.f32 v25, v2;
	v7 =	vadd.f32 v7, v10;
	[tilespmem:s22+$0xFFFFFFA0] =	vst v3  }
0x337: {  	v6 =	vmul.f32 v27, v23;
	v1 =	vadd.f32 v1, v14;
	[tilespmem:s22+$0xFFFFFFB0] =	vst v0  }
0x338: {  	v3 =	vmul.f32 v26, v21;
	v2 =	vadd.f32 v2, v16;
	[tilespmem:s22+$0x20] =	vst v7  }
0x339: {  	v0 =	vmul.f32 v25, v22;
	v6 =	vadd.f32 v6, v13;
	[tilespmem:s22+$0xFFFFFFC0] =	vst v1  }
0x33a: {  	v4 =	vmul.f32 v24, v4;
	v3 =	vadd.f32 v3, v15;
	[tilespmem:s22+$0xFFFFFFD0] =	vst v2  }
0x33b: {  	v1 =	vmul.f32 v24, v5;
	v0 =	vadd.f32 v0, v17;
	[tilespmem:s22+$0x30] =	vst v6  }
0x33c: {  	[tilespmem:s22+$0x40] =	vst v3;
	v3 =	vadd.f32 v4, v18  }
0x33d: {  	v1 =	vadd.f32 v1, v19;
	[tilespmem:s22+$0x50] =	vst v0  }
0x33e: {  	[tilespmem:s22+$0xFFFFFFE0] =	vst v3  }
0x33f: {  	[tilespmem:s22+$0x60] =	vst v1  }
0x340: {  	s20 =	rddreg [dreg:$0x17]  }
0x341: {  	[hbm4b:s20+s16] =	stream.linear.scatter [tilespmem:s15], [sflag:$0x4], $0x2000, $0x38;
	[tilespmem:$0xE700] =	vst v63  }
0x342: {  	s22 =	rddreg [dreg:$0xb]  }
0x343: {  	[tilespmem:s9], [sflag:$0x2] =	stream.linear.gather [hbm4b:s22+s16], $0x1000, $0x38;
	[tilespmem:$0xE700] =	vst v63  }
0x344: {  	s23 =	rddreg [dreg:$0x11]  }
0x345: {  	[tilespmem:s10], [sflag:$0x2] =	stream.linear.gather [hbm4b:s23+s16], $0x3000, $0x38;
	[tilespmem:$0xE700] =	vst v63  }
0x346: {  	_ =	swait.ge [sflag:s12], $0x1000  }
0x347: {  	[sflag:s12] =	ssyncset.done $0x0  }
0x348: {  	[sflag:s12] =	ssyncadd.s32 $0xFFFFF000  }
0x349: {  	_ =	swait.ge [sflag:s12], $0x3000  }
0x34a: {  	[sflag:s12] =	ssyncset.done $0x0  }
0x34b: {  	[sflag:s12] =	ssyncadd.s32 $0xFFFFD000  }
0x34c: {  	_ =	swait.ge [sflag:s17], $0x2000  }
0x34d: {  	[sflag:s17] =	ssyncset.done $0x0  }
0x34e: {  	s24 =	simm.s32 $0x2740;
	[sflag:s17] =	ssyncadd.s32 $0xFFFFE000  }
0x34f: {  	v0 =	vld [tilespmem:s24+$0x30]  }
0x350: {  	v1 =	vld [tilespmem:s24+$0xFFFFFFD0]  }
0x351: {  	v2 =	vld [tilespmem:s24+$0xFFFFFFE0]  }
0x352: {  	v4 =	vld [tilespmem:s24+$0xFFFFFFF0]  }
0x353: {  	v5 =	vld [tilespmem:s24+$0x0]  }
0x354: {  	v9 =	vld [tilespmem:s24+$0x10]  }
0x355: {  	s20 =	simm.s32 $0x47C0;
	v12 =	vld [tilespmem:s24+$0x20]  }
0x356: {  	v3 =	vld [tilespmem:s20+$0xFFFFFFB0]  }
0x357: {  	v8 =	vld [tilespmem:s20+$0x30]  }
0x358: {  	v11 =	vld [tilespmem:s20+$0xB0]  }
0x359: {  	v13 =	vld [tilespmem:s24+$0xFFFFFFC0]  }
0x35a: {  	v44 =	vld [tilespmem:s20+$0xFFFFFF40]  }
0x35b: {  	v45 =	vld [tilespmem:s20+$0xFFFFFFC0]  }
0x35c: {  	v46 =	vld [tilespmem:s20+$0xFFFFFF50]  }
0x35d: {  	v47 =	vld [tilespmem:s20+$0xFFFFFFD0]  }
0x35e: {  	v48 =	vld [tilespmem:s20+$0xFFFFFF60]  }
0x35f: {  	v49 =	vld [tilespmem:s20+$0xFFFFFFE0]  }
0x360: {  	v50 =	vld [tilespmem:s20+$0xFFFFFF70]  }
0x361: {  	v51 =	vld [tilespmem:s20+$0xFFFFFFF0]  }
0x362: {  	v52 =	vld [tilespmem:s20+$0xFFFFFF80]  }
0x363: {  	v53 =	vld [tilespmem:s20+$0x0]  }
0x364: {  	v54 =	vld [tilespmem:s20+$0xFFFFFF90]  }
0x365: {  	v55 =	vld [tilespmem:s20+$0x10]  }
0x366: {  	v56 =	vld [tilespmem:s20+$0xFFFFFFA0]  }
0x367: {  	v57 =	vld [tilespmem:s20+$0x20]  }
0x368: {  	v62 =	vld [tilespmem:s20+$0x50]  }
0x369: {  	v6 =	vld.idx.msk [tilespmem:v0+s2+$0x0], $0xffff  }
0x36a: {  	v7 =	vld.idx.msk [tilespmem:v0+s4+$0x0], $0xffff  }
0x36b: {  	v10 =	vld.idx.msk [tilespmem:v0+s6+$0x0], $0xffff  }
0x36c: {  	v14 =	vld.idx.msk [tilespmem:v1+s16+$0x0], $0xffff  }
0x36d: {  	v15 =	vld.idx.msk [tilespmem:v1+s2+$0x0], $0xffff  }
0x36e: {  	v16 =	vld.idx.msk [tilespmem:v1+s3+$0x0], $0xffff  }
0x36f: {  	v17 =	vld.idx.msk [tilespmem:v1+s4+$0x0], $0xffff  }
0x370: {  	v18 =	vld.idx.msk [tilespmem:v2+s16+$0x0], $0xffff  }
0x371: {  	v19 =	vld.idx.msk [tilespmem:v0+s5+$0x0], $0xffff  }
0x372: {  	v20 =	vld.idx.msk [tilespmem:v0+s16+$0x0], $0xffff  }
0x373: {  	v0 =	vld.idx.msk [tilespmem:v0+s3+$0x0], $0xffff  }
0x374: {  	v21 =	vld.idx.msk [tilespmem:v13+s16+$0x0], $0xffff  }
0x375: {  	v22 =	vld.idx.msk [tilespmem:v13+s2+$0x0], $0xffff  }
0x376: {  	v23 =	vld.idx.msk [tilespmem:v13+s3+$0x0], $0xffff  }
0x377: {  	v24 =	vld.idx.msk [tilespmem:v13+s4+$0x0], $0xffff  }
0x378: {  	v25 =	vld.idx.msk [tilespmem:v2+s2+$0x0], $0xffff  }
0x379: {  	v26 =	vld.idx.msk [tilespmem:v2+s3+$0x0], $0xffff  }
0x37a: {  	v27 =	vld.idx.msk [tilespmem:v2+s4+$0x0], $0xffff  }
0x37b: {  	v28 =	vld.idx.msk [tilespmem:v4+s16+$0x0], $0xffff  }
0x37c: {  	v29 =	vld.idx.msk [tilespmem:v4+s2+$0x0], $0xffff  }
0x37d: {  	v30 =	vld.idx.msk [tilespmem:v4+s3+$0x0], $0xffff  }
0x37e: {  	v31 =	vld.idx.msk [tilespmem:v4+s4+$0x0], $0xffff  }
0x37f: {  	v32 =	vld.idx.msk [tilespmem:v5+s16+$0x0], $0xffff  }
0x380: {  	v33 =	vld.idx.msk [tilespmem:v5+s2+$0x0], $0xffff  }
0x381: {  	v34 =	vld.idx.msk [tilespmem:v5+s3+$0x0], $0xffff  }
0x382: {  	v35 =	vld.idx.msk [tilespmem:v5+s4+$0x0], $0xffff  }
0x383: {  	v36 =	vld.idx.msk [tilespmem:v9+s16+$0x0], $0xffff  }
0x384: {  	v37 =	vld.idx.msk [tilespmem:v9+s2+$0x0], $0xffff  }
0x385: {  	v38 =	vld.idx.msk [tilespmem:v9+s3+$0x0], $0xffff  }
0x386: {  	v39 =	vld.idx.msk [tilespmem:v9+s4+$0x0], $0xffff  }
0x387: {  	v40 =	vld.idx.msk [tilespmem:v12+s16+$0x0], $0xffff  }
0x388: {  	v41 =	vld.idx.msk [tilespmem:v12+s2+$0x0], $0xffff  }
0x389: {  	v58 =	vld.idx.msk [tilespmem:v13+s5+$0x0], $0xffff  }
0x38a: {  	v59 =	vld.idx.msk [tilespmem:v13+s6+$0x0], $0xffff;
	v6 =	vmul.f32 v3, v6  }
0x38b: {  	v60 =	vld.idx.msk [tilespmem:v1+s5+$0x0], $0xffff;
	v7 =	vmul.f32 v8, v7;
	v13 =	vmul.f32 v3, v20  }
0x38c: {  	v0 =	vmul.f32 v8, v0;
	v8 =	vmul.f32 v11, v10;
	v3 =	vld.idx.msk [tilespmem:v2+s5+$0x0], $0xffff  }
0x38d: {  	v20 =	vld.idx.msk [tilespmem:v2+s6+$0x0], $0xffff;
	v2 =	vmul.f32 v45, v24;
	v63 =	vmul.f32 v56, v41  }
0x38e: {  	v61 =	vld.idx.msk [tilespmem:v1+s6+$0x0], $0xffff;
	v1 =	vadd.f32 v7, v6;
	v6 =	vmul.f32 v11, v19;
	v7 =	vmul.f32 v44, v21  }
0x38f: {  	v10 =	vadd.f32 v0, v13;
	v11 =	vmul.f32 v44, v22;
	v13 =	vmul.f32 v45, v23;
	v0 =	vld.idx.msk [tilespmem:v4+s5+$0x0], $0xffff  }
0x390: {  	v23 =	vld.idx.msk [tilespmem:v4+s6+$0x0], $0xffff;
	v4 =	vmul.f32 v47, v17;
	v17 =	vmul.f32 v50, v29;
	v19 =	vadd.f32 v8, v1  }
0x391: {  	v42 =	vld.idx.msk [tilespmem:v12+s3+$0x0], $0xffff;
	v8 =	vmul.f32 v46, v14;
	v24 =	vadd.f32 v6, v10;
	v10 =	vmul.f32 v46, v15  }
0x392: {  	v43 =	vld.idx.msk [tilespmem:v12+s4+$0x0], $0xffff;
	v14 =	vmul.f32 v47, v16;
	v6 =	vadd.f32 v13, v7;
	v13 =	vmul.f32 v48, v18  }
0x393: {  	v21 =	vld.idx.msk [tilespmem:v5+s6+$0x0], $0xffff;
	v15 =	vmul.f32 v48, v25;
	v16 =	vmul.f32 v49, v26  }
0x394: {  	v1 =	vld.idx.msk [tilespmem:v5+s5+$0x0], $0xffff;
	v5 =	vmul.f32 v49, v27;
	v18 =	vmul.f32 v51, v30  }
0x395: {  	v22 =	vld.idx.msk [tilespmem:v9+s6+$0x0], $0xffff;
	v11 =	vadd.f32 v2, v11;
	v25 =	vmul.f32 v53, v34;
	v26 =	vmul.f32 v54, v36  }
0x396: {  	v29 =	vld [tilespmem:s20+$0x40];
	v30 =	vmul.f32 v55, v38;
	v7 =	vadd.f32 v14, v8;
	v14 =	vmul.f32 v50, v28  }
0x397: {  	v2 =	vld.idx.msk [tilespmem:v9+s5+$0x0], $0xffff;
	v8 =	vadd.f32 v4, v10;
	v9 =	vadd.f32 v16, v13;
	v13 =	vmul.f32 v51, v31  }
0x398: {  	v16 =	vmul.f32 v52, v32;
	v4 =	vld.idx.msk [tilespmem:v12+s5+$0x0], $0xffff;
	v10 =	vadd.f32 v5, v15;
	v15 =	vmul.f32 v52, v33  }
0x399: {  	v5 =	vld.idx.msk [tilespmem:v12+s6+$0x0], $0xffff;
	v31 =	vmul.f32 v56, v40;
	v12 =	vadd.f32 v18, v14;
	v18 =	vmul.f32 v53, v35  }
0x39a: {  	v28 =	vld [tilespmem:s20+$0x60];
	v13 =	vadd.f32 v13, v17;
	v17 =	vmul.f32 v54, v37;
	v14 =	vadd.f32 v25, v16  }
0x39b: {  	v27 =	vld [tilespmem:s20+$0x70];
	v25 =	vmul.f32 v55, v39;
	v16 =	vadd.f32 v30, v26;
	v30 =	vmul.f32 v57, v43  }
0x39c: {  	s22 =	simm.s32 $0xA780;
	v32 =	vmul.f32 v29, v58;
	v26 =	vld [tilespmem:s20+$0x80];
	v15 =	vadd.f32 v18, v15;
	v18 =	vmul.f32 v57, v42  }
0x39d: {  	[tilespmem:s22+$0x70] =	vst v19;
	v17 =	vadd.f32 v25, v17;
	v25 =	vld [tilespmem:s20+$0x90];
	v19 =	vadd.f32 v30, v63;
	v30 =	vmul.f32 v62, v60  }
0x39e: {  	s23 =	simm.s32 $0x0;
	s24 =	simm.s32 $0x27C0;
	[tilespmem:s22+$0xFFFFFFF0] =	vst v24;
	v24 =	vld [tilespmem:s20+$0xA0];
	v18 =	vadd.f32 v18, v31;
	v31 =	vmul.f32 v29, v59;
	v29 =	vmul.f32 v62, v61  }
.LBB2_10:
0x39f: {  	v33 =	vld [tilespmem:s24+$0x30];
	v6 =	vadd.f32 v32, v6;
	v32 =	vmul.f32 v28, v3;
	v20 =	vmul.f32 v28, v20  }
0x3a0: {  	s23 =	sadd.s32 $0x8, s23;
	v11 =	vadd.f32 v31, v11;
	v3 =	vld [tilespmem:s24+$0xFFFFFFD0];
	v28 =	vmul.f32 v27, v0;
	v23 =	vmul.f32 v27, v23  }
0x3a1: {  	p0 =	slt.u32 s23, $0xF8;
	v0 =	vld [tilespmem:s24+$0xFFFFFFE0];
	[tilespmem:s22+$0xFFFFFF80] =	vst v6;
	v6 =	vadd.f32 v30, v7;
	v7 =	vmul.f32 v26, v1;
	v21 =	vmul.f32 v26, v21  }
0x3a2: {  	v8 =	vadd.f32 v29, v8;
	v1 =	vld [tilespmem:s24+$0xFFFFFFF0];
	[tilespmem:s22+$0x0] =	vst v11;
	v11 =	vmul.f32 v25, v2;
	v22 =	vmul.f32 v25, v22  }
0x3a3: {  	v2 =	vld [tilespmem:s24+$0x0];
	[tilespmem:s22+$0xFFFFFF90] =	vst v6;
	v6 =	vadd.f32 v32, v9;
	v9 =	vmul.f32 v24, v4;
	v24 =	vmul.f32 v24, v5  }
0x3a4: {  	v4 =	vld [tilespmem:s24+$0x10];
	[tilespmem:s22+$0x10] =	vst v8;
	v8 =	vadd.f32 v20, v10;
	v10 =	vadd.f32 v28, v12  }
0x3a5: {  	s20 =	sadd.s32 $0x180, s20;
	v7 =	vadd.f32 v7, v14;
	v5 =	vld [tilespmem:s24+$0x20];
	[tilespmem:s22+$0xFFFFFFA0] =	vst v6;
	v6 =	vadd.f32 v23, v13  }
0x3a6: {  	v11 =	vadd.f32 v11, v16;
	v12 =	vld [tilespmem:s20+$0xFFFFFFB0];
	[tilespmem:s22+$0x20] =	vst v8;
	v8 =	vadd.f32 v21, v15  }
0x3a7: {  	v9 =	vadd.f32 v9, v18;
	v14 =	vld.idx.msk [tilespmem:v33+s2+$0x0], $0xffff;
	[tilespmem:s22+$0xFFFFFFB0] =	vst v10;
	v10 =	vadd.f32 v22, v17  }
0x3a8: {  	v15 =	vld.idx.msk [tilespmem:v33+s4+$0x0], $0xffff;
	[tilespmem:s22+$0x30] =	vst v6;
	v6 =	vadd.f32 v24, v19  }
0x3a9: {  	v16 =	vld [tilespmem:s20+$0x30];
	[tilespmem:s22+$0xFFFFFFC0] =	vst v7  }
0x3aa: {  	v7 =	vld.idx.msk [tilespmem:v33+s6+$0x0], $0xffff;
	[tilespmem:s22+$0x40] =	vst v8  }
0x3ab: {  	v8 =	vld [tilespmem:s20+$0xB0];
	[tilespmem:s22+$0xFFFFFFD0] =	vst v11  }
0x3ac: {  	v13 =	vld [tilespmem:s24+$0xFFFFFFC0];
	[tilespmem:s22+$0x50] =	vst v10  }
0x3ad: {  	v10 =	vld.idx.msk [tilespmem:v3+s16+$0x0], $0xffff;
	[tilespmem:s22+$0xFFFFFFE0] =	vst v9  }
0x3ae: {  	v11 =	vmul.f32 v12, v14;
	v9 =	vld.idx.msk [tilespmem:v3+s2+$0x0], $0xffff;
	v14 =	vmul.f32 v16, v15;
	[tilespmem:s22+$0x60] =	vst v6  }
0x3af: {  	v15 =	vld.idx.msk [tilespmem:v3+s3+$0x0], $0xffff  }
0x3b0: {  	v17 =	vld.idx.msk [tilespmem:v3+s4+$0x0], $0xffff;
	v6 =	vadd.f32 v14, v11;
	v7 =	vmul.f32 v8, v7  }
0x3b1: {  	v14 =	vld.idx.msk [tilespmem:v0+s16+$0x0], $0xffff  }
0x3b2: {  	v11 =	vld.idx.msk [tilespmem:v33+s5+$0x0], $0xffff;
	v6 =	vadd.f32 v7, v6  }
0x3b3: {  	s22 =	sadd.s32 $0x100, s22;
	v7 =	vld.idx.msk [tilespmem:v33+s16+$0x0], $0xffff  }
0x3b4: {  	v18 =	vld.idx.msk [tilespmem:v33+s3+$0x0], $0xffff;
	[tilespmem:s22+$0x70] =	vst v6  }
0x3b5: {  	v6 =	vld.idx.msk [tilespmem:v13+s16+$0x0], $0xffff  }
0x3b6: {  	v19 =	vld.idx.msk [tilespmem:v13+s2+$0x0], $0xffff  }
0x3b7: {  	v20 =	vld.idx.msk [tilespmem:v13+s3+$0x0], $0xffff  }
0x3b8: {  	v8 =	vmul.f32 v8, v11;
	v21 =	vld.idx.msk [tilespmem:v13+s4+$0x0], $0xffff  }
0x3b9: {  	v7 =	vmul.f32 v12, v7;
	v22 =	vld.idx.msk [tilespmem:v0+s2+$0x0], $0xffff  }
0x3ba: {  	v11 =	vmul.f32 v16, v18;
	v12 =	vld.idx.msk [tilespmem:v0+s3+$0x0], $0xffff  }
0x3bb: {  	v16 =	vld.idx.msk [tilespmem:v0+s4+$0x0], $0xffff  }
0x3bc: {  	v7 =	vadd.f32 v11, v7;
	v18 =	vld.idx.msk [tilespmem:v1+s16+$0x0], $0xffff  }
0x3bd: {  	v23 =	vld.idx.msk [tilespmem:v1+s2+$0x0], $0xffff  }
0x3be: {  	v7 =	vadd.f32 v8, v7;
	v24 =	vld.idx.msk [tilespmem:v1+s3+$0x0], $0xffff  }
0x3bf: {  	v25 =	vld.idx.msk [tilespmem:v1+s4+$0x0], $0xffff  }
0x3c0: {  	v26 =	vld.idx.msk [tilespmem:v2+s16+$0x0], $0xffff;
	[tilespmem:s22+$0xFFFFFFF0] =	vst v7  }
0x3c1: {  	v27 =	vld.idx.msk [tilespmem:v2+s2+$0x0], $0xffff  }
0x3c2: {  	v28 =	vld.idx.msk [tilespmem:v2+s3+$0x0], $0xffff  }
0x3c3: {  	v29 =	vld.idx.msk [tilespmem:v2+s4+$0x0], $0xffff  }
0x3c4: {  	v30 =	vld.idx.msk [tilespmem:v4+s16+$0x0], $0xffff  }
0x3c5: {  	v31 =	vld.idx.msk [tilespmem:v4+s2+$0x0], $0xffff  }
0x3c6: {  	v32 =	vld.idx.msk [tilespmem:v4+s3+$0x0], $0xffff  }
0x3c7: {  	v33 =	vld.idx.msk [tilespmem:v4+s4+$0x0], $0xffff  }
0x3c8: {  	v34 =	vld.idx.msk [tilespmem:v5+s16+$0x0], $0xffff  }
0x3c9: {  	v35 =	vld.idx.msk [tilespmem:v5+s2+$0x0], $0xffff  }
0x3ca: {  	v36 =	vld.idx.msk [tilespmem:v5+s3+$0x0], $0xffff  }
0x3cb: {  	v37 =	vld.idx.msk [tilespmem:v5+s4+$0x0], $0xffff  }
0x3cc: {  	v7 =	vld [tilespmem:s20+$0xFFFFFF40]  }
0x3cd: {  	v8 =	vld [tilespmem:s20+$0xFFFFFFC0]  }
0x3ce: {  	v11 =	vld [tilespmem:s20+$0xFFFFFF50]  }
0x3cf: {  	v38 =	vld [tilespmem:s20+$0xFFFFFFD0]  }
0x3d0: {  	v39 =	vld [tilespmem:s20+$0xFFFFFF60]  }
0x3d1: {  	v6 =	vmul.f32 v7, v6;
	v7 =	vmul.f32 v7, v19;
	v19 =	vld [tilespmem:s20+$0xFFFFFFE0]  }
0x3d2: {  	v20 =	vmul.f32 v8, v20;
	v8 =	vmul.f32 v8, v21;
	v21 =	vld [tilespmem:s20+$0xFFFFFF70]  }
0x3d3: {  	v10 =	vmul.f32 v11, v10;
	v9 =	vmul.f32 v11, v9;
	v40 =	vld [tilespmem:s20+$0xFFFFFFF0]  }
0x3d4: {  	v6 =	vadd.f32 v20, v6;
	v15 =	vmul.f32 v38, v15;
	v17 =	vmul.f32 v38, v17;
	v20 =	vld [tilespmem:s20+$0xFFFFFF80]  }
0x3d5: {  	v11 =	vadd.f32 v8, v7;
	v14 =	vmul.f32 v39, v14;
	v22 =	vmul.f32 v39, v22;
	v38 =	vld [tilespmem:s20+$0x0]  }
0x3d6: {  	v7 =	vadd.f32 v15, v10;
	v10 =	vmul.f32 v19, v12;
	v12 =	vmul.f32 v19, v16;
	v15 =	vld [tilespmem:s20+$0xFFFFFF90]  }
0x3d7: {  	v8 =	vadd.f32 v17, v9;
	v16 =	vmul.f32 v21, v18;
	v17 =	vmul.f32 v21, v23;
	v18 =	vld [tilespmem:s20+$0x10]  }
0x3d8: {  	v9 =	vadd.f32 v10, v14;
	v14 =	vmul.f32 v40, v24;
	v19 =	vmul.f32 v40, v25;
	v21 =	vld [tilespmem:s20+$0xFFFFFFA0]  }
0x3d9: {  	v10 =	vadd.f32 v12, v22;
	v22 =	vmul.f32 v20, v26;
	v20 =	vmul.f32 v20, v27;
	v23 =	vld [tilespmem:s20+$0x20]  }
0x3da: {  	v24 =	vld.idx.msk [tilespmem:v13+s5+$0x0], $0xffff;
	v12 =	vadd.f32 v14, v16;
	v14 =	vmul.f32 v38, v28;
	v16 =	vmul.f32 v38, v29  }
0x3db: {  	v25 =	vld.idx.msk [tilespmem:v13+s6+$0x0], $0xffff;
	v13 =	vadd.f32 v19, v17;
	v17 =	vmul.f32 v15, v30;
	v19 =	vmul.f32 v15, v31  }
0x3dc: {  	v29 =	vld.idx.msk [tilespmem:v3+s5+$0x0], $0xffff;
	v14 =	vadd.f32 v14, v22;
	v22 =	vmul.f32 v18, v32;
	v18 =	vmul.f32 v18, v33  }
0x3dd: {  	v15 =	vadd.f32 v16, v20;
	v33 =	vld.idx.msk [tilespmem:v3+s6+$0x0], $0xffff;
	v26 =	vmul.f32 v21, v34;
	v21 =	vmul.f32 v21, v35  }
0x3de: {  	v3 =	vld.idx.msk [tilespmem:v0+s5+$0x0], $0xffff;
	v16 =	vadd.f32 v22, v17;
	v22 =	vmul.f32 v23, v36;
	v23 =	vmul.f32 v23, v37  }
0x3df: {  	v17 =	vadd.f32 v18, v19;
	v20 =	vld.idx.msk [tilespmem:v0+s6+$0x0], $0xffff  }
0x3e0: {  	v0 =	vld.idx.msk [tilespmem:v1+s5+$0x0], $0xffff;
	v18 =	vadd.f32 v22, v26;
	v19 =	vadd.f32 v23, v21  }
0x3e1: {  	v23 =	vld.idx.msk [tilespmem:v1+s6+$0x0], $0xffff  }
0x3e2: {  	v1 =	vld.idx.msk [tilespmem:v2+s5+$0x0], $0xffff  }
0x3e3: {  	v21 =	vld.idx.msk [tilespmem:v2+s6+$0x0], $0xffff  }
0x3e4: {  	v2 =	vld.idx.msk [tilespmem:v4+s5+$0x0], $0xffff  }
0x3e5: {  	v22 =	vld.idx.msk [tilespmem:v4+s6+$0x0], $0xffff  }
0x3e6: {  	v4 =	vld.idx.msk [tilespmem:v5+s5+$0x0], $0xffff  }
0x3e7: {  	v5 =	vld.idx.msk [tilespmem:v5+s6+$0x0], $0xffff  }
0x3e8: {  	v30 =	vld [tilespmem:s20+$0x40]  }
0x3e9: {  	v34 =	vld [tilespmem:s20+$0x50]  }
.Ltmp4:
0x3ea: {  	v28 =	vld [tilespmem:s20+$0x60];
	(pc) =	sbr.rel @p0 .LBB2_10-.Ltmp4, $4  }
0x3eb: {  	v27 =	vld [tilespmem:s20+$0x70]  }
0x3ec: {  	v26 =	vld [tilespmem:s20+$0x80]  }
0x3ed: {  	v32 =	vmul.f32 v30, v24;
	v31 =	vmul.f32 v30, v25;
	v25 =	vld [tilespmem:s20+$0x90]  }
0x3ee: {  	s24 =	sadd.s32 $0x80, s24;
	v30 =	vmul.f32 v34, v29;
	v29 =	vmul.f32 v34, v33;
	v24 =	vld [tilespmem:s20+$0xA0]  }
0x3ef: {  	v6 =	vadd.f32 v32, v6  }
0x3f0: {  	v11 =	vadd.f32 v31, v11  }
0x3f1: {  	v3 =	vmul.f32 v28, v3;
	v8 =	vadd.f32 v29, v8;
	[tilespmem:s22+$0xFFFFFF80] =	vst v6  }
0x3f2: {  	v0 =	vmul.f32 v27, v0;
	v6 =	vadd.f32 v30, v7;
	[tilespmem:s22+$0x0] =	vst v11  }
0x3f3: {  	v7 =	vmul.f32 v28, v20;
	v3 =	vadd.f32 v3, v9;
	[tilespmem:s22+$0x10] =	vst v8  }
0x3f4: {  	v1 =	vmul.f32 v26, v1;
	v0 =	vadd.f32 v0, v12;
	[tilespmem:s22+$0xFFFFFF90] =	vst v6  }
0x3f5: {  	v2 =	vmul.f32 v25, v2;
	v7 =	vadd.f32 v7, v10;
	[tilespmem:s22+$0xFFFFFFA0] =	vst v3  }
0x3f6: {  	v6 =	vmul.f32 v27, v23;
	v1 =	vadd.f32 v1, v14;
	[tilespmem:s22+$0xFFFFFFB0] =	vst v0  }
0x3f7: {  	v3 =	vmul.f32 v26, v21;
	v2 =	vadd.f32 v2, v16;
	[tilespmem:s22+$0x20] =	vst v7  }
0x3f8: {  	v0 =	vmul.f32 v25, v22;
	v6 =	vadd.f32 v6, v13;
	[tilespmem:s22+$0xFFFFFFC0] =	vst v1  }
0x3f9: {  	v4 =	vmul.f32 v24, v4;
	v3 =	vadd.f32 v3, v15;
	[tilespmem:s22+$0xFFFFFFD0] =	vst v2  }
0x3fa: {  	v1 =	vmul.f32 v24, v5;
	v0 =	vadd.f32 v0, v17;
	[tilespmem:s22+$0x30] =	vst v6  }
0x3fb: {  	[tilespmem:s22+$0x40] =	vst v3;
	v3 =	vadd.f32 v4, v18  }
0x3fc: {  	v1 =	vadd.f32 v1, v19;
	[tilespmem:s22+$0x50] =	vst v0  }
0x3fd: {  	[tilespmem:s22+$0xFFFFFFE0] =	vst v3  }
0x3fe: {  	[tilespmem:s22+$0x60] =	vst v1  }
0x3ff: {  	s20 =	rddreg [dreg:$0x18]  }
0x400: {  	[hbm4b:s20+s16] =	stream.linear.scatter [tilespmem:s13], [sflag:$0x3], $0x2000, $0x38;
	[tilespmem:$0xE700] =	vst v63  }
0x401: {  	s22 =	rddreg [dreg:$0xc]  }
0x402: {  	[tilespmem:s7], [sflag:$0x1] =	stream.linear.gather [hbm4b:s22+s16], $0x1000, $0x38;
	[tilespmem:$0xE700] =	vst v63  }
0x403: {  	s23 =	rddreg [dreg:$0x12]  }
0x404: {  	[tilespmem:s8], [sflag:$0x1] =	stream.linear.gather [hbm4b:s23+s16], $0x3000, $0x38;
	[tilespmem:$0xE700] =	vst v63  }
0x405: {  	_ =	swait.ge [sflag:s14], $0x1000  }
0x406: {  	[sflag:s14] =	ssyncset.done $0x0  }
0x407: {  	[sflag:s14] =	ssyncadd.s32 $0xFFFFF000  }
0x408: {  	_ =	swait.ge [sflag:s14], $0x3000  }
0x409: {  	[sflag:s14] =	ssyncset.done $0x0  }
0x40a: {  	[sflag:s14] =	ssyncadd.s32 $0xFFFFD000  }
0x40b: {  	_ =	swait.ge [sflag:s18], $0x2000  }
0x40c: {  	[sflag:s18] =	ssyncset.done $0x0  }
0x40d: {  	s24 =	simm.s32 $0x3740;
	[sflag:s18] =	ssyncadd.s32 $0xFFFFE000  }
0x40e: {  	v0 =	vld [tilespmem:s24+$0x30]  }
0x40f: {  	v1 =	vld [tilespmem:s24+$0xFFFFFFD0]  }
0x410: {  	v2 =	vld [tilespmem:s24+$0xFFFFFFE0]  }
0x411: {  	v4 =	vld [tilespmem:s24+$0xFFFFFFF0]  }
0x412: {  	v5 =	vld [tilespmem:s24+$0x0]  }
0x413: {  	v9 =	vld [tilespmem:s24+$0x10]  }
0x414: {  	s20 =	simm.s32 $0x77C0;
	v12 =	vld [tilespmem:s24+$0x20]  }
0x415: {  	v3 =	vld [tilespmem:s20+$0xFFFFFFB0]  }
0x416: {  	v8 =	vld [tilespmem:s20+$0x30]  }
0x417: {  	v11 =	vld [tilespmem:s20+$0xB0]  }
0x418: {  	v13 =	vld [tilespmem:s24+$0xFFFFFFC0]  }
0x419: {  	v44 =	vld [tilespmem:s20+$0xFFFFFF40]  }
0x41a: {  	v45 =	vld [tilespmem:s20+$0xFFFFFFC0]  }
0x41b: {  	v46 =	vld [tilespmem:s20+$0xFFFFFF50]  }
0x41c: {  	v47 =	vld [tilespmem:s20+$0xFFFFFFD0]  }
0x41d: {  	v48 =	vld [tilespmem:s20+$0xFFFFFF60]  }
0x41e: {  	v49 =	vld [tilespmem:s20+$0xFFFFFFE0]  }
0x41f: {  	v50 =	vld [tilespmem:s20+$0xFFFFFF70]  }
0x420: {  	v51 =	vld [tilespmem:s20+$0xFFFFFFF0]  }
0x421: {  	v52 =	vld [tilespmem:s20+$0xFFFFFF80]  }
0x422: {  	v53 =	vld [tilespmem:s20+$0x0]  }
0x423: {  	v54 =	vld [tilespmem:s20+$0xFFFFFF90]  }
0x424: {  	v55 =	vld [tilespmem:s20+$0x10]  }
0x425: {  	v56 =	vld [tilespmem:s20+$0xFFFFFFA0]  }
0x426: {  	v57 =	vld [tilespmem:s20+$0x20]  }
0x427: {  	v62 =	vld [tilespmem:s20+$0x50]  }
0x428: {  	v6 =	vld.idx.msk [tilespmem:v0+s2+$0x0], $0xffff  }
0x429: {  	v7 =	vld.idx.msk [tilespmem:v0+s4+$0x0], $0xffff  }
0x42a: {  	v10 =	vld.idx.msk [tilespmem:v0+s6+$0x0], $0xffff  }
0x42b: {  	v14 =	vld.idx.msk [tilespmem:v1+s16+$0x0], $0xffff  }
0x42c: {  	v15 =	vld.idx.msk [tilespmem:v1+s2+$0x0], $0xffff  }
0x42d: {  	v16 =	vld.idx.msk [tilespmem:v1+s3+$0x0], $0xffff  }
0x42e: {  	v17 =	vld.idx.msk [tilespmem:v1+s4+$0x0], $0xffff  }
0x42f: {  	v18 =	vld.idx.msk [tilespmem:v2+s16+$0x0], $0xffff  }
0x430: {  	v19 =	vld.idx.msk [tilespmem:v0+s5+$0x0], $0xffff  }
0x431: {  	v20 =	vld.idx.msk [tilespmem:v0+s16+$0x0], $0xffff  }
0x432: {  	v0 =	vld.idx.msk [tilespmem:v0+s3+$0x0], $0xffff  }
0x433: {  	v21 =	vld.idx.msk [tilespmem:v13+s16+$0x0], $0xffff  }
0x434: {  	v22 =	vld.idx.msk [tilespmem:v13+s2+$0x0], $0xffff  }
0x435: {  	v23 =	vld.idx.msk [tilespmem:v13+s3+$0x0], $0xffff  }
0x436: {  	v24 =	vld.idx.msk [tilespmem:v13+s4+$0x0], $0xffff  }
0x437: {  	v25 =	vld.idx.msk [tilespmem:v2+s2+$0x0], $0xffff  }
0x438: {  	v26 =	vld.idx.msk [tilespmem:v2+s3+$0x0], $0xffff  }
0x439: {  	v27 =	vld.idx.msk [tilespmem:v2+s4+$0x0], $0xffff  }
0x43a: {  	v28 =	vld.idx.msk [tilespmem:v4+s16+$0x0], $0xffff  }
0x43b: {  	v29 =	vld.idx.msk [tilespmem:v4+s2+$0x0], $0xffff  }
0x43c: {  	v30 =	vld.idx.msk [tilespmem:v4+s3+$0x0], $0xffff  }
0x43d: {  	v31 =	vld.idx.msk [tilespmem:v4+s4+$0x0], $0xffff  }
0x43e: {  	v32 =	vld.idx.msk [tilespmem:v5+s16+$0x0], $0xffff  }
0x43f: {  	v33 =	vld.idx.msk [tilespmem:v5+s2+$0x0], $0xffff  }
0x440: {  	v34 =	vld.idx.msk [tilespmem:v5+s3+$0x0], $0xffff  }
0x441: {  	v35 =	vld.idx.msk [tilespmem:v5+s4+$0x0], $0xffff  }
0x442: {  	v36 =	vld.idx.msk [tilespmem:v9+s16+$0x0], $0xffff  }
0x443: {  	v37 =	vld.idx.msk [tilespmem:v9+s2+$0x0], $0xffff  }
0x444: {  	v38 =	vld.idx.msk [tilespmem:v9+s3+$0x0], $0xffff  }
0x445: {  	v39 =	vld.idx.msk [tilespmem:v9+s4+$0x0], $0xffff  }
0x446: {  	v40 =	vld.idx.msk [tilespmem:v12+s16+$0x0], $0xffff  }
0x447: {  	v41 =	vld.idx.msk [tilespmem:v12+s2+$0x0], $0xffff  }
0x448: {  	v58 =	vld.idx.msk [tilespmem:v13+s5+$0x0], $0xffff  }
0x449: {  	v59 =	vld.idx.msk [tilespmem:v13+s6+$0x0], $0xffff;
	v6 =	vmul.f32 v3, v6  }
0x44a: {  	v60 =	vld.idx.msk [tilespmem:v1+s5+$0x0], $0xffff;
	v7 =	vmul.f32 v8, v7;
	v13 =	vmul.f32 v3, v20  }
0x44b: {  	v0 =	vmul.f32 v8, v0;
	v8 =	vmul.f32 v11, v10;
	v3 =	vld.idx.msk [tilespmem:v2+s5+$0x0], $0xffff  }
0x44c: {  	v20 =	vld.idx.msk [tilespmem:v2+s6+$0x0], $0xffff;
	v2 =	vmul.f32 v45, v24;
	v63 =	vmul.f32 v56, v41  }
0x44d: {  	v61 =	vld.idx.msk [tilespmem:v1+s6+$0x0], $0xffff;
	v1 =	vadd.f32 v7, v6;
	v6 =	vmul.f32 v11, v19;
	v7 =	vmul.f32 v44, v21  }
0x44e: {  	v10 =	vadd.f32 v0, v13;
	v11 =	vmul.f32 v44, v22;
	v13 =	vmul.f32 v45, v23;
	v0 =	vld.idx.msk [tilespmem:v4+s5+$0x0], $0xffff  }
0x44f: {  	v23 =	vld.idx.msk [tilespmem:v4+s6+$0x0], $0xffff;
	v4 =	vmul.f32 v47, v17;
	v17 =	vmul.f32 v50, v29;
	v19 =	vadd.f32 v8, v1  }
0x450: {  	v42 =	vld.idx.msk [tilespmem:v12+s3+$0x0], $0xffff;
	v8 =	vmul.f32 v46, v14;
	v24 =	vadd.f32 v6, v10;
	v10 =	vmul.f32 v46, v15  }
0x451: {  	v43 =	vld.idx.msk [tilespmem:v12+s4+$0x0], $0xffff;
	v14 =	vmul.f32 v47, v16;
	v6 =	vadd.f32 v13, v7;
	v13 =	vmul.f32 v48, v18  }
0x452: {  	v21 =	vld.idx.msk [tilespmem:v5+s6+$0x0], $0xffff;
	v15 =	vmul.f32 v48, v25;
	v16 =	vmul.f32 v49, v26  }
0x453: {  	v1 =	vld.idx.msk [tilespmem:v5+s5+$0x0], $0xffff;
	v5 =	vmul.f32 v49, v27;
	v18 =	vmul.f32 v51, v30  }
0x454: {  	v22 =	vld.idx.msk [tilespmem:v9+s6+$0x0], $0xffff;
	v11 =	vadd.f32 v2, v11;
	v25 =	vmul.f32 v53, v34;
	v26 =	vmul.f32 v54, v36  }
0x455: {  	v29 =	vld [tilespmem:s20+$0x40];
	v30 =	vmul.f32 v55, v38;
	v7 =	vadd.f32 v14, v8;
	v14 =	vmul.f32 v50, v28  }
0x456: {  	v2 =	vld.idx.msk [tilespmem:v9+s5+$0x0], $0xffff;
	v8 =	vadd.f32 v4, v10;
	v9 =	vadd.f32 v16, v13;
	v13 =	vmul.f32 v51, v31  }
0x457: {  	v16 =	vmul.f32 v52, v32;
	v4 =	vld.idx.msk [tilespmem:v12+s5+$0x0], $0xffff;
	v10 =	vadd.f32 v5, v15;
	v15 =	vmul.f32 v52, v33  }
0x458: {  	v5 =	vld.idx.msk [tilespmem:v12+s6+$0x0], $0xffff;
	v31 =	vmul.f32 v56, v40;
	v12 =	vadd.f32 v18, v14;
	v18 =	vmul.f32 v53, v35  }
0x459: {  	v28 =	vld [tilespmem:s20+$0x60];
	v13 =	vadd.f32 v13, v17;
	v17 =	vmul.f32 v54, v37;
	v14 =	vadd.f32 v25, v16  }
0x45a: {  	v27 =	vld [tilespmem:s20+$0x70];
	v25 =	vmul.f32 v55, v39;
	v16 =	vadd.f32 v30, v26;
	v30 =	vmul.f32 v57, v43  }
0x45b: {  	s22 =	simm.s32 $0xC780;
	v32 =	vmul.f32 v29, v58;
	v26 =	vld [tilespmem:s20+$0x80];
	v15 =	vadd.f32 v18, v15;
	v18 =	vmul.f32 v57, v42  }
0x45c: {  	[tilespmem:s22+$0x70] =	vst v19;
	v17 =	vadd.f32 v25, v17;
	v25 =	vld [tilespmem:s20+$0x90];
	v19 =	vadd.f32 v30, v63;
	v30 =	vmul.f32 v62, v60  }
0x45d: {  	s23 =	simm.s32 $0x0;
	s24 =	simm.s32 $0x37C0;
	[tilespmem:s22+$0xFFFFFFF0] =	vst v24;
	v24 =	vld [tilespmem:s20+$0xA0];
	v18 =	vadd.f32 v18, v31;
	v31 =	vmul.f32 v29, v59;
	v29 =	vmul.f32 v62, v61  }
.LBB2_12:
0x45e: {  	v33 =	vld [tilespmem:s24+$0x30];
	v6 =	vadd.f32 v32, v6;
	v32 =	vmul.f32 v28, v3;
	v20 =	vmul.f32 v28, v20  }
0x45f: {  	s23 =	sadd.s32 $0x8, s23;
	v11 =	vadd.f32 v31, v11;
	v3 =	vld [tilespmem:s24+$0xFFFFFFD0];
	v28 =	vmul.f32 v27, v0;
	v23 =	vmul.f32 v27, v23  }
0x460: {  	p0 =	slt.u32 s23, $0xF8;
	v0 =	vld [tilespmem:s24+$0xFFFFFFE0];
	[tilespmem:s22+$0xFFFFFF80] =	vst v6;
	v6 =	vadd.f32 v30, v7;
	v7 =	vmul.f32 v26, v1;
	v21 =	vmul.f32 v26, v21  }
0x461: {  	v8 =	vadd.f32 v29, v8;
	v1 =	vld [tilespmem:s24+$0xFFFFFFF0];
	[tilespmem:s22+$0x0] =	vst v11;
	v11 =	vmul.f32 v25, v2;
	v22 =	vmul.f32 v25, v22  }
0x462: {  	v2 =	vld [tilespmem:s24+$0x0];
	[tilespmem:s22+$0xFFFFFF90] =	vst v6;
	v6 =	vadd.f32 v32, v9;
	v9 =	vmul.f32 v24, v4;
	v24 =	vmul.f32 v24, v5  }
0x463: {  	v4 =	vld [tilespmem:s24+$0x10];
	[tilespmem:s22+$0x10] =	vst v8;
	v8 =	vadd.f32 v20, v10;
	v10 =	vadd.f32 v28, v12  }
0x464: {  	s20 =	sadd.s32 $0x180, s20;
	v7 =	vadd.f32 v7, v14;
	v5 =	vld [tilespmem:s24+$0x20];
	[tilespmem:s22+$0xFFFFFFA0] =	vst v6;
	v6 =	vadd.f32 v23, v13  }
0x465: {  	v11 =	vadd.f32 v11, v16;
	v12 =	vld [tilespmem:s20+$0xFFFFFFB0];
	[tilespmem:s22+$0x20] =	vst v8;
	v8 =	vadd.f32 v21, v15  }
0x466: {  	v9 =	vadd.f32 v9, v18;
	v14 =	vld.idx.msk [tilespmem:v33+s2+$0x0], $0xffff;
	[tilespmem:s22+$0xFFFFFFB0] =	vst v10;
	v10 =	vadd.f32 v22, v17  }
0x467: {  	v15 =	vld.idx.msk [tilespmem:v33+s4+$0x0], $0xffff;
	[tilespmem:s22+$0x30] =	vst v6;
	v6 =	vadd.f32 v24, v19  }
0x468: {  	v16 =	vld [tilespmem:s20+$0x30];
	[tilespmem:s22+$0xFFFFFFC0] =	vst v7  }
0x469: {  	v7 =	vld.idx.msk [tilespmem:v33+s6+$0x0], $0xffff;
	[tilespmem:s22+$0x40] =	vst v8  }
0x46a: {  	v8 =	vld [tilespmem:s20+$0xB0];
	[tilespmem:s22+$0xFFFFFFD0] =	vst v11  }
0x46b: {  	v13 =	vld [tilespmem:s24+$0xFFFFFFC0];
	[tilespmem:s22+$0x50] =	vst v10  }
0x46c: {  	v10 =	vld.idx.msk [tilespmem:v3+s16+$0x0], $0xffff;
	[tilespmem:s22+$0xFFFFFFE0] =	vst v9  }
0x46d: {  	v11 =	vmul.f32 v12, v14;
	v9 =	vld.idx.msk [tilespmem:v3+s2+$0x0], $0xffff;
	v14 =	vmul.f32 v16, v15;
	[tilespmem:s22+$0x60] =	vst v6  }
0x46e: {  	v15 =	vld.idx.msk [tilespmem:v3+s3+$0x0], $0xffff  }
0x46f: {  	v17 =	vld.idx.msk [tilespmem:v3+s4+$0x0], $0xffff;
	v6 =	vadd.f32 v14, v11;
	v7 =	vmul.f32 v8, v7  }
0x470: {  	v14 =	vld.idx.msk [tilespmem:v0+s16+$0x0], $0xffff  }
0x471: {  	v11 =	vld.idx.msk [tilespmem:v33+s5+$0x0], $0xffff;
	v6 =	vadd.f32 v7, v6  }
0x472: {  	s22 =	sadd.s32 $0x100, s22;
	v7 =	vld.idx.msk [tilespmem:v33+s16+$0x0], $0xffff  }
0x473: {  	v18 =	vld.idx.msk [tilespmem:v33+s3+$0x0], $0xffff;
	[tilespmem:s22+$0x70] =	vst v6  }
0x474: {  	v6 =	vld.idx.msk [tilespmem:v13+s16+$0x0], $0xffff  }
0x475: {  	v19 =	vld.idx.msk [tilespmem:v13+s2+$0x0], $0xffff  }
0x476: {  	v20 =	vld.idx.msk [tilespmem:v13+s3+$0x0], $0xffff  }
0x477: {  	v8 =	vmul.f32 v8, v11;
	v21 =	vld.idx.msk [tilespmem:v13+s4+$0x0], $0xffff  }
0x478: {  	v7 =	vmul.f32 v12, v7;
	v22 =	vld.idx.msk [tilespmem:v0+s2+$0x0], $0xffff  }
0x479: {  	v11 =	vmul.f32 v16, v18;
	v12 =	vld.idx.msk [tilespmem:v0+s3+$0x0], $0xffff  }
0x47a: {  	v16 =	vld.idx.msk [tilespmem:v0+s4+$0x0], $0xffff  }
0x47b: {  	v7 =	vadd.f32 v11, v7;
	v18 =	vld.idx.msk [tilespmem:v1+s16+$0x0], $0xffff  }
0x47c: {  	v23 =	vld.idx.msk [tilespmem:v1+s2+$0x0], $0xffff  }
0x47d: {  	v7 =	vadd.f32 v8, v7;
	v24 =	vld.idx.msk [tilespmem:v1+s3+$0x0], $0xffff  }
0x47e: {  	v25 =	vld.idx.msk [tilespmem:v1+s4+$0x0], $0xffff  }
0x47f: {  	v26 =	vld.idx.msk [tilespmem:v2+s16+$0x0], $0xffff;
	[tilespmem:s22+$0xFFFFFFF0] =	vst v7  }
0x480: {  	v27 =	vld.idx.msk [tilespmem:v2+s2+$0x0], $0xffff  }
0x481: {  	v28 =	vld.idx.msk [tilespmem:v2+s3+$0x0], $0xffff  }
0x482: {  	v29 =	vld.idx.msk [tilespmem:v2+s4+$0x0], $0xffff  }
0x483: {  	v30 =	vld.idx.msk [tilespmem:v4+s16+$0x0], $0xffff  }
0x484: {  	v31 =	vld.idx.msk [tilespmem:v4+s2+$0x0], $0xffff  }
0x485: {  	v32 =	vld.idx.msk [tilespmem:v4+s3+$0x0], $0xffff  }
0x486: {  	v33 =	vld.idx.msk [tilespmem:v4+s4+$0x0], $0xffff  }
0x487: {  	v34 =	vld.idx.msk [tilespmem:v5+s16+$0x0], $0xffff  }
0x488: {  	v35 =	vld.idx.msk [tilespmem:v5+s2+$0x0], $0xffff  }
0x489: {  	v36 =	vld.idx.msk [tilespmem:v5+s3+$0x0], $0xffff  }
0x48a: {  	v37 =	vld.idx.msk [tilespmem:v5+s4+$0x0], $0xffff  }
0x48b: {  	v7 =	vld [tilespmem:s20+$0xFFFFFF40]  }
0x48c: {  	v8 =	vld [tilespmem:s20+$0xFFFFFFC0]  }
0x48d: {  	v11 =	vld [tilespmem:s20+$0xFFFFFF50]  }
0x48e: {  	v38 =	vld [tilespmem:s20+$0xFFFFFFD0]  }
0x48f: {  	v39 =	vld [tilespmem:s20+$0xFFFFFF60]  }
0x490: {  	v6 =	vmul.f32 v7, v6;
	v7 =	vmul.f32 v7, v19;
	v19 =	vld [tilespmem:s20+$0xFFFFFFE0]  }
0x491: {  	v20 =	vmul.f32 v8, v20;
	v8 =	vmul.f32 v8, v21;
	v21 =	vld [tilespmem:s20+$0xFFFFFF70]  }
0x492: {  	v10 =	vmul.f32 v11, v10;
	v9 =	vmul.f32 v11, v9;
	v40 =	vld [tilespmem:s20+$0xFFFFFFF0]  }
0x493: {  	v6 =	vadd.f32 v20, v6;
	v15 =	vmul.f32 v38, v15;
	v17 =	vmul.f32 v38, v17;
	v20 =	vld [tilespmem:s20+$0xFFFFFF80]  }
0x494: {  	v11 =	vadd.f32 v8, v7;
	v14 =	vmul.f32 v39, v14;
	v22 =	vmul.f32 v39, v22;
	v38 =	vld [tilespmem:s20+$0x0]  }
0x495: {  	v7 =	vadd.f32 v15, v10;
	v10 =	vmul.f32 v19, v12;
	v12 =	vmul.f32 v19, v16;
	v15 =	vld [tilespmem:s20+$0xFFFFFF90]  }
0x496: {  	v8 =	vadd.f32 v17, v9;
	v16 =	vmul.f32 v21, v18;
	v17 =	vmul.f32 v21, v23;
	v18 =	vld [tilespmem:s20+$0x10]  }
0x497: {  	v9 =	vadd.f32 v10, v14;
	v14 =	vmul.f32 v40, v24;
	v19 =	vmul.f32 v40, v25;
	v21 =	vld [tilespmem:s20+$0xFFFFFFA0]  }
0x498: {  	v10 =	vadd.f32 v12, v22;
	v22 =	vmul.f32 v20, v26;
	v20 =	vmul.f32 v20, v27;
	v23 =	vld [tilespmem:s20+$0x20]  }
0x499: {  	v24 =	vld.idx.msk [tilespmem:v13+s5+$0x0], $0xffff;
	v12 =	vadd.f32 v14, v16;
	v14 =	vmul.f32 v38, v28;
	v16 =	vmul.f32 v38, v29  }
0x49a: {  	v25 =	vld.idx.msk [tilespmem:v13+s6+$0x0], $0xffff;
	v13 =	vadd.f32 v19, v17;
	v17 =	vmul.f32 v15, v30;
	v19 =	vmul.f32 v15, v31  }
0x49b: {  	v29 =	vld.idx.msk [tilespmem:v3+s5+$0x0], $0xffff;
	v14 =	vadd.f32 v14, v22;
	v22 =	vmul.f32 v18, v32;
	v18 =	vmul.f32 v18, v33  }
0x49c: {  	v15 =	vadd.f32 v16, v20;
	v33 =	vld.idx.msk [tilespmem:v3+s6+$0x0], $0xffff;
	v26 =	vmul.f32 v21, v34;
	v21 =	vmul.f32 v21, v35  }
0x49d: {  	v3 =	vld.idx.msk [tilespmem:v0+s5+$0x0], $0xffff;
	v16 =	vadd.f32 v22, v17;
	v22 =	vmul.f32 v23, v36;
	v23 =	vmul.f32 v23, v37  }
0x49e: {  	v17 =	vadd.f32 v18, v19;
	v20 =	vld.idx.msk [tilespmem:v0+s6+$0x0], $0xffff  }
0x49f: {  	v0 =	vld.idx.msk [tilespmem:v1+s5+$0x0], $0xffff;
	v18 =	vadd.f32 v22, v26;
	v19 =	vadd.f32 v23, v21  }
0x4a0: {  	v23 =	vld.idx.msk [tilespmem:v1+s6+$0x0], $0xffff  }
0x4a1: {  	v1 =	vld.idx.msk [tilespmem:v2+s5+$0x0], $0xffff  }
0x4a2: {  	v21 =	vld.idx.msk [tilespmem:v2+s6+$0x0], $0xffff  }
0x4a3: {  	v2 =	vld.idx.msk [tilespmem:v4+s5+$0x0], $0xffff  }
0x4a4: {  	v22 =	vld.idx.msk [tilespmem:v4+s6+$0x0], $0xffff  }
0x4a5: {  	v4 =	vld.idx.msk [tilespmem:v5+s5+$0x0], $0xffff  }
0x4a6: {  	v5 =	vld.idx.msk [tilespmem:v5+s6+$0x0], $0xffff  }
0x4a7: {  	v30 =	vld [tilespmem:s20+$0x40]  }
0x4a8: {  	v34 =	vld [tilespmem:s20+$0x50]  }
.Ltmp5:
0x4a9: {  	v28 =	vld [tilespmem:s20+$0x60];
	(pc) =	sbr.rel @p0 .LBB2_12-.Ltmp5, $4  }
0x4aa: {  	v27 =	vld [tilespmem:s20+$0x70]  }
0x4ab: {  	v26 =	vld [tilespmem:s20+$0x80]  }
0x4ac: {  	v32 =	vmul.f32 v30, v24;
	v31 =	vmul.f32 v30, v25;
	v25 =	vld [tilespmem:s20+$0x90]  }
0x4ad: {  	s24 =	sadd.s32 $0x80, s24;
	v30 =	vmul.f32 v34, v29;
	v29 =	vmul.f32 v34, v33;
	v24 =	vld [tilespmem:s20+$0xA0]  }
0x4ae: {  	v6 =	vadd.f32 v32, v6  }
0x4af: {  	v11 =	vadd.f32 v31, v11  }
0x4b0: {  	v3 =	vmul.f32 v28, v3;
	v8 =	vadd.f32 v29, v8;
	[tilespmem:s22+$0xFFFFFF80] =	vst v6  }
0x4b1: {  	v0 =	vmul.f32 v27, v0;
	v6 =	vadd.f32 v30, v7;
	[tilespmem:s22+$0x0] =	vst v11  }
0x4b2: {  	v7 =	vmul.f32 v28, v20;
	v3 =	vadd.f32 v3, v9;
	[tilespmem:s22+$0x10] =	vst v8  }
0x4b3: {  	v1 =	vmul.f32 v26, v1;
	v0 =	vadd.f32 v0, v12;
	[tilespmem:s22+$0xFFFFFF90] =	vst v6  }
0x4b4: {  	v2 =	vmul.f32 v25, v2;
	v7 =	vadd.f32 v7, v10;
	[tilespmem:s22+$0xFFFFFFA0] =	vst v3  }
0x4b5: {  	v6 =	vmul.f32 v27, v23;
	v1 =	vadd.f32 v1, v14;
	[tilespmem:s22+$0xFFFFFFB0] =	vst v0  }
0x4b6: {  	v3 =	vmul.f32 v26, v21;
	v2 =	vadd.f32 v2, v16;
	[tilespmem:s22+$0x20] =	vst v7  }
0x4b7: {  	v0 =	vmul.f32 v25, v22;
	v6 =	vadd.f32 v6, v13;
	[tilespmem:s22+$0xFFFFFFC0] =	vst v1  }
0x4b8: {  	v4 =	vmul.f32 v24, v4;
	v3 =	vadd.f32 v3, v15;
	[tilespmem:s22+$0xFFFFFFD0] =	vst v2  }
0x4b9: {  	v1 =	vmul.f32 v24, v5;
	v0 =	vadd.f32 v0, v17;
	[tilespmem:s22+$0x30] =	vst v6  }
0x4ba: {  	[tilespmem:s22+$0x40] =	vst v3;
	v3 =	vadd.f32 v4, v18  }
0x4bb: {  	v1 =	vadd.f32 v1, v19;
	[tilespmem:s22+$0x50] =	vst v0  }
0x4bc: {  	[tilespmem:s22+$0xFFFFFFE0] =	vst v3  }
0x4bd: {  	[tilespmem:s22+$0x60] =	vst v1  }
0x4be: {  	s20 =	rddreg [dreg:$0x19]  }
0x4bf: {  	[hbm4b:s20+s16] =	stream.linear.scatter [tilespmem:s15], [sflag:$0x4], $0x2000, $0x38;
	[tilespmem:$0xE700] =	vst v63  }
0x4c0: {  	s22 =	rddreg [dreg:$0xd]  }
0x4c1: {  	[tilespmem:s9], [sflag:$0x2] =	stream.linear.gather [hbm4b:s22+s16], $0x1000, $0x38;
	[tilespmem:$0xE700] =	vst v63  }
0x4c2: {  	s23 =	rddreg [dreg:$0x13]  }
0x4c3: {  	[tilespmem:s10], [sflag:$0x2] =	stream.linear.gather [hbm4b:s23+s16], $0x3000, $0x38;
	[tilespmem:$0xE700] =	vst v63  }
0x4c4: {  	_ =	swait.ge [sflag:s12], $0x1000  }
0x4c5: {  	[sflag:s12] =	ssyncset.done $0x0  }
0x4c6: {  	[sflag:s12] =	ssyncadd.s32 $0xFFFFF000  }
0x4c7: {  	_ =	swait.ge [sflag:s12], $0x3000  }
0x4c8: {  	[sflag:s12] =	ssyncset.done $0x0  }
0x4c9: {  	[sflag:s12] =	ssyncadd.s32 $0xFFFFD000  }
0x4ca: {  	_ =	swait.ge [sflag:s17], $0x2000  }
0x4cb: {  	[sflag:s17] =	ssyncset.done $0x0  }
0x4cc: {  	s24 =	simm.s32 $0x2740;
	[sflag:s17] =	ssyncadd.s32 $0xFFFFE000  }
0x4cd: {  	v0 =	vld [tilespmem:s24+$0x30]  }
0x4ce: {  	v1 =	vld [tilespmem:s24+$0xFFFFFFD0]  }
0x4cf: {  	v2 =	vld [tilespmem:s24+$0xFFFFFFE0]  }
0x4d0: {  	v4 =	vld [tilespmem:s24+$0xFFFFFFF0]  }
0x4d1: {  	v5 =	vld [tilespmem:s24+$0x0]  }
0x4d2: {  	v9 =	vld [tilespmem:s24+$0x10]  }
0x4d3: {  	s20 =	simm.s32 $0x47C0;
	v12 =	vld [tilespmem:s24+$0x20]  }
0x4d4: {  	v3 =	vld [tilespmem:s20+$0xFFFFFFB0]  }
0x4d5: {  	v8 =	vld [tilespmem:s20+$0x30]  }
0x4d6: {  	v11 =	vld [tilespmem:s20+$0xB0]  }
0x4d7: {  	v13 =	vld [tilespmem:s24+$0xFFFFFFC0]  }
0x4d8: {  	v44 =	vld [tilespmem:s20+$0xFFFFFF40]  }
0x4d9: {  	v45 =	vld [tilespmem:s20+$0xFFFFFFC0]  }
0x4da: {  	v46 =	vld [tilespmem:s20+$0xFFFFFF50]  }
0x4db: {  	v47 =	vld [tilespmem:s20+$0xFFFFFFD0]  }
0x4dc: {  	v48 =	vld [tilespmem:s20+$0xFFFFFF60]  }
0x4dd: {  	v49 =	vld [tilespmem:s20+$0xFFFFFFE0]  }
0x4de: {  	v50 =	vld [tilespmem:s20+$0xFFFFFF70]  }
0x4df: {  	v51 =	vld [tilespmem:s20+$0xFFFFFFF0]  }
0x4e0: {  	v52 =	vld [tilespmem:s20+$0xFFFFFF80]  }
0x4e1: {  	v53 =	vld [tilespmem:s20+$0x0]  }
0x4e2: {  	v54 =	vld [tilespmem:s20+$0xFFFFFF90]  }
0x4e3: {  	v55 =	vld [tilespmem:s20+$0x10]  }
0x4e4: {  	v56 =	vld [tilespmem:s20+$0xFFFFFFA0]  }
0x4e5: {  	v57 =	vld [tilespmem:s20+$0x20]  }
0x4e6: {  	v62 =	vld [tilespmem:s20+$0x50]  }
0x4e7: {  	v6 =	vld.idx.msk [tilespmem:v0+s2+$0x0], $0xffff  }
0x4e8: {  	v7 =	vld.idx.msk [tilespmem:v0+s4+$0x0], $0xffff  }
0x4e9: {  	v10 =	vld.idx.msk [tilespmem:v0+s6+$0x0], $0xffff  }
0x4ea: {  	v14 =	vld.idx.msk [tilespmem:v1+s16+$0x0], $0xffff  }
0x4eb: {  	v15 =	vld.idx.msk [tilespmem:v1+s2+$0x0], $0xffff  }
0x4ec: {  	v16 =	vld.idx.msk [tilespmem:v1+s3+$0x0], $0xffff  }
0x4ed: {  	v17 =	vld.idx.msk [tilespmem:v1+s4+$0x0], $0xffff  }
0x4ee: {  	v18 =	vld.idx.msk [tilespmem:v2+s16+$0x0], $0xffff  }
0x4ef: {  	v19 =	vld.idx.msk [tilespmem:v0+s5+$0x0], $0xffff  }
0x4f0: {  	v20 =	vld.idx.msk [tilespmem:v0+s16+$0x0], $0xffff  }
0x4f1: {  	v0 =	vld.idx.msk [tilespmem:v0+s3+$0x0], $0xffff  }
0x4f2: {  	v21 =	vld.idx.msk [tilespmem:v13+s16+$0x0], $0xffff  }
0x4f3: {  	v22 =	vld.idx.msk [tilespmem:v13+s2+$0x0], $0xffff  }
0x4f4: {  	v23 =	vld.idx.msk [tilespmem:v13+s3+$0x0], $0xffff  }
0x4f5: {  	v24 =	vld.idx.msk [tilespmem:v13+s4+$0x0], $0xffff  }
0x4f6: {  	v25 =	vld.idx.msk [tilespmem:v2+s2+$0x0], $0xffff  }
0x4f7: {  	v26 =	vld.idx.msk [tilespmem:v2+s3+$0x0], $0xffff  }
0x4f8: {  	v27 =	vld.idx.msk [tilespmem:v2+s4+$0x0], $0xffff  }
0x4f9: {  	v28 =	vld.idx.msk [tilespmem:v4+s16+$0x0], $0xffff  }
0x4fa: {  	v29 =	vld.idx.msk [tilespmem:v4+s2+$0x0], $0xffff  }
0x4fb: {  	v30 =	vld.idx.msk [tilespmem:v4+s3+$0x0], $0xffff  }
0x4fc: {  	v31 =	vld.idx.msk [tilespmem:v4+s4+$0x0], $0xffff  }
0x4fd: {  	v32 =	vld.idx.msk [tilespmem:v5+s16+$0x0], $0xffff  }
0x4fe: {  	v33 =	vld.idx.msk [tilespmem:v5+s2+$0x0], $0xffff  }
0x4ff: {  	v34 =	vld.idx.msk [tilespmem:v5+s3+$0x0], $0xffff  }
0x500: {  	v35 =	vld.idx.msk [tilespmem:v5+s4+$0x0], $0xffff  }
0x501: {  	v36 =	vld.idx.msk [tilespmem:v9+s16+$0x0], $0xffff  }
0x502: {  	v37 =	vld.idx.msk [tilespmem:v9+s2+$0x0], $0xffff  }
0x503: {  	v38 =	vld.idx.msk [tilespmem:v9+s3+$0x0], $0xffff  }
0x504: {  	v39 =	vld.idx.msk [tilespmem:v9+s4+$0x0], $0xffff  }
0x505: {  	v40 =	vld.idx.msk [tilespmem:v12+s16+$0x0], $0xffff  }
0x506: {  	v41 =	vld.idx.msk [tilespmem:v12+s2+$0x0], $0xffff  }
0x507: {  	v58 =	vld.idx.msk [tilespmem:v13+s5+$0x0], $0xffff  }
0x508: {  	v59 =	vld.idx.msk [tilespmem:v13+s6+$0x0], $0xffff;
	v6 =	vmul.f32 v3, v6  }
0x509: {  	v60 =	vld.idx.msk [tilespmem:v1+s5+$0x0], $0xffff;
	v7 =	vmul.f32 v8, v7;
	v13 =	vmul.f32 v3, v20  }
0x50a: {  	v0 =	vmul.f32 v8, v0;
	v8 =	vmul.f32 v11, v10;
	v3 =	vld.idx.msk [tilespmem:v2+s5+$0x0], $0xffff  }
0x50b: {  	v20 =	vld.idx.msk [tilespmem:v2+s6+$0x0], $0xffff;
	v2 =	vmul.f32 v45, v24;
	v63 =	vmul.f32 v56, v41  }
0x50c: {  	v61 =	vld.idx.msk [tilespmem:v1+s6+$0x0], $0xffff;
	v1 =	vadd.f32 v7, v6;
	v6 =	vmul.f32 v11, v19;
	v7 =	vmul.f32 v44, v21  }
0x50d: {  	v10 =	vadd.f32 v0, v13;
	v11 =	vmul.f32 v44, v22;
	v13 =	vmul.f32 v45, v23;
	v0 =	vld.idx.msk [tilespmem:v4+s5+$0x0], $0xffff  }
0x50e: {  	v23 =	vld.idx.msk [tilespmem:v4+s6+$0x0], $0xffff;
	v4 =	vmul.f32 v47, v17;
	v17 =	vmul.f32 v50, v29;
	v19 =	vadd.f32 v8, v1  }
0x50f: {  	v42 =	vld.idx.msk [tilespmem:v12+s3+$0x0], $0xffff;
	v8 =	vmul.f32 v46, v14;
	v24 =	vadd.f32 v6, v10;
	v10 =	vmul.f32 v46, v15  }
0x510: {  	v43 =	vld.idx.msk [tilespmem:v12+s4+$0x0], $0xffff;
	v14 =	vmul.f32 v47, v16;
	v6 =	vadd.f32 v13, v7;
	v13 =	vmul.f32 v48, v18  }
0x511: {  	v21 =	vld.idx.msk [tilespmem:v5+s6+$0x0], $0xffff;
	v15 =	vmul.f32 v48, v25;
	v16 =	vmul.f32 v49, v26  }
0x512: {  	v1 =	vld.idx.msk [tilespmem:v5+s5+$0x0], $0xffff;
	v5 =	vmul.f32 v49, v27;
	v18 =	vmul.f32 v51, v30  }
0x513: {  	v22 =	vld.idx.msk [tilespmem:v9+s6+$0x0], $0xffff;
	v11 =	vadd.f32 v2, v11;
	v25 =	vmul.f32 v53, v34;
	v26 =	vmul.f32 v54, v36  }
0x514: {  	v29 =	vld [tilespmem:s20+$0x40];
	v30 =	vmul.f32 v55, v38;
	v7 =	vadd.f32 v14, v8;
	v14 =	vmul.f32 v50, v28  }
0x515: {  	v2 =	vld.idx.msk [tilespmem:v9+s5+$0x0], $0xffff;
	v8 =	vadd.f32 v4, v10;
	v9 =	vadd.f32 v16, v13;
	v13 =	vmul.f32 v51, v31  }
0x516: {  	v16 =	vmul.f32 v52, v32;
	v4 =	vld.idx.msk [tilespmem:v12+s5+$0x0], $0xffff;
	v10 =	vadd.f32 v5, v15;
	v15 =	vmul.f32 v52, v33  }
0x517: {  	v5 =	vld.idx.msk [tilespmem:v12+s6+$0x0], $0xffff;
	v31 =	vmul.f32 v56, v40;
	v12 =	vadd.f32 v18, v14;
	v18 =	vmul.f32 v53, v35  }
0x518: {  	v28 =	vld [tilespmem:s20+$0x60];
	v13 =	vadd.f32 v13, v17;
	v17 =	vmul.f32 v54, v37;
	v14 =	vadd.f32 v25, v16  }
0x519: {  	v27 =	vld [tilespmem:s20+$0x70];
	v25 =	vmul.f32 v55, v39;
	v16 =	vadd.f32 v30, v26;
	v30 =	vmul.f32 v57, v43  }
0x51a: {  	s22 =	simm.s32 $0xA780;
	v32 =	vmul.f32 v29, v58;
	v26 =	vld [tilespmem:s20+$0x80];
	v15 =	vadd.f32 v18, v15;
	v18 =	vmul.f32 v57, v42  }
0x51b: {  	[tilespmem:s22+$0x70] =	vst v19;
	v17 =	vadd.f32 v25, v17;
	v25 =	vld [tilespmem:s20+$0x90];
	v19 =	vadd.f32 v30, v63;
	v30 =	vmul.f32 v62, v60  }
0x51c: {  	s23 =	simm.s32 $0x0;
	s24 =	simm.s32 $0x27C0;
	[tilespmem:s22+$0xFFFFFFF0] =	vst v24;
	v24 =	vld [tilespmem:s20+$0xA0];
	v18 =	vadd.f32 v18, v31;
	v31 =	vmul.f32 v29, v59;
	v29 =	vmul.f32 v62, v61  }
.LBB2_14:
0x51d: {  	v33 =	vld [tilespmem:s24+$0x30];
	v6 =	vadd.f32 v32, v6;
	v32 =	vmul.f32 v28, v3;
	v20 =	vmul.f32 v28, v20  }
0x51e: {  	s23 =	sadd.s32 $0x8, s23;
	v11 =	vadd.f32 v31, v11;
	v3 =	vld [tilespmem:s24+$0xFFFFFFD0];
	v28 =	vmul.f32 v27, v0;
	v23 =	vmul.f32 v27, v23  }
0x51f: {  	p0 =	slt.u32 s23, $0xF8;
	v0 =	vld [tilespmem:s24+$0xFFFFFFE0];
	[tilespmem:s22+$0xFFFFFF80] =	vst v6;
	v6 =	vadd.f32 v30, v7;
	v7 =	vmul.f32 v26, v1;
	v21 =	vmul.f32 v26, v21  }
0x520: {  	v8 =	vadd.f32 v29, v8;
	v1 =	vld [tilespmem:s24+$0xFFFFFFF0];
	[tilespmem:s22+$0x0] =	vst v11;
	v11 =	vmul.f32 v25, v2;
	v22 =	vmul.f32 v25, v22  }
0x521: {  	v2 =	vld [tilespmem:s24+$0x0];
	[tilespmem:s22+$0xFFFFFF90] =	vst v6;
	v6 =	vadd.f32 v32, v9;
	v9 =	vmul.f32 v24, v4;
	v24 =	vmul.f32 v24, v5  }
0x522: {  	v4 =	vld [tilespmem:s24+$0x10];
	[tilespmem:s22+$0x10] =	vst v8;
	v8 =	vadd.f32 v20, v10;
	v10 =	vadd.f32 v28, v12  }
0x523: {  	s20 =	sadd.s32 $0x180, s20;
	v7 =	vadd.f32 v7, v14;
	v5 =	vld [tilespmem:s24+$0x20];
	[tilespmem:s22+$0xFFFFFFA0] =	vst v6;
	v6 =	vadd.f32 v23, v13  }
0x524: {  	v11 =	vadd.f32 v11, v16;
	v12 =	vld [tilespmem:s20+$0xFFFFFFB0];
	[tilespmem:s22+$0x20] =	vst v8;
	v8 =	vadd.f32 v21, v15  }
0x525: {  	v9 =	vadd.f32 v9, v18;
	v14 =	vld.idx.msk [tilespmem:v33+s2+$0x0], $0xffff;
	[tilespmem:s22+$0xFFFFFFB0] =	vst v10;
	v10 =	vadd.f32 v22, v17  }
0x526: {  	v15 =	vld.idx.msk [tilespmem:v33+s4+$0x0], $0xffff;
	[tilespmem:s22+$0x30] =	vst v6;
	v6 =	vadd.f32 v24, v19  }
0x527: {  	v16 =	vld [tilespmem:s20+$0x30];
	[tilespmem:s22+$0xFFFFFFC0] =	vst v7  }
0x528: {  	v7 =	vld.idx.msk [tilespmem:v33+s6+$0x0], $0xffff;
	[tilespmem:s22+$0x40] =	vst v8  }
0x529: {  	v8 =	vld [tilespmem:s20+$0xB0];
	[tilespmem:s22+$0xFFFFFFD0] =	vst v11  }
0x52a: {  	v13 =	vld [tilespmem:s24+$0xFFFFFFC0];
	[tilespmem:s22+$0x50] =	vst v10  }
0x52b: {  	v10 =	vld.idx.msk [tilespmem:v3+s16+$0x0], $0xffff;
	[tilespmem:s22+$0xFFFFFFE0] =	vst v9  }
0x52c: {  	v11 =	vmul.f32 v12, v14;
	v9 =	vld.idx.msk [tilespmem:v3+s2+$0x0], $0xffff;
	v14 =	vmul.f32 v16, v15;
	[tilespmem:s22+$0x60] =	vst v6  }
0x52d: {  	v15 =	vld.idx.msk [tilespmem:v3+s3+$0x0], $0xffff  }
0x52e: {  	v17 =	vld.idx.msk [tilespmem:v3+s4+$0x0], $0xffff;
	v6 =	vadd.f32 v14, v11;
	v7 =	vmul.f32 v8, v7  }
0x52f: {  	v14 =	vld.idx.msk [tilespmem:v0+s16+$0x0], $0xffff  }
0x530: {  	v11 =	vld.idx.msk [tilespmem:v33+s5+$0x0], $0xffff;
	v6 =	vadd.f32 v7, v6  }
0x531: {  	s22 =	sadd.s32 $0x100, s22;
	v7 =	vld.idx.msk [tilespmem:v33+s16+$0x0], $0xffff  }
0x532: {  	v18 =	vld.idx.msk [tilespmem:v33+s3+$0x0], $0xffff;
	[tilespmem:s22+$0x70] =	vst v6  }
0x533: {  	v6 =	vld.idx.msk [tilespmem:v13+s16+$0x0], $0xffff  }
0x534: {  	v19 =	vld.idx.msk [tilespmem:v13+s2+$0x0], $0xffff  }
0x535: {  	v20 =	vld.idx.msk [tilespmem:v13+s3+$0x0], $0xffff  }
0x536: {  	v8 =	vmul.f32 v8, v11;
	v21 =	vld.idx.msk [tilespmem:v13+s4+$0x0], $0xffff  }
0x537: {  	v7 =	vmul.f32 v12, v7;
	v22 =	vld.idx.msk [tilespmem:v0+s2+$0x0], $0xffff  }
0x538: {  	v11 =	vmul.f32 v16, v18;
	v12 =	vld.idx.msk [tilespmem:v0+s3+$0x0], $0xffff  }
0x539: {  	v16 =	vld.idx.msk [tilespmem:v0+s4+$0x0], $0xffff  }
0x53a: {  	v7 =	vadd.f32 v11, v7;
	v18 =	vld.idx.msk [tilespmem:v1+s16+$0x0], $0xffff  }
0x53b: {  	v23 =	vld.idx.msk [tilespmem:v1+s2+$0x0], $0xffff  }
0x53c: {  	v7 =	vadd.f32 v8, v7;
	v24 =	vld.idx.msk [tilespmem:v1+s3+$0x0], $0xffff  }
0x53d: {  	v25 =	vld.idx.msk [tilespmem:v1+s4+$0x0], $0xffff  }
0x53e: {  	v26 =	vld.idx.msk [tilespmem:v2+s16+$0x0], $0xffff;
	[tilespmem:s22+$0xFFFFFFF0] =	vst v7  }
0x53f: {  	v27 =	vld.idx.msk [tilespmem:v2+s2+$0x0], $0xffff  }
0x540: {  	v28 =	vld.idx.msk [tilespmem:v2+s3+$0x0], $0xffff  }
0x541: {  	v29 =	vld.idx.msk [tilespmem:v2+s4+$0x0], $0xffff  }
0x542: {  	v30 =	vld.idx.msk [tilespmem:v4+s16+$0x0], $0xffff  }
0x543: {  	v31 =	vld.idx.msk [tilespmem:v4+s2+$0x0], $0xffff  }
0x544: {  	v32 =	vld.idx.msk [tilespmem:v4+s3+$0x0], $0xffff  }
0x545: {  	v33 =	vld.idx.msk [tilespmem:v4+s4+$0x0], $0xffff  }
0x546: {  	v34 =	vld.idx.msk [tilespmem:v5+s16+$0x0], $0xffff  }
0x547: {  	v35 =	vld.idx.msk [tilespmem:v5+s2+$0x0], $0xffff  }
0x548: {  	v36 =	vld.idx.msk [tilespmem:v5+s3+$0x0], $0xffff  }
0x549: {  	v37 =	vld.idx.msk [tilespmem:v5+s4+$0x0], $0xffff  }
0x54a: {  	v7 =	vld [tilespmem:s20+$0xFFFFFF40]  }
0x54b: {  	v8 =	vld [tilespmem:s20+$0xFFFFFFC0]  }
0x54c: {  	v11 =	vld [tilespmem:s20+$0xFFFFFF50]  }
0x54d: {  	v38 =	vld [tilespmem:s20+$0xFFFFFFD0]  }
0x54e: {  	v39 =	vld [tilespmem:s20+$0xFFFFFF60]  }
0x54f: {  	v6 =	vmul.f32 v7, v6;
	v7 =	vmul.f32 v7, v19;
	v19 =	vld [tilespmem:s20+$0xFFFFFFE0]  }
0x550: {  	v20 =	vmul.f32 v8, v20;
	v8 =	vmul.f32 v8, v21;
	v21 =	vld [tilespmem:s20+$0xFFFFFF70]  }
0x551: {  	v10 =	vmul.f32 v11, v10;
	v9 =	vmul.f32 v11, v9;
	v40 =	vld [tilespmem:s20+$0xFFFFFFF0]  }
0x552: {  	v6 =	vadd.f32 v20, v6;
	v15 =	vmul.f32 v38, v15;
	v17 =	vmul.f32 v38, v17;
	v20 =	vld [tilespmem:s20+$0xFFFFFF80]  }
0x553: {  	v11 =	vadd.f32 v8, v7;
	v14 =	vmul.f32 v39, v14;
	v22 =	vmul.f32 v39, v22;
	v38 =	vld [tilespmem:s20+$0x0]  }
0x554: {  	v7 =	vadd.f32 v15, v10;
	v10 =	vmul.f32 v19, v12;
	v12 =	vmul.f32 v19, v16;
	v15 =	vld [tilespmem:s20+$0xFFFFFF90]  }
0x555: {  	v8 =	vadd.f32 v17, v9;
	v16 =	vmul.f32 v21, v18;
	v17 =	vmul.f32 v21, v23;
	v18 =	vld [tilespmem:s20+$0x10]  }
0x556: {  	v9 =	vadd.f32 v10, v14;
	v14 =	vmul.f32 v40, v24;
	v19 =	vmul.f32 v40, v25;
	v21 =	vld [tilespmem:s20+$0xFFFFFFA0]  }
0x557: {  	v10 =	vadd.f32 v12, v22;
	v22 =	vmul.f32 v20, v26;
	v20 =	vmul.f32 v20, v27;
	v23 =	vld [tilespmem:s20+$0x20]  }
0x558: {  	v24 =	vld.idx.msk [tilespmem:v13+s5+$0x0], $0xffff;
	v12 =	vadd.f32 v14, v16;
	v14 =	vmul.f32 v38, v28;
	v16 =	vmul.f32 v38, v29  }
0x559: {  	v25 =	vld.idx.msk [tilespmem:v13+s6+$0x0], $0xffff;
	v13 =	vadd.f32 v19, v17;
	v17 =	vmul.f32 v15, v30;
	v19 =	vmul.f32 v15, v31  }
0x55a: {  	v29 =	vld.idx.msk [tilespmem:v3+s5+$0x0], $0xffff;
	v14 =	vadd.f32 v14, v22;
	v22 =	vmul.f32 v18, v32;
	v18 =	vmul.f32 v18, v33  }
0x55b: {  	v15 =	vadd.f32 v16, v20;
	v33 =	vld.idx.msk [tilespmem:v3+s6+$0x0], $0xffff;
	v26 =	vmul.f32 v21, v34;
	v21 =	vmul.f32 v21, v35  }
0x55c: {  	v3 =	vld.idx.msk [tilespmem:v0+s5+$0x0], $0xffff;
	v16 =	vadd.f32 v22, v17;
	v22 =	vmul.f32 v23, v36;
	v23 =	vmul.f32 v23, v37  }
0x55d: {  	v17 =	vadd.f32 v18, v19;
	v20 =	vld.idx.msk [tilespmem:v0+s6+$0x0], $0xffff  }
0x55e: {  	v0 =	vld.idx.msk [tilespmem:v1+s5+$0x0], $0xffff;
	v18 =	vadd.f32 v22, v26;
	v19 =	vadd.f32 v23, v21  }
0x55f: {  	v23 =	vld.idx.msk [tilespmem:v1+s6+$0x0], $0xffff  }
0x560: {  	v1 =	vld.idx.msk [tilespmem:v2+s5+$0x0], $0xffff  }
0x561: {  	v21 =	vld.idx.msk [tilespmem:v2+s6+$0x0], $0xffff  }
0x562: {  	v2 =	vld.idx.msk [tilespmem:v4+s5+$0x0], $0xffff  }
0x563: {  	v22 =	vld.idx.msk [tilespmem:v4+s6+$0x0], $0xffff  }
0x564: {  	v4 =	vld.idx.msk [tilespmem:v5+s5+$0x0], $0xffff  }
0x565: {  	v5 =	vld.idx.msk [tilespmem:v5+s6+$0x0], $0xffff  }
0x566: {  	v30 =	vld [tilespmem:s20+$0x40]  }
0x567: {  	v34 =	vld [tilespmem:s20+$0x50]  }
.Ltmp6:
0x568: {  	v28 =	vld [tilespmem:s20+$0x60];
	(pc) =	sbr.rel @p0 .LBB2_14-.Ltmp6, $4  }
0x569: {  	v27 =	vld [tilespmem:s20+$0x70]  }
0x56a: {  	v26 =	vld [tilespmem:s20+$0x80]  }
0x56b: {  	v32 =	vmul.f32 v30, v24;
	v31 =	vmul.f32 v30, v25;
	v25 =	vld [tilespmem:s20+$0x90]  }
0x56c: {  	s24 =	sadd.s32 $0x80, s24;
	v30 =	vmul.f32 v34, v29;
	v29 =	vmul.f32 v34, v33;
	v24 =	vld [tilespmem:s20+$0xA0]  }
0x56d: {  	v6 =	vadd.f32 v32, v6  }
0x56e: {  	v11 =	vadd.f32 v31, v11  }
0x56f: {  	v3 =	vmul.f32 v28, v3;
	v8 =	vadd.f32 v29, v8;
	[tilespmem:s22+$0xFFFFFF80] =	vst v6  }
0x570: {  	v0 =	vmul.f32 v27, v0;
	v6 =	vadd.f32 v30, v7;
	[tilespmem:s22+$0x0] =	vst v11  }
0x571: {  	v7 =	vmul.f32 v28, v20;
	v3 =	vadd.f32 v3, v9;
	[tilespmem:s22+$0x10] =	vst v8  }
0x572: {  	v1 =	vmul.f32 v26, v1;
	v0 =	vadd.f32 v0, v12;
	[tilespmem:s22+$0xFFFFFF90] =	vst v6  }
0x573: {  	v2 =	vmul.f32 v25, v2;
	v7 =	vadd.f32 v7, v10;
	[tilespmem:s22+$0xFFFFFFA0] =	vst v3  }
0x574: {  	v6 =	vmul.f32 v27, v23;
	v1 =	vadd.f32 v1, v14;
	[tilespmem:s22+$0xFFFFFFB0] =	vst v0  }
0x575: {  	v3 =	vmul.f32 v26, v21;
	v2 =	vadd.f32 v2, v16;
	[tilespmem:s22+$0x20] =	vst v7  }
0x576: {  	v0 =	vmul.f32 v25, v22;
	v6 =	vadd.f32 v6, v13;
	[tilespmem:s22+$0xFFFFFFC0] =	vst v1  }
0x577: {  	v4 =	vmul.f32 v24, v4;
	v3 =	vadd.f32 v3, v15;
	[tilespmem:s22+$0xFFFFFFD0] =	vst v2  }
0x578: {  	v1 =	vmul.f32 v24, v5;
	v0 =	vadd.f32 v0, v17;
	[tilespmem:s22+$0x30] =	vst v6  }
0x579: {  	[tilespmem:s22+$0x40] =	vst v3;
	v3 =	vadd.f32 v4, v18  }
0x57a: {  	v1 =	vadd.f32 v1, v19;
	[tilespmem:s22+$0x50] =	vst v0  }
0x57b: {  	[tilespmem:s22+$0xFFFFFFE0] =	vst v3  }
0x57c: {  	[tilespmem:s22+$0x60] =	vst v1  }
0x57d: {  	[hbm4b:s25+s16] =	stream.linear.scatter [tilespmem:s13], [sflag:$0x3], $0x2000, $0x38;
	[tilespmem:$0xE700] =	vst v63  }
0x57e: {  	_ =	swait.ge [sflag:s14], $0x1000  }
0x57f: {  	[sflag:s14] =	ssyncset.done $0x0  }
0x580: {  	[sflag:s14] =	ssyncadd.s32 $0xFFFFF000  }
0x581: {  	_ =	swait.ge [sflag:s14], $0x3000  }
0x582: {  	[sflag:s14] =	ssyncset.done $0x0  }
0x583: {  	[sflag:s14] =	ssyncadd.s32 $0xFFFFD000  }
0x584: {  	_ =	swait.ge [sflag:s18], $0x2000  }
0x585: {  	[sflag:s18] =	ssyncset.done $0x0  }
0x586: {  	s24 =	simm.s32 $0x3740;
	[sflag:s18] =	ssyncadd.s32 $0xFFFFE000  }
0x587: {  	v0 =	vld [tilespmem:s24+$0x30]  }
0x588: {  	v1 =	vld [tilespmem:s24+$0xFFFFFFD0]  }
0x589: {  	v2 =	vld [tilespmem:s24+$0xFFFFFFE0]  }
0x58a: {  	v4 =	vld [tilespmem:s24+$0xFFFFFFF0]  }
0x58b: {  	v5 =	vld [tilespmem:s24+$0x0]  }
0x58c: {  	v9 =	vld [tilespmem:s24+$0x10]  }
0x58d: {  	s20 =	simm.s32 $0x77C0;
	v12 =	vld [tilespmem:s24+$0x20]  }
0x58e: {  	v3 =	vld [tilespmem:s20+$0xFFFFFFB0]  }
0x58f: {  	v8 =	vld [tilespmem:s20+$0x30]  }
0x590: {  	v11 =	vld [tilespmem:s20+$0xB0]  }
0x591: {  	v13 =	vld [tilespmem:s24+$0xFFFFFFC0]  }
0x592: {  	v44 =	vld [tilespmem:s20+$0xFFFFFF40]  }
0x593: {  	v45 =	vld [tilespmem:s20+$0xFFFFFFC0]  }
0x594: {  	v46 =	vld [tilespmem:s20+$0xFFFFFF50]  }
0x595: {  	v47 =	vld [tilespmem:s20+$0xFFFFFFD0]  }
0x596: {  	v48 =	vld [tilespmem:s20+$0xFFFFFF60]  }
0x597: {  	v49 =	vld [tilespmem:s20+$0xFFFFFFE0]  }
0x598: {  	v50 =	vld [tilespmem:s20+$0xFFFFFF70]  }
0x599: {  	v51 =	vld [tilespmem:s20+$0xFFFFFFF0]  }
0x59a: {  	v52 =	vld [tilespmem:s20+$0xFFFFFF80]  }
0x59b: {  	v53 =	vld [tilespmem:s20+$0x0]  }
0x59c: {  	v54 =	vld [tilespmem:s20+$0xFFFFFF90]  }
0x59d: {  	v55 =	vld [tilespmem:s20+$0x10]  }
0x59e: {  	v56 =	vld [tilespmem:s20+$0xFFFFFFA0]  }
0x59f: {  	v57 =	vld [tilespmem:s20+$0x20]  }
0x5a0: {  	v62 =	vld [tilespmem:s20+$0x50]  }
0x5a1: {  	v6 =	vld.idx.msk [tilespmem:v0+s2+$0x0], $0xffff  }
0x5a2: {  	v7 =	vld.idx.msk [tilespmem:v0+s4+$0x0], $0xffff  }
0x5a3: {  	v10 =	vld.idx.msk [tilespmem:v0+s6+$0x0], $0xffff  }
0x5a4: {  	v14 =	vld.idx.msk [tilespmem:v1+s16+$0x0], $0xffff  }
0x5a5: {  	v15 =	vld.idx.msk [tilespmem:v1+s2+$0x0], $0xffff  }
0x5a6: {  	v16 =	vld.idx.msk [tilespmem:v1+s3+$0x0], $0xffff  }
0x5a7: {  	v17 =	vld.idx.msk [tilespmem:v1+s4+$0x0], $0xffff  }
0x5a8: {  	v18 =	vld.idx.msk [tilespmem:v2+s16+$0x0], $0xffff  }
0x5a9: {  	v19 =	vld.idx.msk [tilespmem:v0+s5+$0x0], $0xffff  }
0x5aa: {  	v20 =	vld.idx.msk [tilespmem:v0+s16+$0x0], $0xffff  }
0x5ab: {  	v0 =	vld.idx.msk [tilespmem:v0+s3+$0x0], $0xffff  }
0x5ac: {  	v21 =	vld.idx.msk [tilespmem:v13+s16+$0x0], $0xffff  }
0x5ad: {  	v22 =	vld.idx.msk [tilespmem:v13+s2+$0x0], $0xffff  }
0x5ae: {  	v23 =	vld.idx.msk [tilespmem:v13+s3+$0x0], $0xffff  }
0x5af: {  	v24 =	vld.idx.msk [tilespmem:v13+s4+$0x0], $0xffff  }
0x5b0: {  	v25 =	vld.idx.msk [tilespmem:v2+s2+$0x0], $0xffff  }
0x5b1: {  	v26 =	vld.idx.msk [tilespmem:v2+s3+$0x0], $0xffff  }
0x5b2: {  	v27 =	vld.idx.msk [tilespmem:v2+s4+$0x0], $0xffff  }
0x5b3: {  	v28 =	vld.idx.msk [tilespmem:v4+s16+$0x0], $0xffff  }
0x5b4: {  	v29 =	vld.idx.msk [tilespmem:v4+s2+$0x0], $0xffff  }
0x5b5: {  	v30 =	vld.idx.msk [tilespmem:v4+s3+$0x0], $0xffff  }
0x5b6: {  	v31 =	vld.idx.msk [tilespmem:v4+s4+$0x0], $0xffff  }
0x5b7: {  	v32 =	vld.idx.msk [tilespmem:v5+s16+$0x0], $0xffff  }
0x5b8: {  	v33 =	vld.idx.msk [tilespmem:v5+s2+$0x0], $0xffff  }
0x5b9: {  	v34 =	vld.idx.msk [tilespmem:v5+s3+$0x0], $0xffff  }
0x5ba: {  	v35 =	vld.idx.msk [tilespmem:v5+s4+$0x0], $0xffff  }
0x5bb: {  	v36 =	vld.idx.msk [tilespmem:v9+s16+$0x0], $0xffff  }
0x5bc: {  	v37 =	vld.idx.msk [tilespmem:v9+s2+$0x0], $0xffff  }
0x5bd: {  	v38 =	vld.idx.msk [tilespmem:v9+s3+$0x0], $0xffff  }
0x5be: {  	v39 =	vld.idx.msk [tilespmem:v9+s4+$0x0], $0xffff  }
0x5bf: {  	v40 =	vld.idx.msk [tilespmem:v12+s16+$0x0], $0xffff  }
0x5c0: {  	v41 =	vld.idx.msk [tilespmem:v12+s2+$0x0], $0xffff  }
0x5c1: {  	v58 =	vld.idx.msk [tilespmem:v13+s5+$0x0], $0xffff  }
0x5c2: {  	v59 =	vld.idx.msk [tilespmem:v13+s6+$0x0], $0xffff;
	v6 =	vmul.f32 v3, v6  }
0x5c3: {  	v60 =	vld.idx.msk [tilespmem:v1+s5+$0x0], $0xffff;
	v7 =	vmul.f32 v8, v7;
	v13 =	vmul.f32 v3, v20  }
0x5c4: {  	v0 =	vmul.f32 v8, v0;
	v8 =	vmul.f32 v11, v10;
	v3 =	vld.idx.msk [tilespmem:v2+s5+$0x0], $0xffff  }
0x5c5: {  	v20 =	vld.idx.msk [tilespmem:v2+s6+$0x0], $0xffff;
	v2 =	vmul.f32 v45, v24;
	v63 =	vmul.f32 v56, v41  }
0x5c6: {  	v61 =	vld.idx.msk [tilespmem:v1+s6+$0x0], $0xffff;
	v1 =	vadd.f32 v7, v6;
	v6 =	vmul.f32 v11, v19;
	v7 =	vmul.f32 v44, v21  }
0x5c7: {  	v10 =	vadd.f32 v0, v13;
	v11 =	vmul.f32 v44, v22;
	v13 =	vmul.f32 v45, v23;
	v0 =	vld.idx.msk [tilespmem:v4+s5+$0x0], $0xffff  }
0x5c8: {  	v23 =	vld.idx.msk [tilespmem:v4+s6+$0x0], $0xffff;
	v4 =	vmul.f32 v47, v17;
	v17 =	vmul.f32 v50, v29;
	v19 =	vadd.f32 v8, v1  }
0x5c9: {  	v42 =	vld.idx.msk [tilespmem:v12+s3+$0x0], $0xffff;
	v8 =	vmul.f32 v46, v14;
	v24 =	vadd.f32 v6, v10;
	v10 =	vmul.f32 v46, v15  }
0x5ca: {  	v43 =	vld.idx.msk [tilespmem:v12+s4+$0x0], $0xffff;
	v14 =	vmul.f32 v47, v16;
	v6 =	vadd.f32 v13, v7;
	v13 =	vmul.f32 v48, v18  }
0x5cb: {  	v21 =	vld.idx.msk [tilespmem:v5+s6+$0x0], $0xffff;
	v15 =	vmul.f32 v48, v25;
	v16 =	vmul.f32 v49, v26  }
0x5cc: {  	v1 =	vld.idx.msk [tilespmem:v5+s5+$0x0], $0xffff;
	v5 =	vmul.f32 v49, v27;
	v18 =	vmul.f32 v51, v30  }
0x5cd: {  	v22 =	vld.idx.msk [tilespmem:v9+s6+$0x0], $0xffff;
	v11 =	vadd.f32 v2, v11;
	v25 =	vmul.f32 v53, v34;
	v26 =	vmul.f32 v54, v36  }
0x5ce: {  	v29 =	vld [tilespmem:s20+$0x40];
	v30 =	vmul.f32 v55, v38;
	v7 =	vadd.f32 v14, v8;
	v14 =	vmul.f32 v50, v28  }
0x5cf: {  	v2 =	vld.idx.msk [tilespmem:v9+s5+$0x0], $0xffff;
	v8 =	vadd.f32 v4, v10;
	v9 =	vadd.f32 v16, v13;
	v13 =	vmul.f32 v51, v31  }
0x5d0: {  	v16 =	vmul.f32 v52, v32;
	v4 =	vld.idx.msk [tilespmem:v12+s5+$0x0], $0xffff;
	v10 =	vadd.f32 v5, v15;
	v15 =	vmul.f32 v52, v33  }
0x5d1: {  	v5 =	vld.idx.msk [tilespmem:v12+s6+$0x0], $0xffff;
	v31 =	vmul.f32 v56, v40;
	v12 =	vadd.f32 v18, v14;
	v18 =	vmul.f32 v53, v35  }
0x5d2: {  	v28 =	vld [tilespmem:s20+$0x60];
	v13 =	vadd.f32 v13, v17;
	v17 =	vmul.f32 v54, v37;
	v14 =	vadd.f32 v25, v16  }
0x5d3: {  	v27 =	vld [tilespmem:s20+$0x70];
	v25 =	vmul.f32 v55, v39;
	v16 =	vadd.f32 v30, v26;
	v30 =	vmul.f32 v57, v43  }
0x5d4: {  	s22 =	simm.s32 $0xC780;
	v32 =	vmul.f32 v29, v58;
	v26 =	vld [tilespmem:s20+$0x80];
	v15 =	vadd.f32 v18, v15;
	v18 =	vmul.f32 v57, v42  }
0x5d5: {  	[tilespmem:s22+$0x70] =	vst v19;
	v17 =	vadd.f32 v25, v17;
	v25 =	vld [tilespmem:s20+$0x90];
	v19 =	vadd.f32 v30, v63;
	v30 =	vmul.f32 v62, v60  }
0x5d6: {  	s23 =	simm.s32 $0x0;
	s24 =	simm.s32 $0x37C0;
	[tilespmem:s22+$0xFFFFFFF0] =	vst v24;
	v24 =	vld [tilespmem:s20+$0xA0];
	v18 =	vadd.f32 v18, v31;
	v31 =	vmul.f32 v29, v59;
	v29 =	vmul.f32 v62, v61  }
.LBB2_16:
0x5d7: {  	v33 =	vld [tilespmem:s24+$0x30];
	v6 =	vadd.f32 v32, v6;
	v32 =	vmul.f32 v28, v3;
	v20 =	vmul.f32 v28, v20  }
0x5d8: {  	s23 =	sadd.s32 $0x8, s23;
	v11 =	vadd.f32 v31, v11;
	v3 =	vld [tilespmem:s24+$0xFFFFFFD0];
	v28 =	vmul.f32 v27, v0;
	v23 =	vmul.f32 v27, v23  }
0x5d9: {  	p0 =	slt.u32 s23, $0xF8;
	v0 =	vld [tilespmem:s24+$0xFFFFFFE0];
	[tilespmem:s22+$0xFFFFFF80] =	vst v6;
	v6 =	vadd.f32 v30, v7;
	v7 =	vmul.f32 v26, v1;
	v21 =	vmul.f32 v26, v21  }
0x5da: {  	v8 =	vadd.f32 v29, v8;
	v1 =	vld [tilespmem:s24+$0xFFFFFFF0];
	[tilespmem:s22+$0x0] =	vst v11;
	v11 =	vmul.f32 v25, v2;
	v22 =	vmul.f32 v25, v22  }
0x5db: {  	v2 =	vld [tilespmem:s24+$0x0];
	[tilespmem:s22+$0xFFFFFF90] =	vst v6;
	v6 =	vadd.f32 v32, v9;
	v9 =	vmul.f32 v24, v4;
	v24 =	vmul.f32 v24, v5  }
0x5dc: {  	v4 =	vld [tilespmem:s24+$0x10];
	[tilespmem:s22+$0x10] =	vst v8;
	v8 =	vadd.f32 v20, v10;
	v10 =	vadd.f32 v28, v12  }
0x5dd: {  	s20 =	sadd.s32 $0x180, s20;
	v7 =	vadd.f32 v7, v14;
	v5 =	vld [tilespmem:s24+$0x20];
	[tilespmem:s22+$0xFFFFFFA0] =	vst v6;
	v6 =	vadd.f32 v23, v13  }
0x5de: {  	v11 =	vadd.f32 v11, v16;
	v12 =	vld [tilespmem:s20+$0xFFFFFFB0];
	[tilespmem:s22+$0x20] =	vst v8;
	v8 =	vadd.f32 v21, v15  }
0x5df: {  	v9 =	vadd.f32 v9, v18;
	v14 =	vld.idx.msk [tilespmem:v33+s2+$0x0], $0xffff;
	[tilespmem:s22+$0xFFFFFFB0] =	vst v10;
	v10 =	vadd.f32 v22, v17  }
0x5e0: {  	v15 =	vld.idx.msk [tilespmem:v33+s4+$0x0], $0xffff;
	[tilespmem:s22+$0x30] =	vst v6;
	v6 =	vadd.f32 v24, v19  }
0x5e1: {  	v16 =	vld [tilespmem:s20+$0x30];
	[tilespmem:s22+$0xFFFFFFC0] =	vst v7  }
0x5e2: {  	v7 =	vld.idx.msk [tilespmem:v33+s6+$0x0], $0xffff;
	[tilespmem:s22+$0x40] =	vst v8  }
0x5e3: {  	v8 =	vld [tilespmem:s20+$0xB0];
	[tilespmem:s22+$0xFFFFFFD0] =	vst v11  }
0x5e4: {  	v13 =	vld [tilespmem:s24+$0xFFFFFFC0];
	[tilespmem:s22+$0x50] =	vst v10  }
0x5e5: {  	v10 =	vld.idx.msk [tilespmem:v3+s16+$0x0], $0xffff;
	[tilespmem:s22+$0xFFFFFFE0] =	vst v9  }
0x5e6: {  	v11 =	vmul.f32 v12, v14;
	v9 =	vld.idx.msk [tilespmem:v3+s2+$0x0], $0xffff;
	v14 =	vmul.f32 v16, v15;
	[tilespmem:s22+$0x60] =	vst v6  }
0x5e7: {  	v15 =	vld.idx.msk [tilespmem:v3+s3+$0x0], $0xffff  }
0x5e8: {  	v17 =	vld.idx.msk [tilespmem:v3+s4+$0x0], $0xffff;
	v6 =	vadd.f32 v14, v11;
	v7 =	vmul.f32 v8, v7  }
0x5e9: {  	v14 =	vld.idx.msk [tilespmem:v0+s16+$0x0], $0xffff  }
0x5ea: {  	v11 =	vld.idx.msk [tilespmem:v33+s5+$0x0], $0xffff;
	v6 =	vadd.f32 v7, v6  }
0x5eb: {  	s22 =	sadd.s32 $0x100, s22;
	v7 =	vld.idx.msk [tilespmem:v33+s16+$0x0], $0xffff  }
0x5ec: {  	v18 =	vld.idx.msk [tilespmem:v33+s3+$0x0], $0xffff;
	[tilespmem:s22+$0x70] =	vst v6  }
0x5ed: {  	v6 =	vld.idx.msk [tilespmem:v13+s16+$0x0], $0xffff  }
0x5ee: {  	v19 =	vld.idx.msk [tilespmem:v13+s2+$0x0], $0xffff  }
0x5ef: {  	v20 =	vld.idx.msk [tilespmem:v13+s3+$0x0], $0xffff  }
0x5f0: {  	v8 =	vmul.f32 v8, v11;
	v21 =	vld.idx.msk [tilespmem:v13+s4+$0x0], $0xffff  }
0x5f1: {  	v7 =	vmul.f32 v12, v7;
	v22 =	vld.idx.msk [tilespmem:v0+s2+$0x0], $0xffff  }
0x5f2: {  	v11 =	vmul.f32 v16, v18;
	v12 =	vld.idx.msk [tilespmem:v0+s3+$0x0], $0xffff  }
0x5f3: {  	v16 =	vld.idx.msk [tilespmem:v0+s4+$0x0], $0xffff  }
0x5f4: {  	v7 =	vadd.f32 v11, v7;
	v18 =	vld.idx.msk [tilespmem:v1+s16+$0x0], $0xffff  }
0x5f5: {  	v23 =	vld.idx.msk [tilespmem:v1+s2+$0x0], $0xffff  }
0x5f6: {  	v7 =	vadd.f32 v8, v7;
	v24 =	vld.idx.msk [tilespmem:v1+s3+$0x0], $0xffff  }
0x5f7: {  	v25 =	vld.idx.msk [tilespmem:v1+s4+$0x0], $0xffff  }
0x5f8: {  	v26 =	vld.idx.msk [tilespmem:v2+s16+$0x0], $0xffff;
	[tilespmem:s22+$0xFFFFFFF0] =	vst v7  }
0x5f9: {  	v27 =	vld.idx.msk [tilespmem:v2+s2+$0x0], $0xffff  }
0x5fa: {  	v28 =	vld.idx.msk [tilespmem:v2+s3+$0x0], $0xffff  }
0x5fb: {  	v29 =	vld.idx.msk [tilespmem:v2+s4+$0x0], $0xffff  }
0x5fc: {  	v30 =	vld.idx.msk [tilespmem:v4+s16+$0x0], $0xffff  }
0x5fd: {  	v31 =	vld.idx.msk [tilespmem:v4+s2+$0x0], $0xffff  }
0x5fe: {  	v32 =	vld.idx.msk [tilespmem:v4+s3+$0x0], $0xffff  }
0x5ff: {  	v33 =	vld.idx.msk [tilespmem:v4+s4+$0x0], $0xffff  }
0x600: {  	v34 =	vld.idx.msk [tilespmem:v5+s16+$0x0], $0xffff  }
0x601: {  	v35 =	vld.idx.msk [tilespmem:v5+s2+$0x0], $0xffff  }
0x602: {  	v36 =	vld.idx.msk [tilespmem:v5+s3+$0x0], $0xffff  }
0x603: {  	v37 =	vld.idx.msk [tilespmem:v5+s4+$0x0], $0xffff  }
0x604: {  	v7 =	vld [tilespmem:s20+$0xFFFFFF40]  }
0x605: {  	v8 =	vld [tilespmem:s20+$0xFFFFFFC0]  }
0x606: {  	v11 =	vld [tilespmem:s20+$0xFFFFFF50]  }
0x607: {  	v38 =	vld [tilespmem:s20+$0xFFFFFFD0]  }
0x608: {  	v39 =	vld [tilespmem:s20+$0xFFFFFF60]  }
0x609: {  	v6 =	vmul.f32 v7, v6;
	v7 =	vmul.f32 v7, v19;
	v19 =	vld [tilespmem:s20+$0xFFFFFFE0]  }
0x60a: {  	v20 =	vmul.f32 v8, v20;
	v8 =	vmul.f32 v8, v21;
	v21 =	vld [tilespmem:s20+$0xFFFFFF70]  }
0x60b: {  	v10 =	vmul.f32 v11, v10;
	v9 =	vmul.f32 v11, v9;
	v40 =	vld [tilespmem:s20+$0xFFFFFFF0]  }
0x60c: {  	v6 =	vadd.f32 v20, v6;
	v15 =	vmul.f32 v38, v15;
	v17 =	vmul.f32 v38, v17;
	v20 =	vld [tilespmem:s20+$0xFFFFFF80]  }
0x60d: {  	v11 =	vadd.f32 v8, v7;
	v14 =	vmul.f32 v39, v14;
	v22 =	vmul.f32 v39, v22;
	v38 =	vld [tilespmem:s20+$0x0]  }
0x60e: {  	v7 =	vadd.f32 v15, v10;
	v10 =	vmul.f32 v19, v12;
	v12 =	vmul.f32 v19, v16;
	v15 =	vld [tilespmem:s20+$0xFFFFFF90]  }
0x60f: {  	v8 =	vadd.f32 v17, v9;
	v16 =	vmul.f32 v21, v18;
	v17 =	vmul.f32 v21, v23;
	v18 =	vld [tilespmem:s20+$0x10]  }
0x610: {  	v9 =	vadd.f32 v10, v14;
	v14 =	vmul.f32 v40, v24;
	v19 =	vmul.f32 v40, v25;
	v21 =	vld [tilespmem:s20+$0xFFFFFFA0]  }
0x611: {  	v10 =	vadd.f32 v12, v22;
	v22 =	vmul.f32 v20, v26;
	v20 =	vmul.f32 v20, v27;
	v23 =	vld [tilespmem:s20+$0x20]  }
0x612: {  	v24 =	vld.idx.msk [tilespmem:v13+s5+$0x0], $0xffff;
	v12 =	vadd.f32 v14, v16;
	v14 =	vmul.f32 v38, v28;
	v16 =	vmul.f32 v38, v29  }
0x613: {  	v25 =	vld.idx.msk [tilespmem:v13+s6+$0x0], $0xffff;
	v13 =	vadd.f32 v19, v17;
	v17 =	vmul.f32 v15, v30;
	v19 =	vmul.f32 v15, v31  }
0x614: {  	v29 =	vld.idx.msk [tilespmem:v3+s5+$0x0], $0xffff;
	v14 =	vadd.f32 v14, v22;
	v22 =	vmul.f32 v18, v32;
	v18 =	vmul.f32 v18, v33  }
0x615: {  	v15 =	vadd.f32 v16, v20;
	v33 =	vld.idx.msk [tilespmem:v3+s6+$0x0], $0xffff;
	v26 =	vmul.f32 v21, v34;
	v21 =	vmul.f32 v21, v35  }
0x616: {  	v3 =	vld.idx.msk [tilespmem:v0+s5+$0x0], $0xffff;
	v16 =	vadd.f32 v22, v17;
	v22 =	vmul.f32 v23, v36;
	v23 =	vmul.f32 v23, v37  }
0x617: {  	v17 =	vadd.f32 v18, v19;
	v20 =	vld.idx.msk [tilespmem:v0+s6+$0x0], $0xffff  }
0x618: {  	v0 =	vld.idx.msk [tilespmem:v1+s5+$0x0], $0xffff;
	v18 =	vadd.f32 v22, v26;
	v19 =	vadd.f32 v23, v21  }
0x619: {  	v23 =	vld.idx.msk [tilespmem:v1+s6+$0x0], $0xffff  }
0x61a: {  	v1 =	vld.idx.msk [tilespmem:v2+s5+$0x0], $0xffff  }
0x61b: {  	v21 =	vld.idx.msk [tilespmem:v2+s6+$0x0], $0xffff  }
0x61c: {  	v2 =	vld.idx.msk [tilespmem:v4+s5+$0x0], $0xffff  }
0x61d: {  	v22 =	vld.idx.msk [tilespmem:v4+s6+$0x0], $0xffff  }
0x61e: {  	v4 =	vld.idx.msk [tilespmem:v5+s5+$0x0], $0xffff  }
0x61f: {  	v5 =	vld.idx.msk [tilespmem:v5+s6+$0x0], $0xffff  }
0x620: {  	v30 =	vld [tilespmem:s20+$0x40]  }
0x621: {  	v34 =	vld [tilespmem:s20+$0x50]  }
.Ltmp7:
0x622: {  	v28 =	vld [tilespmem:s20+$0x60];
	(pc) =	sbr.rel @p0 .LBB2_16-.Ltmp7, $4  }
0x623: {  	v27 =	vld [tilespmem:s20+$0x70]  }
0x624: {  	v26 =	vld [tilespmem:s20+$0x80]  }
0x625: {  	v32 =	vmul.f32 v30, v24;
	v31 =	vmul.f32 v30, v25;
	v25 =	vld [tilespmem:s20+$0x90]  }
0x626: {  	s24 =	sadd.s32 $0x80, s24;
	v30 =	vmul.f32 v34, v29;
	v29 =	vmul.f32 v34, v33;
	v24 =	vld [tilespmem:s20+$0xA0]  }
0x627: {  	v6 =	vadd.f32 v32, v6  }
0x628: {  	v11 =	vadd.f32 v31, v11  }
0x629: {  	v3 =	vmul.f32 v28, v3;
	v57 =	vadd.f32 v30, v7;
	[tilespmem:s22+$0xFFFFFF80] =	vst v6  }
0x62a: {  	v58 =	vmul.f32 v28, v20;
	v8 =	vadd.f32 v29, v8;
	[tilespmem:s22+$0x0] =	vst v11  }
0x62b: {  	v0 =	vmul.f32 v27, v0;
	v3 =	vadd.f32 v3, v9;
	[tilespmem:s22+$0xFFFFFF90] =	vst v57  }
0x62c: {  	v59 =	vmul.f32 v27, v23;
	v7 =	vadd.f32 v58, v10;
	[tilespmem:s22+$0x10] =	vst v8  }
0x62d: {  	v1 =	vmul.f32 v26, v1;
	v0 =	vadd.f32 v0, v12;
	[tilespmem:s22+$0xFFFFFFA0] =	vst v3  }
0x62e: {  	v60 =	vmul.f32 v26, v21;
	v6 =	vadd.f32 v59, v13;
	[tilespmem:s22+$0x20] =	vst v7  }
0x62f: {  	v2 =	vmul.f32 v25, v2;
	v1 =	vadd.f32 v1, v14;
	[tilespmem:s22+$0xFFFFFFB0] =	vst v0  }
0x630: {  	v61 =	vmul.f32 v25, v22;
	v3 =	vadd.f32 v60, v15;
	[tilespmem:s22+$0x30] =	vst v6  }
0x631: {  	v4 =	vmul.f32 v24, v4;
	v2 =	vadd.f32 v2, v16;
	[tilespmem:s22+$0xFFFFFFC0] =	vst v1  }
0x632: {  	v62 =	vmul.f32 v24, v5;
	v0 =	vadd.f32 v61, v17;
	[tilespmem:s22+$0x40] =	vst v3  }
0x633: {  	v63 =	vadd.f32 v4, v18;
	[tilespmem:s22+$0xFFFFFFD0] =	vst v2  }
0x634: {  	v1 =	vadd.f32 v62, v19;
	[tilespmem:s22+$0x50] =	vst v0  }
0x635: {  	[tilespmem:s22+$0xFFFFFFE0] =	vst v63  }
0x636: {  	s19 =	sadd.s32 $0x1, s19;
	[tilespmem:s22+$0x60] =	vst v1  }
0x637: {  	[hbm4b:s26+s16] =	stream.linear.scatter [tilespmem:s15], [sflag:$0x4], $0x2000, $0x38;
	[tilespmem:$0xE700] =	vst v63  }
0x638: {  	p0 =	sne.s32 s19, s1;
	_ =	swait.ge [sflag:s17], $0x2000  }
.Ltmp8:
0x639: {  	[sflag:s17] =	ssyncset.done $0x0;
	(pc) =	sbr.rel @p0 .LBB2_1-.Ltmp8, $4  }
0x63a: {  	[sflag:s17] =	ssyncadd.s32 $0xFFFFE000  }
0x63b: {  	_ =	swait.ge [sflag:s18], $0x2000  }
0x63c: {  	[sflag:s18] =	ssyncset.done $0x0  }
0x63d: {  	[sflag:s18] =	ssyncadd.s32 $0xFFFFE000  }
0x63e: {  	_ =	sfence.sel $0x180000  }
0x63f: {  	[bflag:$0x0] =	sbarrier.arrive $0xFFFF  }
0x640: {  	_ =	strace $0x90000047  }
0x641: {  	s0 =	stileid.u32;
	[bflag:$0x2] =	sbarrier.arrive $0xFFFF  }
0x642: {  	p0 =	sne.s32 s0, $0x0;
	s0 =	rddreg [dreg:$0x3]  }
0x643: {  	s0 =	sadd.s32 @!p0 $0x100000, s0  }
0x644: {  	[sflag:s0] =	ssyncadd.tile.s32 @!p0 $0x1;
	_ =	shalt  }
.Lfunc_end2:
_tile_overlayer_lowered:
.L_overlay_start_2:
0x645: {  	(tag) =	ssettag $0x2  }
0x646: {  	s0 =	rddreg [dreg:$0x0];
	s2 =	stileid.u32  }
0x647: {  	s1 =	rddreg [dreg:$0x1];
	p0 =	sne.s32 s2, $0x0  }
0x648: {  	s3 =	rddreg [dreg:$0x2];
	[bflag:$0x3] =	sbarrier.arrive $0xFFFF;
	s2 =	simm.s32 @!p0 $0x1C06  }
0x649: {  	[timem:s3], [sflag:s2] =	dma.local @!p0 [hbm:s0], s1  }
0x64a: {  	s0 =	simm.s32 @!p0 $0x6  }
0x64b: {  	_ =	swait.ge @!p0 [sflag:s0], s1  }
0x64c: {  	s1 =	ssub.s32 @!p0 $0x0, s1;
	[sflag:s0] =	ssyncset.done @!p0 $0x0  }
0x64d: {  	[sflag:s0] =	ssyncadd.s32 @!p0 s1  }
0x64e: {  	[bflag:$0x3] =	sbarrier.arrive $0xFFFF  }
0x64f: {  	_ =	shalt  }

</sc_bundles>
